<compile_context>
chip_gen: v7x
topology: tpu7x:2x2x1
jax: 0.10.2.dev20260603
libtpu: 0.0.44.dev20260713+nightly
codegen_flags: <defaults>
</compile_context>

<pallas_src>
import functools

import jax
import jax.numpy as jnp
from jax import lax
from jax.experimental import pallas as pl
from jax.experimental.pallas import tpu as pltpu
from jax.experimental.pallas import tpu_sc as plsc

_NC = 2
_NS = 16
_NW = _NC * _NS
_L = 16
_COLS = 2048 // _NW
_KG = _COLS // _L
_R = 256
_UNROLL = 16


def _sc_body(f_hbm, l_hbm, c_hbm, out_hbm, cbuf, fbuf, lbuf, stage, fsem, lsem):
    wid = lax.axis_index("s") * _NC + lax.axis_index("c")
    col0 = wid * _COLS
    nrows = f_hbm.shape[0]
    nchunk = nrows // _R

    pltpu.sync_copy(c_hbm.at[:, pl.ds(col0, _COLS)], cbuf)

    def _issue(t, b):
        pltpu.make_async_copy(
            f_hbm.at[pl.ds(t * _R, _R), pl.ds(col0, _COLS)],
            fbuf.at[b], fsem.at[b]).start()
        pltpu.make_async_copy(
            l_hbm.at[pl.ds(t * _R, _R)], lbuf.at[b], lsem.at[b]).start()

    def _wait(b):
        pltpu.make_async_copy(
            f_hbm.at[pl.ds(0, _R), pl.ds(col0, _COLS)],
            fbuf.at[b], fsem.at[b]).wait()
        pltpu.make_async_copy(
            l_hbm.at[pl.ds(0, _R)], lbuf.at[b], lsem.at[b]).wait()

    _issue(0, 0)
    _issue(1, 1)

    def _chunk(i, acc):
        for b in range(2):
            t = 2 * i + b
            _wait(b)

            def _rows(j, acc_in):
                accs = list(acc_in)
                lv = lbuf[b, pl.ds(j * _UNROLL, _L)]
                for u in range(_UNROLL):
                    r = j * _UNROLL + u
                    lab = lv[u]
                    for k in range(_KG):
                        cv = cbuf[lab, pl.ds(k * _L, _L)]
                        fv = fbuf[b, r, pl.ds(k * _L, _L)]
                        d = fv - cv
                        accs[k] = accs[k] + d * d
                return tuple(accs)

            acc = lax.fori_loop(0, _R // _UNROLL, _rows, acc)

            @pl.when(t + 2 < nchunk)
            def _():
                _issue(t + 2, b)
        return acc

    zero = jnp.zeros((_L,), jnp.float32)
    acc = lax.fori_loop(0, nchunk // 2, _chunk, (zero,) * _KG)

    stage[...] = acc[0] + acc[1] + acc[2] + acc[3]
    pltpu.sync_copy(stage, out_hbm.at[wid])


def _sc_loss_partials(features, labels, centers):
    mesh = plsc.VectorSubcoreMesh(
        core_axis_name="c", subcore_axis_name="s",
        num_cores=_NC, num_subcores=_NS)
    nclass = centers.shape[0]
    run = pl.kernel(
        _sc_body,
        out_type=jax.ShapeDtypeStruct((_NW, _L), jnp.float32),
        mesh=mesh,
        scratch_types=[
            pltpu.VMEM((nclass, _COLS), jnp.float32),
            pltpu.VMEM((2, _R, _COLS), jnp.float32),
            pltpu.VMEM((2, _R), jnp.int32),
            pltpu.VMEM((_L,), jnp.float32),
            pltpu.SemaphoreType.DMA((2,)),
            pltpu.SemaphoreType.DMA((2,)),
        ],
        compiler_params=pltpu.CompilerParams(use_tc_tiling_on_sc=False),
    )
    return run(features, labels, centers)


_BB = 1024
_CPAD = 1024


def _tc_block_kernel(lab_ref, f_ref, c_ref, out_ref):
    i = pl.program_id(0)
    lab = lab_ref[0]
    col = jax.lax.broadcasted_iota(jnp.int32, (_BB, _CPAD), 1)
    onehot = (col == lab).astype(jnp.bfloat16)
    bc = jnp.dot(onehot, c_ref[...], preferred_element_type=jnp.float32)
    d = f_ref[...] - bc
    part = jnp.sum(d * d, keepdims=True)

    @pl.when(i == 0)
    def _init():
        out_ref[...] = jnp.zeros((1, 1), jnp.float32)

    out_ref[...] += part


def _tc_loss_sum(features, labels, centers, row0):
    nrows, feat = features.shape
    nclass = centers.shape[0]
    g = (nrows - row0) // _BB
    g0 = row0 // _BB
    lab3 = labels.reshape(nrows // _BB, _BB, 1)
    cpad = jnp.pad(centers, ((0, _CPAD - nclass), (0, 0))).astype(jnp.bfloat16)
    total = pl.pallas_call(
        _tc_block_kernel,
        grid=(g,),
        in_specs=[
            pl.BlockSpec((1, _BB, 1), lambda i: (i + g0, 0, 0)),
            pl.BlockSpec((_BB, feat), lambda i: (i + g0, 0)),
            pl.BlockSpec((_CPAD, feat), lambda i: (0, 0)),
        ],
        out_specs=pl.BlockSpec((1, 1), lambda i: (0, 0)),
        out_shape=jax.ShapeDtypeStruct((1, 1), jnp.float32),
    )(lab3, features, cpad)
    return total[0, 0]


_SC_ROWS = 6144


def kernel(features, labels, centers):
    batch = features.shape[0]
    labels = labels.astype(jnp.int32)
    sc_part = _sc_loss_partials(features[:_SC_ROWS], labels[:_SC_ROWS], centers)
    tc_part = _tc_loss_sum(features, labels, centers, _SC_ROWS)
    return (0.5 / batch) * (jnp.sum(sc_part) + tc_part)

# --- scband reference (transcript-rebuilt; emitter-appended) ---
"""Pipeline reference for scband-center-loss-63453846831425 (READ-ONLY COPY).

The authoritative reference and input builder live on the scoring server;
editing this copy changes nothing except your own understanding.
"""

import jax, jax.numpy as jnp
import numpy as np

NUM_CLASSES = 1000
FEAT_DIM = 2048
BATCH = 16384

def setup_inputs(seed: int = 0) -> dict:
    key = jax.random.key(seed)
    k1, k2, k3 = jax.random.split(key, 3)
    features = jax.random.normal(k1, (BATCH, FEAT_DIM), dtype=jnp.float32)
    labels = jax.random.randint(k2, (BATCH,), 0, NUM_CLASSES, dtype=jnp.int64)
    centers = jax.random.normal(k3, (NUM_CLASSES, FEAT_DIM), dtype=jnp.float32)
    return {"features": features, "labels": labels, "centers": centers}

def reference(features, labels, centers):
    batch_centers = jnp.take(centers, labels, axis=0)
    diff = features - batch_centers
    loss = 0.5 * jnp.sum(diff ** 2) / features.shape[0]
    return loss

if __name__ == "__main__":
    import jax
    _d = setup_inputs()
    print(jax.jit(kernel)(*tuple(_d.values())))

</pallas_src>

<mosaic_0001>
#map = affine_map<(d0, d1) -> (0, 0)>
#map1 = affine_map<(d0, d1) -> (0)>
module attributes {stable_mosaic.version = 14 : i64} {
  func.func @_sc_body(%arg0: i32, %arg1: i32, %arg2: memref<6144x2048xf32, #tpu.memory_space<hbm>>, %arg3: memref<6144xi32, #tpu.memory_space<hbm>>, %arg4: memref<1000x2048xf32, #tpu.memory_space<hbm>>, %arg5: memref<32x16xf32, #tpu.memory_space<hbm>>, %arg6: memref<1000x64xf32, #tpu.memory_space<vmem>>, %arg7: memref<2x256x64xf32, #tpu.memory_space<vmem>>, %arg8: memref<2x256xi32, #tpu.memory_space<vmem>>, %arg9: memref<16xf32, #tpu.memory_space<vmem>>, %arg10: memref<2x!tpu.dma_semaphore, #tpu.memory_space<semaphore_mem>>, %arg11: memref<2x!tpu.dma_semaphore, #tpu.memory_space<semaphore_mem>>) attributes {dimension_semantics = [#tpu.dimension_semantics<core_parallel>, #tpu.dimension_semantics<subcore_parallel>], iteration_bounds = array<i64: 2, 16>, scalar_prefetch = 0 : i64, scratch_operands = 6 : i64, tpu.core_type = #tpu.core_type<sc_vector_subcore>, window_params = [{transform_indices = #map}, {transform_indices = #map1}, {transform_indices = #map}, {transform_indices = #map}]} {
    %mul3A = arith.constant 2 : i32
    %mul3A_0 = arith.muli %arg1, %mul3A : i32
    %add3A = arith.addi %mul3A_0, %arg0 : i32
    %mul3A_1 = arith.constant 64 : i32
    %mul3A_2 = arith.muli %add3A, %mul3A_1 : i32
    "tpu.region"() ({
      %run_scoped3A = tpu.sem_alloc : memref<!tpu.dma_semaphore, #tpu.memory_space<semaphore_mem>>
      %dma_start3A_74 = arith.constant 0 : i32
      %dma_start3A_75 = tpu.memref_slice %arg4[%dma_start3A_74, %mul3A_2] : memref<1000x2048xf32, #tpu.memory_space<hbm>> -> memref<1000x64xf32, #tpu.memory_space<hbm>>
      %dma_start3A_76 = arith.constant 0 : i32
      %dma_start3A_77 = tpu.memref_slice %arg4[%dma_start3A_76, %mul3A_2] : memref<1000x2048xf32, #tpu.memory_space<hbm>> -> memref<1000x64xf32, #tpu.memory_space<hbm>>
      tpu.enqueue_dma source(%dma_start3A_77 : memref<1000x64xf32, #tpu.memory_space<hbm>>) target(%arg6 : memref<1000x64xf32, #tpu.memory_space<vmem>>) target_semaphore(%run_scoped3A : memref<!tpu.dma_semaphore, #tpu.memory_space<semaphore_mem>>)
      %dma_wait3A = arith.constant 0 : i32
      %dma_wait3A_78 = tpu.memref_slice %arg4[%dma_wait3A, %mul3A_2] : memref<1000x2048xf32, #tpu.memory_space<hbm>> -> memref<1000x64xf32, #tpu.memory_space<hbm>>
      %dma_wait3A_79 = arith.constant 0 : i32
      %dma_wait3A_80 = tpu.memref_slice %arg4[%dma_wait3A_79, %mul3A_2] : memref<1000x2048xf32, #tpu.memory_space<hbm>> -> memref<1000x64xf32, #tpu.memory_space<hbm>>
      tpu.wait_dma2 semaphore(%run_scoped3A : memref<!tpu.dma_semaphore, #tpu.memory_space<semaphore_mem>>) src(%dma_wait3A_80 : memref<1000x64xf32, #tpu.memory_space<hbm>>) dst(%arg6 : memref<1000x64xf32, #tpu.memory_space<vmem>>)
      tpu.yield
    }) : () -> ()
    %dma_start3A = arith.constant 0 : i32
    %dma_start3A_3 = arith.constant 0 : i32
    %dma_start3A_4 = arith.constant 0 : i32
    %dma_start3A_5 = arith.constant 0 : i32
    %dma_start3A_6 = tpu.memref_slice %arg7[%dma_start3A, %dma_start3A_4, %dma_start3A_5] : memref<2x256x64xf32, #tpu.memory_space<vmem>> -> memref<1x256x64xf32, #tpu.memory_space<vmem>>
    %dma_start3A_7 = tpu.memref_squeeze %dma_start3A_6 : memref<1x256x64xf32, #tpu.memory_space<vmem>> -> memref<256x64xf32, #tpu.memory_space<vmem>>
    %dma_start3A_8 = arith.constant 0 : i32
    %dma_start3A_9 = tpu.memref_slice %arg2[%dma_start3A_8, %mul3A_2] : memref<6144x2048xf32, #tpu.memory_space<hbm>> -> memref<256x64xf32, #tpu.memory_space<hbm>>
    %dma_start3A_10 = tpu.memref_slice %arg10[%dma_start3A_3] : memref<2x!tpu.dma_semaphore, #tpu.memory_space<semaphore_mem>> -> memref<1x!tpu.dma_semaphore, #tpu.memory_space<semaphore_mem>>
    %dma_start3A_11 = tpu.memref_squeeze %dma_start3A_10 : memref<1x!tpu.dma_semaphore, #tpu.memory_space<semaphore_mem>> -> memref<!tpu.dma_semaphore, #tpu.memory_space<semaphore_mem>>
    %dma_start3A_12 = arith.constant 0 : i32
    %dma_start3A_13 = arith.constant 0 : i32
    %dma_start3A_14 = tpu.memref_slice %arg7[%dma_start3A, %dma_start3A_12, %dma_start3A_13] : memref<2x256x64xf32, #tpu.memory_space<vmem>> -> memref<1x256x64xf32, #tpu.memory_space<vmem>>
    %dma_start3A_15 = tpu.memref_squeeze %dma_start3A_14 : memref<1x256x64xf32, #tpu.memory_space<vmem>> -> memref<256x64xf32, #tpu.memory_space<vmem>>
    %dma_start3A_16 = arith.constant 0 : i32
    %dma_start3A_17 = tpu.memref_slice %arg2[%dma_start3A_16, %mul3A_2] : memref<6144x2048xf32, #tpu.memory_space<hbm>> -> memref<256x64xf32, #tpu.memory_space<hbm>>
    tpu.enqueue_dma source(%dma_start3A_17 : memref<256x64xf32, #tpu.memory_space<hbm>>) target(%dma_start3A_15 : memref<256x64xf32, #tpu.memory_space<vmem>>) target_semaphore(%dma_start3A_11 : memref<!tpu.dma_semaphore, #tpu.memory_space<semaphore_mem>>)
    %dma_start3A_18 = arith.constant 0 : i32
    %dma_start3A_19 = arith.constant 0 : i32
    %dma_start3A_20 = arith.constant 0 : i32
    %dma_start3A_21 = tpu.memref_slice %arg8[%dma_start3A_18, %dma_start3A_20] : memref<2x256xi32, #tpu.memory_space<vmem>> -> memref<1x256xi32, #tpu.memory_space<vmem>>
    %dma_start3A_22 = tpu.memref_squeeze %dma_start3A_21 : memref<1x256xi32, #tpu.memory_space<vmem>> -> memref<256xi32, #tpu.memory_space<vmem>>
    %dma_start3A_23 = arith.constant 0 : i32
    %dma_start3A_24 = tpu.memref_slice %arg3[%dma_start3A_23] : memref<6144xi32, #tpu.memory_space<hbm>> -> memref<256xi32, #tpu.memory_space<hbm>>
    %dma_start3A_25 = tpu.memref_slice %arg11[%dma_start3A_19] : memref<2x!tpu.dma_semaphore, #tpu.memory_space<semaphore_mem>> -> memref<1x!tpu.dma_semaphore, #tpu.memory_space<semaphore_mem>>
    %dma_start3A_26 = tpu.memref_squeeze %dma_start3A_25 : memref<1x!tpu.dma_semaphore, #tpu.memory_space<semaphore_mem>> -> memref<!tpu.dma_semaphore, #tpu.memory_space<semaphore_mem>>
    %dma_start3A_27 = arith.constant 0 : i32
    %dma_start3A_28 = tpu.memref_slice %arg8[%dma_start3A_18, %dma_start3A_27] : memref<2x256xi32, #tpu.memory_space<vmem>> -> memref<1x256xi32, #tpu.memory_space<vmem>>
    %dma_start3A_29 = tpu.memref_squeeze %dma_start3A_28 : memref<1x256xi32, #tpu.memory_space<vmem>> -> memref<256xi32, #tpu.memory_space<vmem>>
    %dma_start3A_30 = arith.constant 0 : i32
    %dma_start3A_31 = tpu.memref_slice %arg3[%dma_start3A_30] : memref<6144xi32, #tpu.memory_space<hbm>> -> memref<256xi32, #tpu.memory_space<hbm>>
    tpu.enqueue_dma source(%dma_start3A_31 : memref<256xi32, #tpu.memory_space<hbm>>) target(%dma_start3A_29 : memref<256xi32, #tpu.memory_space<vmem>>) target_semaphore(%dma_start3A_26 : memref<!tpu.dma_semaphore, #tpu.memory_space<semaphore_mem>>)
    %dma_start3A_32 = arith.constant 1 : i32
    %dma_start3A_33 = arith.constant 1 : i32
    %dma_start3A_34 = arith.constant 0 : i32
    %dma_start3A_35 = arith.constant 0 : i32
    %dma_start3A_36 = tpu.memref_slice %arg7[%dma_start3A_32, %dma_start3A_34, %dma_start3A_35] : memref<2x256x64xf32, #tpu.memory_space<vmem>> -> memref<1x256x64xf32, #tpu.memory_space<vmem>>
    %dma_start3A_37 = tpu.memref_squeeze %dma_start3A_36 : memref<1x256x64xf32, #tpu.memory_space<vmem>> -> memref<256x64xf32, #tpu.memory_space<vmem>>
    %dma_start3A_38 = arith.constant 256 : i32
    %dma_start3A_39 = tpu.memref_slice %arg2[%dma_start3A_38, %mul3A_2] : memref<6144x2048xf32, #tpu.memory_space<hbm>> -> memref<256x64xf32, #tpu.memory_space<hbm>>
    %dma_start3A_40 = tpu.memref_slice %arg10[%dma_start3A_33] : memref<2x!tpu.dma_semaphore, #tpu.memory_space<semaphore_mem>> -> memref<1x!tpu.dma_semaphore, #tpu.memory_space<semaphore_mem>>
    %dma_start3A_41 = tpu.memref_squeeze %dma_start3A_40 : memref<1x!tpu.dma_semaphore, #tpu.memory_space<semaphore_mem>> -> memref<!tpu.dma_semaphore, #tpu.memory_space<semaphore_mem>>
    %dma_start3A_42 = arith.constant 0 : i32
    %dma_start3A_43 = arith.constant 0 : i32
    %dma_start3A_44 = tpu.memref_slice %arg7[%dma_start3A_32, %dma_start3A_42, %dma_start3A_43] : memref<2x256x64xf32, #tpu.memory_space<vmem>> -> memref<1x256x64xf32, #tpu.memory_space<vmem>>
    %dma_start3A_45 = tpu.memref_squeeze %dma_start3A_44 : memref<1x256x64xf32, #tpu.memory_space<vmem>> -> memref<256x64xf32, #tpu.memory_space<vmem>>
    %dma_start3A_46 = arith.constant 256 : i32
    %dma_start3A_47 = tpu.memref_slice %arg2[%dma_start3A_46, %mul3A_2] : memref<6144x2048xf32, #tpu.memory_space<hbm>> -> memref<256x64xf32, #tpu.memory_space<hbm>>
    tpu.enqueue_dma source(%dma_start3A_47 : memref<256x64xf32, #tpu.memory_space<hbm>>) target(%dma_start3A_45 : memref<256x64xf32, #tpu.memory_space<vmem>>) target_semaphore(%dma_start3A_41 : memref<!tpu.dma_semaphore, #tpu.memory_space<semaphore_mem>>)
    %dma_start3A_48 = arith.constant 1 : i32
    %dma_start3A_49 = arith.constant 1 : i32
    %dma_start3A_50 = arith.constant 0 : i32
    %dma_start3A_51 = tpu.memref_slice %arg8[%dma_start3A_48, %dma_start3A_50] : memref<2x256xi32, #tpu.memory_space<vmem>> -> memref<1x256xi32, #tpu.memory_space<vmem>>
    %dma_start3A_52 = tpu.memref_squeeze %dma_start3A_51 : memref<1x256xi32, #tpu.memory_space<vmem>> -> memref<256xi32, #tpu.memory_space<vmem>>
    %dma_start3A_53 = arith.constant 256 : i32
    %dma_start3A_54 = tpu.memref_slice %arg3[%dma_start3A_53] : memref<6144xi32, #tpu.memory_space<hbm>> -> memref<256xi32, #tpu.memory_space<hbm>>
    %dma_start3A_55 = tpu.memref_slice %arg11[%dma_start3A_49] : memref<2x!tpu.dma_semaphore, #tpu.memory_space<semaphore_mem>> -> memref<1x!tpu.dma_semaphore, #tpu.memory_space<semaphore_mem>>
    %dma_start3A_56 = tpu.memref_squeeze %dma_start3A_55 : memref<1x!tpu.dma_semaphore, #tpu.memory_space<semaphore_mem>> -> memref<!tpu.dma_semaphore, #tpu.memory_space<semaphore_mem>>
    %dma_start3A_57 = arith.constant 0 : i32
    %dma_start3A_58 = tpu.memref_slice %arg8[%dma_start3A_48, %dma_start3A_57] : memref<2x256xi32, #tpu.memory_space<vmem>> -> memref<1x256xi32, #tpu.memory_space<vmem>>
    %dma_start3A_59 = tpu.memref_squeeze %dma_start3A_58 : memref<1x256xi32, #tpu.memory_space<vmem>> -> memref<256xi32, #tpu.memory_space<vmem>>
    %dma_start3A_60 = arith.constant 256 : i32
    %dma_start3A_61 = tpu.memref_slice %arg3[%dma_start3A_60] : memref<6144xi32, #tpu.memory_space<hbm>> -> memref<256xi32, #tpu.memory_space<hbm>>
    tpu.enqueue_dma source(%dma_start3A_61 : memref<256xi32, #tpu.memory_space<hbm>>) target(%dma_start3A_59 : memref<256xi32, #tpu.memory_space<vmem>>) target_semaphore(%dma_start3A_56 : memref<!tpu.dma_semaphore, #tpu.memory_space<semaphore_mem>>)
    %broadcast_in_dim3A = arith.constant 0.000000e+00 : f32
    %broadcast_in_dim3A_62 = vector.broadcast %broadcast_in_dim3A : f32 to vector<16xf32>
    %scan3A = arith.constant 0 : i32
    %scan3A_63 = arith.constant 12 : i32
    %scan3A_64 = arith.addi %scan3A, %scan3A_63 : i32
    %scan3A_65 = arith.constant 1 : i32
    %scan3A_66:4 = scf.for %scan3A_74 = %scan3A to %scan3A_64 step %scan3A_65 iter_args(%scan3A_75 = %broadcast_in_dim3A_62, %scan3A_76 = %broadcast_in_dim3A_62, %scan3A_77 = %broadcast_in_dim3A_62, %scan3A_78 = %broadcast_in_dim3A_62) -> (vector<16xf32>, vector<16xf32>, vector<16xf32>, vector<16xf32>)  : i32 {
      %mul3A_79 = arith.constant 2 : i32
      %mul3A_80 = arith.muli %mul3A_79, %scan3A_74 : i32
      %add3A_81 = arith.constant 0 : i32
      %add3A_82 = arith.addi %mul3A_80, %add3A_81 : i32
      %dma_wait3A = arith.constant 0 : i32
      %dma_wait3A_83 = arith.constant 0 : i32
      %dma_wait3A_84 = arith.constant 0 : i32
      %dma_wait3A_85 = arith.constant 0 : i32
      %dma_wait3A_86 = tpu.memref_slice %arg7[%dma_wait3A, %dma_wait3A_84, %dma_wait3A_85] : memref<2x256x64xf32, #tpu.memory_space<vmem>> -> memref<1x256x64xf32, #tpu.memory_space<vmem>>
      %dma_wait3A_87 = tpu.memref_squeeze %dma_wait3A_86 : memref<1x256x64xf32, #tpu.memory_space<vmem>> -> memref<256x64xf32, #tpu.memory_space<vmem>>
      %dma_wait3A_88 = arith.constant 0 : i32
      %dma_wait3A_89 = tpu.memref_slice %arg2[%dma_wait3A_88, %mul3A_2] : memref<6144x2048xf32, #tpu.memory_space<hbm>> -> memref<256x64xf32, #tpu.memory_space<hbm>>
      %dma_wait3A_90 = tpu.memref_slice %arg10[%dma_wait3A_83] : memref<2x!tpu.dma_semaphore, #tpu.memory_space<semaphore_mem>> -> memref<1x!tpu.dma_semaphore, #tpu.memory_space<semaphore_mem>>
      %dma_wait3A_91 = tpu.memref_squeeze %dma_wait3A_90 : memref<1x!tpu.dma_semaphore, #tpu.memory_space<semaphore_mem>> -> memref<!tpu.dma_semaphore, #tpu.memory_space<semaphore_mem>>
      %dma_wait3A_92 = arith.constant 0 : i32
      %dma_wait3A_93 = arith.constant 0 : i32
      %dma_wait3A_94 = tpu.memref_slice %arg7[%dma_wait3A, %dma_wait3A_92, %dma_wait3A_93] : memref<2x256x64xf32, #tpu.memory_space<vmem>> -> memref<1x256x64xf32, #tpu.memory_space<vmem>>
      %dma_wait3A_95 = tpu.memref_squeeze %dma_wait3A_94 : memref<1x256x64xf32, #tpu.memory_space<vmem>> -> memref<256x64xf32, #tpu.memory_space<vmem>>
      %dma_wait3A_96 = arith.constant 0 : i32
      %dma_wait3A_97 = tpu.memref_slice %arg2[%dma_wait3A_96, %mul3A_2] : memref<6144x2048xf32, #tpu.memory_space<hbm>> -> memref<256x64xf32, #tpu.memory_space<hbm>>
      tpu.wait_dma2 semaphore(%dma_wait3A_91 : memref<!tpu.dma_semaphore, #tpu.memory_space<semaphore_mem>>) src(%dma_wait3A_97 : memref<256x64xf32, #tpu.memory_space<hbm>>) dst(%dma_wait3A_95 : memref<256x64xf32, #tpu.memory_space<vmem>>)
      %dma_wait3A_98 = arith.constant 0 : i32
      %dma_wait3A_99 = arith.constant 0 : i32
      %dma_wait3A_100 = arith.constant 0 : i32
      %dma_wait3A_101 = tpu.memref_slice %arg8[%dma_wait3A_98, %dma_wait3A_100] : memref<2x256xi32, #tpu.memory_space<vmem>> -> memref<1x256xi32, #tpu.memory_space<vmem>>
      %dma_wait3A_102 = tpu.memref_squeeze %dma_wait3A_101 : memref<1x256xi32, #tpu.memory_space<vmem>> -> memref<256xi32, #tpu.memory_space<vmem>>
      %dma_wait3A_103 = arith.constant 0 : i32
      %dma_wait3A_104 = tpu.memref_slice %arg3[%dma_wait3A_103] : memref<6144xi32, #tpu.memory_space<hbm>> -> memref<256xi32, #tpu.memory_space<hbm>>
      %dma_wait3A_105 = tpu.memref_slice %arg11[%dma_wait3A_99] : memref<2x!tpu.dma_semaphore, #tpu.memory_space<semaphore_mem>> -> memref<1x!tpu.dma_semaphore, #tpu.memory_space<semaphore_mem>>
      %dma_wait3A_106 = tpu.memref_squeeze %dma_wait3A_105 : memref<1x!tpu.dma_semaphore, #tpu.memory_space<semaphore_mem>> -> memref<!tpu.dma_semaphore, #tpu.memory_space<semaphore_mem>>
      %dma_wait3A_107 = arith.constant 0 : i32
      %dma_wait3A_108 = tpu.memref_slice %arg8[%dma_wait3A_98, %dma_wait3A_107] : memref<2x256xi32, #tpu.memory_space<vmem>> -> memref<1x256xi32, #tpu.memory_space<vmem>>
      %dma_wait3A_109 = tpu.memref_squeeze %dma_wait3A_108 : memref<1x256xi32, #tpu.memory_space<vmem>> -> memref<256xi32, #tpu.memory_space<vmem>>
      %dma_wait3A_110 = arith.constant 0 : i32
      %dma_wait3A_111 = tpu.memref_slice %arg3[%dma_wait3A_110] : memref<6144xi32, #tpu.memory_space<hbm>> -> memref<256xi32, #tpu.memory_space<hbm>>
      tpu.wait_dma2 semaphore(%dma_wait3A_106 : memref<!tpu.dma_semaphore, #tpu.memory_space<semaphore_mem>>) src(%dma_wait3A_111 : memref<256xi32, #tpu.memory_space<hbm>>) dst(%dma_wait3A_109 : memref<256xi32, #tpu.memory_space<vmem>>)
      %scan3A_112 = arith.constant 0 : i32
      %scan3A_113 = arith.constant 16 : i32
      %scan3A_114 = arith.addi %scan3A_112, %scan3A_113 : i32
      %scan3A_115 = arith.constant 1 : i32
      %scan3A_116:4 = scf.for %scan3A_169 = %scan3A_112 to %scan3A_114 step %scan3A_115 iter_args(%scan3A_170 = %scan3A_75, %scan3A_171 = %scan3A_76, %scan3A_172 = %scan3A_77, %scan3A_173 = %scan3A_78) -> (vector<16xf32>, vector<16xf32>, vector<16xf32>, vector<16xf32>)  : i32 {
        %mul3A_174 = arith.constant 16 : i32
        %mul3A_175 = arith.muli %scan3A_169, %mul3A_174 : i32
        %get3A = arith.constant 0 : i32
        %get3A_176 = arith.index_cast %get3A : i32 to index
        %get3A_177 = arith.index_cast %mul3A_175 : i32 to index
        %get3A_178 = tpu.vector_load %arg8[%get3A_176, %get3A_177] {strides = array<i32>} : memref<2x256xi32, #tpu.memory_space<vmem>>, vector<1x16xi32>,
        %get3A_179 = vector.shape_cast %get3A_178 : vector<1x16xi32> to vector<16xi32>
        %mul3A_180 = arith.constant 16 : i32
        %mul3A_181 = arith.muli %scan3A_169, %mul3A_180 : i32
        %add3A_182 = arith.constant 0 : i32
        %add3A_183 = arith.addi %mul3A_181, %add3A_182 : i32
        %slice3A = vector.extract_strided_slice %get3A_179 {offsets = [0], sizes = [1], strides = [1]} : vector<16xi32> to vector<1xi32>
        %squeeze3A = vector.extract %slice3A[0] : i32 from vector<1xi32>
        %get3A_184 = arith.index_cast %squeeze3A : i32 to index
        %get3A_185 = arith.constant 0 : index
        %get3A_186 = tpu.vector_load %arg6[%get3A_184, %get3A_185] {strides = array<i32>} : memref<1000x64xf32, #tpu.memory_space<vmem>>, vector<1x16xf32>,
        %get3A_187 = vector.shape_cast %get3A_186 : vector<1x16xf32> to vector<16xf32>
        %get3A_188 = arith.constant 0 : i32
        %get3A_189 = arith.index_cast %get3A_188 : i32 to index
        %get3A_190 = arith.index_cast %add3A_183 : i32 to index
        %get3A_191 = arith.constant 0 : index
        %get3A_192 = tpu.vector_load %arg7[%get3A_189, %get3A_190, %get3A_191] {strides = array<i32>} : memref<2x256x64xf32, #tpu.memory_space<vmem>>, vector<1x1x16xf32>,
        %get3A_193 = vector.shape_cast %get3A_192 : vector<1x1x16xf32> to vector<16xf32>
        %sub3A = arith.subf %get3A_193, %get3A_187 : vector<16xf32>
        %mul3A_194 = arith.mulf %sub3A, %sub3A : vector<16xf32>
        %add3A_195 = arith.addf %scan3A_170, %mul3A_194 : vector<16xf32>
        %get3A_196 = arith.index_cast %squeeze3A : i32 to index
        %get3A_197 = arith.constant 16 : index
        %get3A_198 = tpu.vector_load %arg6[%get3A_196, %get3A_197] {strides = array<i32>} : memref<1000x64xf32, #tpu.memory_space<vmem>>, vector<1x16xf32>,
        %get3A_199 = vector.shape_cast %get3A_198 : vector<1x16xf32> to vector<16xf32>
        %get3A_200 = arith.constant 0 : i32
        %get3A_201 = arith.index_cast %get3A_200 : i32 to index
        %get3A_202 = arith.index_cast %add3A_183 : i32 to index
        %get3A_203 = arith.constant 16 : index
        %get3A_204 = tpu.vector_load %arg7[%get3A_201, %get3A_202, %get3A_203] {strides = array<i32>} : memref<2x256x64xf32, #tpu.memory_space<vmem>>, vector<1x1x16xf32>,
        %get3A_205 = vector.shape_cast %get3A_204 : vector<1x1x16xf32> to vector<16xf32>
        %sub3A_206 = arith.subf %get3A_205, %get3A_199 : vector<16xf32>
        %mul3A_207 = arith.mulf %sub3A_206, %sub3A_206 : vector<16xf32>
        %add3A_208 = arith.addf %scan3A_171, %mul3A_207 : vector<16xf32>
        %get3A_209 = arith.index_cast %squeeze3A : i32 to index
        %get3A_210 = arith.constant 32 : index
        %get3A_211 = tpu.vector_load %arg6[%get3A_209, %get3A_210] {strides = array<i32>} : memref<1000x64xf32, #tpu.memory_space<vmem>>, vector<1x16xf32>,
        %get3A_212 = vector.shape_cast %get3A_211 : vector<1x16xf32> to vector<16xf32>
        %get3A_213 = arith.constant 0 : i32
        %get3A_214 = arith.index_cast %get3A_213 : i32 to index
        %get3A_215 = arith.index_cast %add3A_183 : i32 to index
        %get3A_216 = arith.constant 32 : index
        %get3A_217 = tpu.vector_load %arg7[%get3A_214, %get3A_215, %get3A_216] {strides = array<i32>} : memref<2x256x64xf32, #tpu.memory_space<vmem>>, vector<1x1x16xf32>,
        %get3A_218 = vector.shape_cast %get3A_217 : vector<1x1x16xf32> to vector<16xf32>
        %sub3A_219 = arith.subf %get3A_218, %get3A_212 : vector<16xf32>
        %mul3A_220 = arith.mulf %sub3A_219, %sub3A_219 : vector<16xf32>
        %add3A_221 = arith.addf %scan3A_172, %mul3A_220 : vector<16xf32>
        %get3A_222 = arith.index_cast %squeeze3A : i32 to index
        %get3A_223 = arith.constant 48 : index
        %get3A_224 = tpu.vector_load %arg6[%get3A_222, %get3A_223] {strides = array<i32>} : memref<1000x64xf32, #tpu.memory_space<vmem>>, vector<1x16xf32>,
        %get3A_225 = vector.shape_cast %get3A_224 : vector<1x16xf32> to vector<16xf32>
        %get3A_226 = arith.constant 0 : i32
        %get3A_227 = arith.index_cast %get3A_226 : i32 to index
        %get3A_228 = arith.index_cast %add3A_183 : i32 to index
        %get3A_229 = arith.constant 48 : index
        %get3A_230 = tpu.vector_load %arg7[%get3A_227, %get3A_228, %get3A_229] {strides = array<i32>} : memref<2x256x64xf32, #tpu.memory_space<vmem>>, vector<1x1x16xf32>,
        %get3A_231 = vector.shape_cast %get3A_230 : vector<1x1x16xf32> to vector<16xf32>
        %sub3A_232 = arith.subf %get3A_231, %get3A_225 : vector<16xf32>
        %mul3A_233 = arith.mulf %sub3A_232, %sub3A_232 : vector<16xf32>
        %add3A_234 = arith.addf %scan3A_173, %mul3A_233 : vector<16xf32>
        %mul3A_235 = arith.constant 16 : i32
        %mul3A_236 = arith.muli %scan3A_169, %mul3A_235 : i32
        %add3A_237 = arith.constant 1 : i32
        %add3A_238 = arith.addi %mul3A_236, %add3A_237 : i32
        %slice3A_239 = vector.extract_strided_slice %get3A_179 {offsets = [1], sizes = [1], strides = [1]} : vector<16xi32> to vector<1xi32>
        %squeeze3A_240 = vector.extract %slice3A_239[0] : i32 from vector<1xi32>
        %get3A_241 = arith.index_cast %squeeze3A_240 : i32 to index
        %get3A_242 = arith.constant 0 : index
        %get3A_243 = tpu.vector_load %arg6[%get3A_241, %get3A_242] {strides = array<i32>} : memref<1000x64xf32, #tpu.memory_space<vmem>>, vector<1x16xf32>,
        %get3A_244 = vector.shape_cast %get3A_243 : vector<1x16xf32> to vector<16xf32>
        %get3A_245 = arith.constant 0 : i32
        %get3A_246 = arith.index_cast %get3A_245 : i32 to index
        %get3A_247 = arith.index_cast %add3A_238 : i32 to index
        %get3A_248 = arith.constant 0 : index
        %get3A_249 = tpu.vector_load %arg7[%get3A_246, %get3A_247, %get3A_248] {strides = array<i32>} : memref<2x256x64xf32, #tpu.memory_space<vmem>>, vector<1x1x16xf32>,
        %get3A_250 = vector.shape_cast %get3A_249 : vector<1x1x16xf32> to vector<16xf32>
        %sub3A_251 = arith.subf %get3A_250, %get3A_244 : vector<16xf32>
        %mul3A_252 = arith.mulf %sub3A_251, %sub3A_251 : vector<16xf32>
        %add3A_253 = arith.addf %add3A_195, %mul3A_252 : vector<16xf32>
        %get3A_254 = arith.index_cast %squeeze3A_240 : i32 to index
        %get3A_255 = arith.constant 16 : index
        %get3A_256 = tpu.vector_load %arg6[%get3A_254, %get3A_255] {strides = array<i32>} : memref<1000x64xf32, #tpu.memory_space<vmem>>, vector<1x16xf32>,
        %get3A_257 = vector.shape_cast %get3A_256 : vector<1x16xf32> to vector<16xf32>
        %get3A_258 = arith.constant 0 : i32
        %get3A_259 = arith.index_cast %get3A_258 : i32 to index
        %get3A_260 = arith.index_cast %add3A_238 : i32 to index
        %get3A_261 = arith.constant 16 : index
        %get3A_262 = tpu.vector_load %arg7[%get3A_259, %get3A_260, %get3A_261] {strides = array<i32>} : memref<2x256x64xf32, #tpu.memory_space<vmem>>, vector<1x1x16xf32>,
        %get3A_263 = vector.shape_cast %get3A_262 : vector<1x1x16xf32> to vector<16xf32>
        %sub3A_264 = arith.subf %get3A_263, %get3A_257 : vector<16xf32>
        %mul3A_265 = arith.mulf %sub3A_264, %sub3A_264 : vector<16xf32>
        %add3A_266 = arith.addf %add3A_208, %mul3A_265 : vector<16xf32>
        %get3A_267 = arith.index_cast %squeeze3A_240 : i32 to index
        %get3A_268 = arith.constant 32 : index
        %get3A_269 = tpu.vector_load %arg6[%get3A_267, %get3A_268] {strides = array<i32>} : memref<1000x64xf32, #tpu.memory_space<vmem>>, vector<1x16xf32>,
        %get3A_270 = vector.shape_cast %get3A_269 : vector<1x16xf32> to vector<16xf32>
        %get3A_271 = arith.constant 0 : i32
        %get3A_272 = arith.index_cast %get3A_271 : i32 to index
        %get3A_273 = arith.index_cast %add3A_238 : i32 to index
        %get3A_274 = arith.constant 32 : index
        %get3A_275 = tpu.vector_load %arg7[%get3A_272, %get3A_273, %get3A_274] {strides = array<i32>} : memref<2x256x64xf32, #tpu.memory_space<vmem>>, vector<1x1x16xf32>,
        %get3A_276 = vector.shape_cast %get3A_275 : vector<1x1x16xf32> to vector<16xf32>
        %sub3A_277 = arith.subf %get3A_276, %get3A_270 : vector<16xf32>
        %mul3A_278 = arith.mulf %sub3A_277, %sub3A_277 : vector<16xf32>
        %add3A_279 = arith.addf %add3A_221, %mul3A_278 : vector<16xf32>
        %get3A_280 = arith.index_cast %squeeze3A_240 : i32 to index
        %get3A_281 = arith.constant 48 : index
        %get3A_282 = tpu.vector_load %arg6[%get3A_280, %get3A_281] {strides = array<i32>} : memref<1000x64xf32, #tpu.memory_space<vmem>>, vector<1x16xf32>,
        %get3A_283 = vector.shape_cast %get3A_282 : vector<1x16xf32> to vector<16xf32>
        %get3A_284 = arith.constant 0 : i32
        %get3A_285 = arith.index_cast %get3A_284 : i32 to index
        %get3A_286 = arith.index_cast %add3A_238 : i32 to index
        %get3A_287 = arith.constant 48 : index
        %get3A_288 = tpu.vector_load %arg7[%get3A_285, %get3A_286, %get3A_287] {strides = array<i32>} : memref<2x256x64xf32, #tpu.memory_space<vmem>>, vector<1x1x16xf32>,
        %get3A_289 = vector.shape_cast %get3A_288 : vector<1x1x16xf32> to vector<16xf32>
        %sub3A_290 = arith.subf %get3A_289, %get3A_283 : vector<16xf32>
        %mul3A_291 = arith.mulf %sub3A_290, %sub3A_290 : vector<16xf32>
        %add3A_292 = arith.addf %add3A_234, %mul3A_291 : vector<16xf32>
        %mul3A_293 = arith.constant 16 : i32
        %mul3A_294 = arith.muli %scan3A_169, %mul3A_293 : i32
        %add3A_295 = arith.constant 2 : i32
        %add3A_296 = arith.addi %mul3A_294, %add3A_295 : i32
        %slice3A_297 = vector.extract_strided_slice %get3A_179 {offsets = [2], sizes = [1], strides = [1]} : vector<16xi32> to vector<1xi32>
        %squeeze3A_298 = vector.extract %slice3A_297[0] : i32 from vector<1xi32>
        %get3A_299 = arith.index_cast %squeeze3A_298 : i32 to index
        %get3A_300 = arith.constant 0 : index
        %get3A_301 = tpu.vector_load %arg6[%get3A_299, %get3A_300] {strides = array<i32>} : memref<1000x64xf32, #tpu.memory_space<vmem>>, vector<1x16xf32>,
        %get3A_302 = vector.shape_cast %get3A_301 : vector<1x16xf32> to vector<16xf32>
        %get3A_303 = arith.constant 0 : i32
        %get3A_304 = arith.index_cast %get3A_303 : i32 to index
        %get3A_305 = arith.index_cast %add3A_296 : i32 to index
        %get3A_306 = arith.constant 0 : index
        %get3A_307 = tpu.vector_load %arg7[%get3A_304, %get3A_305, %get3A_306] {strides = array<i32>} : memref<2x256x64xf32, #tpu.memory_space<vmem>>, vector<1x1x16xf32>,
        %get3A_308 = vector.shape_cast %get3A_307 : vector<1x1x16xf32> to vector<16xf32>
        %sub3A_309 = arith.subf %get3A_308, %get3A_302 : vector<16xf32>
        %mul3A_310 = arith.mulf %sub3A_309, %sub3A_309 : vector<16xf32>
        %add3A_311 = arith.addf %add3A_253, %mul3A_310 : vector<16xf32>
        %get3A_312 = arith.index_cast %squeeze3A_298 : i32 to index
        %get3A_313 = arith.constant 16 : index
        %get3A_314 = tpu.vector_load %arg6[%get3A_312, %get3A_313] {strides = array<i32>} : memref<1000x64xf32, #tpu.memory_space<vmem>>, vector<1x16xf32>,
        %get3A_315 = vector.shape_cast %get3A_314 : vector<1x16xf32> to vector<16xf32>
        %get3A_316 = arith.constant 0 : i32
        %get3A_317 = arith.index_cast %get3A_316 : i32 to index
        %get3A_318 = arith.index_cast %add3A_296 : i32 to index
        %get3A_319 = arith.constant 16 : index
        %get3A_320 = tpu.vector_load %arg7[%get3A_317, %get3A_318, %get3A_319] {strides = array<i32>} : memref<2x256x64xf32, #tpu.memory_space<vmem>>, vector<1x1x16xf32>,
        %get3A_321 = vector.shape_cast %get3A_320 : vector<1x1x16xf32> to vector<16xf32>
        %sub3A_322 = arith.subf %get3A_321, %get3A_315 : vector<16xf32>
        %mul3A_323 = arith.mulf %sub3A_322, %sub3A_322 : vector<16xf32>
        %add3A_324 = arith.addf %add3A_266, %mul3A_323 : vector<16xf32>
        %get3A_325 = arith.index_cast %squeeze3A_298 : i32 to index
        %get3A_326 = arith.constant 32 : index
        %get3A_327 = tpu.vector_load %arg6[%get3A_325, %get3A_326] {strides = array<i32>} : memref<1000x64xf32, #tpu.memory_space<vmem>>, vector<1x16xf32>,
        %get3A_328 = vector.shape_cast %get3A_327 : vector<1x16xf32> to vector<16xf32>
        %get3A_329 = arith.constant 0 : i32
        %get3A_330 = arith.index_cast %get3A_329 : i32 to index
        %get3A_331 = arith.index_cast %add3A_296 : i32 to index
        %get3A_332 = arith.constant 32 : index
        %get3A_333 = tpu.vector_load %arg7[%get3A_330, %get3A_331, %get3A_332] {strides = array<i32>} : memref<2x256x64xf32, #tpu.memory_space<vmem>>, vector<1x1x16xf32>,
        %get3A_334 = vector.shape_cast %get3A_333 : vector<1x1x16xf32> to vector<16xf32>
        %sub3A_335 = arith.subf %get3A_334, %get3A_328 : vector<16xf32>
        %mul3A_336 = arith.mulf %sub3A_335, %sub3A_335 : vector<16xf32>
        %add3A_337 = arith.addf %add3A_279, %mul3A_336 : vector<16xf32>
        %get3A_338 = arith.index_cast %squeeze3A_298 : i32 to index
        %get3A_339 = arith.constant 48 : index
        %get3A_340 = tpu.vector_load %arg6[%get3A_338, %get3A_339] {strides = array<i32>} : memref<1000x64xf32, #tpu.memory_space<vmem>>, vector<1x16xf32>,
        %get3A_341 = vector.shape_cast %get3A_340 : vector<1x16xf32> to vector<16xf32>
        %get3A_342 = arith.constant 0 : i32
        %get3A_343 = arith.index_cast %get3A_342 : i32 to index
        %get3A_344 = arith.index_cast %add3A_296 : i32 to index
        %get3A_345 = arith.constant 48 : index
        %get3A_346 = tpu.vector_load %arg7[%get3A_343, %get3A_344, %get3A_345] {strides = array<i32>} : memref<2x256x64xf32, #tpu.memory_space<vmem>>, vector<1x1x16xf32>,
        %get3A_347 = vector.shape_cast %get3A_346 : vector<1x1x16xf32> to vector<16xf32>
        %sub3A_348 = arith.subf %get3A_347, %get3A_341 : vector<16xf32>
        %mul3A_349 = arith.mulf %sub3A_348, %sub3A_348 : vector<16xf32>
        %add3A_350 = arith.addf %add3A_292, %mul3A_349 : vector<16xf32>
        %mul3A_351 = arith.constant 16 : i32
        %mul3A_352 = arith.muli %scan3A_169, %mul3A_351 : i32
        %add3A_353 = arith.constant 3 : i32
        %add3A_354 = arith.addi %mul3A_352, %add3A_353 : i32
        %slice3A_355 = vector.extract_strided_slice %get3A_179 {offsets = [3], sizes = [1], strides = [1]} : vector<16xi32> to vector<1xi32>
        %squeeze3A_356 = vector.extract %slice3A_355[0] : i32 from vector<1xi32>
        %get3A_357 = arith.index_cast %squeeze3A_356 : i32 to index
        %get3A_358 = arith.constant 0 : index
        %get3A_359 = tpu.vector_load %arg6[%get3A_357, %get3A_358] {strides = array<i32>} : memref<1000x64xf32, #tpu.memory_space<vmem>>, vector<1x16xf32>,
        %get3A_360 = vector.shape_cast %get3A_359 : vector<1x16xf32> to vector<16xf32>
        %get3A_361 = arith.constant 0 : i32
        %get3A_362 = arith.index_cast %get3A_361 : i32 to index
        %get3A_363 = arith.index_cast %add3A_354 : i32 to index
        %get3A_364 = arith.constant 0 : index
        %get3A_365 = tpu.vector_load %arg7[%get3A_362, %get3A_363, %get3A_364] {strides = array<i32>} : memref<2x256x64xf32, #tpu.memory_space<vmem>>, vector<1x1x16xf32>,
        %get3A_366 = vector.shape_cast %get3A_365 : vector<1x1x16xf32> to vector<16xf32>
        %sub3A_367 = arith.subf %get3A_366, %get3A_360 : vector<16xf32>
        %mul3A_368 = arith.mulf %sub3A_367, %sub3A_367 : vector<16xf32>
        %add3A_369 = arith.addf %add3A_311, %mul3A_368 : vector<16xf32>
        %get3A_370 = arith.index_cast %squeeze3A_356 : i32 to index
        %get3A_371 = arith.constant 16 : index
        %get3A_372 = tpu.vector_load %arg6[%get3A_370, %get3A_371] {strides = array<i32>} : memref<1000x64xf32, #tpu.memory_space<vmem>>, vector<1x16xf32>,
        %get3A_373 = vector.shape_cast %get3A_372 : vector<1x16xf32> to vector<16xf32>
        %get3A_374 = arith.constant 0 : i32
        %get3A_375 = arith.index_cast %get3A_374 : i32 to index
        %get3A_376 = arith.index_cast %add3A_354 : i32 to index
        %get3A_377 = arith.constant 16 : index
        %get3A_378 = tpu.vector_load %arg7[%get3A_375, %get3A_376, %get3A_377] {strides = array<i32>} : memref<2x256x64xf32, #tpu.memory_space<vmem>>, vector<1x1x16xf32>,
        %get3A_379 = vector.shape_cast %get3A_378 : vector<1x1x16xf32> to vector<16xf32>
        %sub3A_380 = arith.subf %get3A_379, %get3A_373 : vector<16xf32>
        %mul3A_381 = arith.mulf %sub3A_380, %sub3A_380 : vector<16xf32>
        %add3A_382 = arith.addf %add3A_324, %mul3A_381 : vector<16xf32>
        %get3A_383 = arith.index_cast %squeeze3A_356 : i32 to index
        %get3A_384 = arith.constant 32 : index
        %get3A_385 = tpu.vector_load %arg6[%get3A_383, %get3A_384] {strides = array<i32>} : memref<1000x64xf32, #tpu.memory_space<vmem>>, vector<1x16xf32>,
        %get3A_386 = vector.shape_cast %get3A_385 : vector<1x16xf32> to vector<16xf32>
        %get3A_387 = arith.constant 0 : i32
        %get3A_388 = arith.index_cast %get3A_387 : i32 to index
        %get3A_389 = arith.index_cast %add3A_354 : i32 to index
        %get3A_390 = arith.constant 32 : index
        %get3A_391 = tpu.vector_load %arg7[%get3A_388, %get3A_389, %get3A_390] {strides = array<i32>} : memref<2x256x64xf32, #tpu.memory_space<vmem>>, vector<1x1x16xf32>,
        %get3A_392 = vector.shape_cast %get3A_391 : vector<1x1x16xf32> to vector<16xf32>
        %sub3A_393 = arith.subf %get3A_392, %get3A_386 : vector<16xf32>
        %mul3A_394 = arith.mulf %sub3A_393, %sub3A_393 : vector<16xf32>
        %add3A_395 = arith.addf %add3A_337, %mul3A_394 : vector<16xf32>
        %get3A_396 = arith.index_cast %squeeze3A_356 : i32 to index
        %get3A_397 = arith.constant 48 : index
        %get3A_398 = tpu.vector_load %arg6[%get3A_396, %get3A_397] {strides = array<i32>} : memref<1000x64xf32, #tpu.memory_space<vmem>>, vector<1x16xf32>,
        %get3A_399 = vector.shape_cast %get3A_398 : vector<1x16xf32> to vector<16xf32>
        %get3A_400 = arith.constant 0 : i32
        %get3A_401 = arith.index_cast %get3A_400 : i32 to index
        %get3A_402 = arith.index_cast %add3A_354 : i32 to index
        %get3A_403 = arith.constant 48 : index
        %get3A_404 = tpu.vector_load %arg7[%get3A_401, %get3A_402, %get3A_403] {strides = array<i32>} : memref<2x256x64xf32, #tpu.memory_space<vmem>>, vector<1x1x16xf32>,
        %get3A_405 = vector.shape_cast %get3A_404 : vector<1x1x16xf32> to vector<16xf32>
        %sub3A_406 = arith.subf %get3A_405, %get3A_399 : vector<16xf32>
        %mul3A_407 = arith.mulf %sub3A_406, %sub3A_406 : vector<16xf32>
        %add3A_408 = arith.addf %add3A_350, %mul3A_407 : vector<16xf32>
        %mul3A_409 = arith.constant 16 : i32
        %mul3A_410 = arith.muli %scan3A_169, %mul3A_409 : i32
        %add3A_411 = arith.constant 4 : i32
        %add3A_412 = arith.addi %mul3A_410, %add3A_411 : i32
        %slice3A_413 = vector.extract_strided_slice %get3A_179 {offsets = [4], sizes = [1], strides = [1]} : vector<16xi32> to vector<1xi32>
        %squeeze3A_414 = vector.extract %slice3A_413[0] : i32 from vector<1xi32>
        %get3A_415 = arith.index_cast %squeeze3A_414 : i32 to index
        %get3A_416 = arith.constant 0 : index
        %get3A_417 = tpu.vector_load %arg6[%get3A_415, %get3A_416] {strides = array<i32>} : memref<1000x64xf32, #tpu.memory_space<vmem>>, vector<1x16xf32>,
        %get3A_418 = vector.shape_cast %get3A_417 : vector<1x16xf32> to vector<16xf32>
        %get3A_419 = arith.constant 0 : i32
        %get3A_420 = arith.index_cast %get3A_419 : i32 to index
        %get3A_421 = arith.index_cast %add3A_412 : i32 to index
        %get3A_422 = arith.constant 0 : index
        %get3A_423 = tpu.vector_load %arg7[%get3A_420, %get3A_421, %get3A_422] {strides = array<i32>} : memref<2x256x64xf32, #tpu.memory_space<vmem>>, vector<1x1x16xf32>,
        %get3A_424 = vector.shape_cast %get3A_423 : vector<1x1x16xf32> to vector<16xf32>
        %sub3A_425 = arith.subf %get3A_424, %get3A_418 : vector<16xf32>
        %mul3A_426 = arith.mulf %sub3A_425, %sub3A_425 : vector<16xf32>
        %add3A_427 = arith.addf %add3A_369, %mul3A_426 : vector<16xf32>
        %get3A_428 = arith.index_cast %squeeze3A_414 : i32 to index
        %get3A_429 = arith.constant 16 : index
        %get3A_430 = tpu.vector_load %arg6[%get3A_428, %get3A_429] {strides = array<i32>} : memref<1000x64xf32, #tpu.memory_space<vmem>>, vector<1x16xf32>,
        %get3A_431 = vector.shape_cast %get3A_430 : vector<1x16xf32> to vector<16xf32>
        %get3A_432 = arith.constant 0 : i32
        %get3A_433 = arith.index_cast %get3A_432 : i32 to index
        %get3A_434 = arith.index_cast %add3A_412 : i32 to index
        %get3A_435 = arith.constant 16 : index
        %get3A_436 = tpu.vector_load %arg7[%get3A_433, %get3A_434, %get3A_435] {strides = array<i32>} : memref<2x256x64xf32, #tpu.memory_space<vmem>>, vector<1x1x16xf32>,
        %get3A_437 = vector.shape_cast %get3A_436 : vector<1x1x16xf32> to vector<16xf32>
        %sub3A_438 = arith.subf %get3A_437, %get3A_431 : vector<16xf32>
        %mul3A_439 = arith.mulf %sub3A_438, %sub3A_438 : vector<16xf32>
        %add3A_440 = arith.addf %add3A_382, %mul3A_439 : vector<16xf32>
        %get3A_441 = arith.index_cast %squeeze3A_414 : i32 to index
        %get3A_442 = arith.constant 32 : index
        %get3A_443 = tpu.vector_load %arg6[%get3A_441, %get3A_442] {strides = array<i32>} : memref<1000x64xf32, #tpu.memory_space<vmem>>, vector<1x16xf32>,
        %get3A_444 = vector.shape_cast %get3A_443 : vector<1x16xf32> to vector<16xf32>
        %get3A_445 = arith.constant 0 : i32
        %get3A_446 = arith.index_cast %get3A_445 : i32 to index
        %get3A_447 = arith.index_cast %add3A_412 : i32 to index
        %get3A_448 = arith.constant 32 : index
        %get3A_449 = tpu.vector_load %arg7[%get3A_446, %get3A_447, %get3A_448] {strides = array<i32>} : memref<2x256x64xf32, #tpu.memory_space<vmem>>, vector<1x1x16xf32>,
        %get3A_450 = vector.shape_cast %get3A_449 : vector<1x1x16xf32> to vector<16xf32>
        %sub3A_451 = arith.subf %get3A_450, %get3A_444 : vector<16xf32>
        %mul3A_452 = arith.mulf %sub3A_451, %sub3A_451 : vector<16xf32>
        %add3A_453 = arith.addf %add3A_395, %mul3A_452 : vector<16xf32>
        %get3A_454 = arith.index_cast %squeeze3A_414 : i32 to index
        %get3A_455 = arith.constant 48 : index
        %get3A_456 = tpu.vector_load %arg6[%get3A_454, %get3A_455] {strides = array<i32>} : memref<1000x64xf32, #tpu.memory_space<vmem>>, vector<1x16xf32>,
        %get3A_457 = vector.shape_cast %get3A_456 : vector<1x16xf32> to vector<16xf32>
        %get3A_458 = arith.constant 0 : i32
        %get3A_459 = arith.index_cast %get3A_458 : i32 to index
        %get3A_460 = arith.index_cast %add3A_412 : i32 to index
        %get3A_461 = arith.constant 48 : index
        %get3A_462 = tpu.vector_load %arg7[%get3A_459, %get3A_460, %get3A_461] {strides = array<i32>} : memref<2x256x64xf32, #tpu.memory_space<vmem>>, vector<1x1x16xf32>,
        %get3A_463 = vector.shape_cast %get3A_462 : vector<1x1x16xf32> to vector<16xf32>
        %sub3A_464 = arith.subf %get3A_463, %get3A_457 : vector<16xf32>
        %mul3A_465 = arith.mulf %sub3A_464, %sub3A_464 : vector<16xf32>
        %add3A_466 = arith.addf %add3A_408, %mul3A_465 : vector<16xf32>
        %mul3A_467 = arith.constant 16 : i32
        %mul3A_468 = arith.muli %scan3A_169, %mul3A_467 : i32
        %add3A_469 = arith.constant 5 : i32
        %add3A_470 = arith.addi %mul3A_468, %add3A_469 : i32
        %slice3A_471 = vector.extract_strided_slice %get3A_179 {offsets = [5], sizes = [1], strides = [1]} : vector<16xi32> to vector<1xi32>
        %squeeze3A_472 = vector.extract %slice3A_471[0] : i32 from vector<1xi32>
        %get3A_473 = arith.index_cast %squeeze3A_472 : i32 to index
        %get3A_474 = arith.constant 0 : index
        %get3A_475 = tpu.vector_load %arg6[%get3A_473, %get3A_474] {strides = array<i32>} : memref<1000x64xf32, #tpu.memory_space<vmem>>, vector<1x16xf32>,
        %get3A_476 = vector.shape_cast %get3A_475 : vector<1x16xf32> to vector<16xf32>
        %get3A_477 = arith.constant 0 : i32
        %get3A_478 = arith.index_cast %get3A_477 : i32 to index
        %get3A_479 = arith.index_cast %add3A_470 : i32 to index
        %get3A_480 = arith.constant 0 : index
        %get3A_481 = tpu.vector_load %arg7[%get3A_478, %get3A_479, %get3A_480] {strides = array<i32>} : memref<2x256x64xf32, #tpu.memory_space<vmem>>, vector<1x1x16xf32>,
        %get3A_482 = vector.shape_cast %get3A_481 : vector<1x1x16xf32> to vector<16xf32>
        %sub3A_483 = arith.subf %get3A_482, %get3A_476 : vector<16xf32>
        %mul3A_484 = arith.mulf %sub3A_483, %sub3A_483 : vector<16xf32>
        %add3A_485 = arith.addf %add3A_427, %mul3A_484 : vector<16xf32>
        %get3A_486 = arith.index_cast %squeeze3A_472 : i32 to index
        %get3A_487 = arith.constant 16 : index
        %get3A_488 = tpu.vector_load %arg6[%get3A_486, %get3A_487] {strides = array<i32>} : memref<1000x64xf32, #tpu.memory_space<vmem>>, vector<1x16xf32>,
        %get3A_489 = vector.shape_cast %get3A_488 : vector<1x16xf32> to vector<16xf32>
        %get3A_490 = arith.constant 0 : i32
        %get3A_491 = arith.index_cast %get3A_490 : i32 to index
        %get3A_492 = arith.index_cast %add3A_470 : i32 to index
        %get3A_493 = arith.constant 16 : index
        %get3A_494 = tpu.vector_load %arg7[%get3A_491, %get3A_492, %get3A_493] {strides = array<i32>} : memref<2x256x64xf32, #tpu.memory_space<vmem>>, vector<1x1x16xf32>,
        %get3A_495 = vector.shape_cast %get3A_494 : vector<1x1x16xf32> to vector<16xf32>
        %sub3A_496 = arith.subf %get3A_495, %get3A_489 : vector<16xf32>
        %mul3A_497 = arith.mulf %sub3A_496, %sub3A_496 : vector<16xf32>
        %add3A_498 = arith.addf %add3A_440, %mul3A_497 : vector<16xf32>
        %get3A_499 = arith.index_cast %squeeze3A_472 : i32 to index
        %get3A_500 = arith.constant 32 : index
        %get3A_501 = tpu.vector_load %arg6[%get3A_499, %get3A_500] {strides = array<i32>} : memref<1000x64xf32, #tpu.memory_space<vmem>>, vector<1x16xf32>,
        %get3A_502 = vector.shape_cast %get3A_501 : vector<1x16xf32> to vector<16xf32>
        %get3A_503 = arith.constant 0 : i32
        %get3A_504 = arith.index_cast %get3A_503 : i32 to index
        %get3A_505 = arith.index_cast %add3A_470 : i32 to index
        %get3A_506 = arith.constant 32 : index
        %get3A_507 = tpu.vector_load %arg7[%get3A_504, %get3A_505, %get3A_506] {strides = array<i32>} : memref<2x256x64xf32, #tpu.memory_space<vmem>>, vector<1x1x16xf32>,
        %get3A_508 = vector.shape_cast %get3A_507 : vector<1x1x16xf32> to vector<16xf32>
        %sub3A_509 = arith.subf %get3A_508, %get3A_502 : vector<16xf32>
        %mul3A_510 = arith.mulf %sub3A_509, %sub3A_509 : vector<16xf32>
        %add3A_511 = arith.addf %add3A_453, %mul3A_510 : vector<16xf32>
        %get3A_512 = arith.index_cast %squeeze3A_472 : i32 to index
        %get3A_513 = arith.constant 48 : index
        %get3A_514 = tpu.vector_load %arg6[%get3A_512, %get3A_513] {strides = array<i32>} : memref<1000x64xf32, #tpu.memory_space<vmem>>, vector<1x16xf32>,
        %get3A_515 = vector.shape_cast %get3A_514 : vector<1x16xf32> to vector<16xf32>
        %get3A_516 = arith.constant 0 : i32
        %get3A_517 = arith.index_cast %get3A_516 : i32 to index
        %get3A_518 = arith.index_cast %add3A_470 : i32 to index
        %get3A_519 = arith.constant 48 : index
        %get3A_520 = tpu.vector_load %arg7[%get3A_517, %get3A_518, %get3A_519] {strides = array<i32>} : memref<2x256x64xf32, #tpu.memory_space<vmem>>, vector<1x1x16xf32>,
        %get3A_521 = vector.shape_cast %get3A_520 : vector<1x1x16xf32> to vector<16xf32>
        %sub3A_522 = arith.subf %get3A_521, %get3A_515 : vector<16xf32>
        %mul3A_523 = arith.mulf %sub3A_522, %sub3A_522 : vector<16xf32>
        %add3A_524 = arith.addf %add3A_466, %mul3A_523 : vector<16xf32>
        %mul3A_525 = arith.constant 16 : i32
        %mul3A_526 = arith.muli %scan3A_169, %mul3A_525 : i32
        %add3A_527 = arith.constant 6 : i32
        %add3A_528 = arith.addi %mul3A_526, %add3A_527 : i32
        %slice3A_529 = vector.extract_strided_slice %get3A_179 {offsets = [6], sizes = [1], strides = [1]} : vector<16xi32> to vector<1xi32>
        %squeeze3A_530 = vector.extract %slice3A_529[0] : i32 from vector<1xi32>
        %get3A_531 = arith.index_cast %squeeze3A_530 : i32 to index
        %get3A_532 = arith.constant 0 : index
        %get3A_533 = tpu.vector_load %arg6[%get3A_531, %get3A_532] {strides = array<i32>} : memref<1000x64xf32, #tpu.memory_space<vmem>>, vector<1x16xf32>,
        %get3A_534 = vector.shape_cast %get3A_533 : vector<1x16xf32> to vector<16xf32>
        %get3A_535 = arith.constant 0 : i32
        %get3A_536 = arith.index_cast %get3A_535 : i32 to index
        %get3A_537 = arith.index_cast %add3A_528 : i32 to index
        %get3A_538 = arith.constant 0 : index
        %get3A_539 = tpu.vector_load %arg7[%get3A_536, %get3A_537, %get3A_538] {strides = array<i32>} : memref<2x256x64xf32, #tpu.memory_space<vmem>>, vector<1x1x16xf32>,
        %get3A_540 = vector.shape_cast %get3A_539 : vector<1x1x16xf32> to vector<16xf32>
        %sub3A_541 = arith.subf %get3A_540, %get3A_534 : vector<16xf32>
        %mul3A_542 = arith.mulf %sub3A_541, %sub3A_541 : vector<16xf32>
        %add3A_543 = arith.addf %add3A_485, %mul3A_542 : vector<16xf32>
        %get3A_544 = arith.index_cast %squeeze3A_530 : i32 to index
        %get3A_545 = arith.constant 16 : index
        %get3A_546 = tpu.vector_load %arg6[%get3A_544, %get3A_545] {strides = array<i32>} : memref<1000x64xf32, #tpu.memory_space<vmem>>, vector<1x16xf32>,
        %get3A_547 = vector.shape_cast %get3A_546 : vector<1x16xf32> to vector<16xf32>
        %get3A_548 = arith.constant 0 : i32
        %get3A_549 = arith.index_cast %get3A_548 : i32 to index
        %get3A_550 = arith.index_cast %add3A_528 : i32 to index
        %get3A_551 = arith.constant 16 : index
        %get3A_552 = tpu.vector_load %arg7[%get3A_549, %get3A_550, %get3A_551] {strides = array<i32>} : memref<2x256x64xf32, #tpu.memory_space<vmem>>, vector<1x1x16xf32>,
        %get3A_553 = vector.shape_cast %get3A_552 : vector<1x1x16xf32> to vector<16xf32>
        %sub3A_554 = arith.subf %get3A_553, %get3A_547 : vector<16xf32>
        %mul3A_555 = arith.mulf %sub3A_554, %sub3A_554 : vector<16xf32>
        %add3A_556 = arith.addf %add3A_498, %mul3A_555 : vector<16xf32>
        %get3A_557 = arith.index_cast %squeeze3A_530 : i32 to index
        %get3A_558 = arith.constant 32 : index
        %get3A_559 = tpu.vector_load %arg6[%get3A_557, %get3A_558] {strides = array<i32>} : memref<1000x64xf32, #tpu.memory_space<vmem>>, vector<1x16xf32>,
        %get3A_560 = vector.shape_cast %get3A_559 : vector<1x16xf32> to vector<16xf32>
        %get3A_561 = arith.constant 0 : i32
        %get3A_562 = arith.index_cast %get3A_561 : i32 to index
        %get3A_563 = arith.index_cast %add3A_528 : i32 to index
        %get3A_564 = arith.constant 32 : index
        %get3A_565 = tpu.vector_load %arg7[%get3A_562, %get3A_563, %get3A_564] {strides = array<i32>} : memref<2x256x64xf32, #tpu.memory_space<vmem>>, vector<1x1x16xf32>,
        %get3A_566 = vector.shape_cast %get3A_565 : vector<1x1x16xf32> to vector<16xf32>
        %sub3A_567 = arith.subf %get3A_566, %get3A_560 : vector<16xf32>
        %mul3A_568 = arith.mulf %sub3A_567, %sub3A_567 : vector<16xf32>
        %add3A_569 = arith.addf %add3A_511, %mul3A_568 : vector<16xf32>
        %get3A_570 = arith.index_cast %squeeze3A_530 : i32 to index
        %get3A_571 = arith.constant 48 : index
        %get3A_572 = tpu.vector_load %arg6[%get3A_570, %get3A_571] {strides = array<i32>} : memref<1000x64xf32, #tpu.memory_space<vmem>>, vector<1x16xf32>,
        %get3A_573 = vector.shape_cast %get3A_572 : vector<1x16xf32> to vector<16xf32>
        %get3A_574 = arith.constant 0 : i32
        %get3A_575 = arith.index_cast %get3A_574 : i32 to index
        %get3A_576 = arith.index_cast %add3A_528 : i32 to index
        %get3A_577 = arith.constant 48 : index
        %get3A_578 = tpu.vector_load %arg7[%get3A_575, %get3A_576, %get3A_577] {strides = array<i32>} : memref<2x256x64xf32, #tpu.memory_space<vmem>>, vector<1x1x16xf32>,
        %get3A_579 = vector.shape_cast %get3A_578 : vector<1x1x16xf32> to vector<16xf32>
        %sub3A_580 = arith.subf %get3A_579, %get3A_573 : vector<16xf32>
        %mul3A_581 = arith.mulf %sub3A_580, %sub3A_580 : vector<16xf32>
        %add3A_582 = arith.addf %add3A_524, %mul3A_581 : vector<16xf32>
        %mul3A_583 = arith.constant 16 : i32
        %mul3A_584 = arith.muli %scan3A_169, %mul3A_583 : i32
        %add3A_585 = arith.constant 7 : i32
        %add3A_586 = arith.addi %mul3A_584, %add3A_585 : i32
        %slice3A_587 = vector.extract_strided_slice %get3A_179 {offsets = [7], sizes = [1], strides = [1]} : vector<16xi32> to vector<1xi32>
        %squeeze3A_588 = vector.extract %slice3A_587[0] : i32 from vector<1xi32>
        %get3A_589 = arith.index_cast %squeeze3A_588 : i32 to index
        %get3A_590 = arith.constant 0 : index
        %get3A_591 = tpu.vector_load %arg6[%get3A_589, %get3A_590] {strides = array<i32>} : memref<1000x64xf32, #tpu.memory_space<vmem>>, vector<1x16xf32>,
        %get3A_592 = vector.shape_cast %get3A_591 : vector<1x16xf32> to vector<16xf32>
        %get3A_593 = arith.constant 0 : i32
        %get3A_594 = arith.index_cast %get3A_593 : i32 to index
        %get3A_595 = arith.index_cast %add3A_586 : i32 to index
        %get3A_596 = arith.constant 0 : index
        %get3A_597 = tpu.vector_load %arg7[%get3A_594, %get3A_595, %get3A_596] {strides = array<i32>} : memref<2x256x64xf32, #tpu.memory_space<vmem>>, vector<1x1x16xf32>,
        %get3A_598 = vector.shape_cast %get3A_597 : vector<1x1x16xf32> to vector<16xf32>
        %sub3A_599 = arith.subf %get3A_598, %get3A_592 : vector<16xf32>
        %mul3A_600 = arith.mulf %sub3A_599, %sub3A_599 : vector<16xf32>
        %add3A_601 = arith.addf %add3A_543, %mul3A_600 : vector<16xf32>
        %get3A_602 = arith.index_cast %squeeze3A_588 : i32 to index
        %get3A_603 = arith.constant 16 : index
        %get3A_604 = tpu.vector_load %arg6[%get3A_602, %get3A_603] {strides = array<i32>} : memref<1000x64xf32, #tpu.memory_space<vmem>>, vector<1x16xf32>,
        %get3A_605 = vector.shape_cast %get3A_604 : vector<1x16xf32> to vector<16xf32>
        %get3A_606 = arith.constant 0 : i32
        %get3A_607 = arith.index_cast %get3A_606 : i32 to index
        %get3A_608 = arith.index_cast %add3A_586 : i32 to index
        %get3A_609 = arith.constant 16 : index
        %get3A_610 = tpu.vector_load %arg7[%get3A_607, %get3A_608, %get3A_609] {strides = array<i32>} : memref<2x256x64xf32, #tpu.memory_space<vmem>>, vector<1x1x16xf32>,
        %get3A_611 = vector.shape_cast %get3A_610 : vector<1x1x16xf32> to vector<16xf32>
        %sub3A_612 = arith.subf %get3A_611, %get3A_605 : vector<16xf32>
        %mul3A_613 = arith.mulf %sub3A_612, %sub3A_612 : vector<16xf32>
        %add3A_614 = arith.addf %add3A_556, %mul3A_613 : vector<16xf32>
        %get3A_615 = arith.index_cast %squeeze3A_588 : i32 to index
        %get3A_616 = arith.constant 32 : index
        %get3A_617 = tpu.vector_load %arg6[%get3A_615, %get3A_616] {strides = array<i32>} : memref<1000x64xf32, #tpu.memory_space<vmem>>, vector<1x16xf32>,
        %get3A_618 = vector.shape_cast %get3A_617 : vector<1x16xf32> to vector<16xf32>
        %get3A_619 = arith.constant 0 : i32
        %get3A_620 = arith.index_cast %get3A_619 : i32 to index
        %get3A_621 = arith.index_cast %add3A_586 : i32 to index
        %get3A_622 = arith.constant 32 : index
        %get3A_623 = tpu.vector_load %arg7[%get3A_620, %get3A_621, %get3A_622] {strides = array<i32>} : memref<2x256x64xf32, #tpu.memory_space<vmem>>, vector<1x1x16xf32>,
        %get3A_624 = vector.shape_cast %get3A_623 : vector<1x1x16xf32> to vector<16xf32>
        %sub3A_625 = arith.subf %get3A_624, %get3A_618 : vector<16xf32>
        %mul3A_626 = arith.mulf %sub3A_625, %sub3A_625 : vector<16xf32>
        %add3A_627 = arith.addf %add3A_569, %mul3A_626 : vector<16xf32>
        %get3A_628 = arith.index_cast %squeeze3A_588 : i32 to index
        %get3A_629 = arith.constant 48 : index
        %get3A_630 = tpu.vector_load %arg6[%get3A_628, %get3A_629] {strides = array<i32>} : memref<1000x64xf32, #tpu.memory_space<vmem>>, vector<1x16xf32>,
        %get3A_631 = vector.shape_cast %get3A_630 : vector<1x16xf32> to vector<16xf32>
        %get3A_632 = arith.constant 0 : i32
        %get3A_633 = arith.index_cast %get3A_632 : i32 to index
        %get3A_634 = arith.index_cast %add3A_586 : i32 to index
        %get3A_635 = arith.constant 48 : index
        %get3A_636 = tpu.vector_load %arg7[%get3A_633, %get3A_634, %get3A_635] {strides = array<i32>} : memref<2x256x64xf32, #tpu.memory_space<vmem>>, vector<1x1x16xf32>,
        %get3A_637 = vector.shape_cast %get3A_636 : vector<1x1x16xf32> to vector<16xf32>
        %sub3A_638 = arith.subf %get3A_637, %get3A_631 : vector<16xf32>
        %mul3A_639 = arith.mulf %sub3A_638, %sub3A_638 : vector<16xf32>
        %add3A_640 = arith.addf %add3A_582, %mul3A_639 : vector<16xf32>
        %mul3A_641 = arith.constant 16 : i32
        %mul3A_642 = arith.muli %scan3A_169, %mul3A_641 : i32
        %add3A_643 = arith.constant 8 : i32
        %add3A_644 = arith.addi %mul3A_642, %add3A_643 : i32
        %slice3A_645 = vector.extract_strided_slice %get3A_179 {offsets = [8], sizes = [1], strides = [1]} : vector<16xi32> to vector<1xi32>
        %squeeze3A_646 = vector.extract %slice3A_645[0] : i32 from vector<1xi32>
        %get3A_647 = arith.index_cast %squeeze3A_646 : i32 to index
        %get3A_648 = arith.constant 0 : index
        %get3A_649 = tpu.vector_load %arg6[%get3A_647, %get3A_648] {strides = array<i32>} : memref<1000x64xf32, #tpu.memory_space<vmem>>, vector<1x16xf32>,
        %get3A_650 = vector.shape_cast %get3A_649 : vector<1x16xf32> to vector<16xf32>
        %get3A_651 = arith.constant 0 : i32
        %get3A_652 = arith.index_cast %get3A_651 : i32 to index
        %get3A_653 = arith.index_cast %add3A_644 : i32 to index
        %get3A_654 = arith.constant 0 : index
        %get3A_655 = tpu.vector_load %arg7[%get3A_652, %get3A_653, %get3A_654] {strides = array<i32>} : memref<2x256x64xf32, #tpu.memory_space<vmem>>, vector<1x1x16xf32>,
        %get3A_656 = vector.shape_cast %get3A_655 : vector<1x1x16xf32> to vector<16xf32>
        %sub3A_657 = arith.subf %get3A_656, %get3A_650 : vector<16xf32>
        %mul3A_658 = arith.mulf %sub3A_657, %sub3A_657 : vector<16xf32>
        %add3A_659 = arith.addf %add3A_601, %mul3A_658 : vector<16xf32>
        %get3A_660 = arith.index_cast %squeeze3A_646 : i32 to index
        %get3A_661 = arith.constant 16 : index
        %get3A_662 = tpu.vector_load %arg6[%get3A_660, %get3A_661] {strides = array<i32>} : memref<1000x64xf32, #tpu.memory_space<vmem>>, vector<1x16xf32>,
        %get3A_663 = vector.shape_cast %get3A_662 : vector<1x16xf32> to vector<16xf32>
        %get3A_664 = arith.constant 0 : i32
        %get3A_665 = arith.index_cast %get3A_664 : i32 to index
        %get3A_666 = arith.index_cast %add3A_644 : i32 to index
        %get3A_667 = arith.constant 16 : index
        %get3A_668 = tpu.vector_load %arg7[%get3A_665, %get3A_666, %get3A_667] {strides = array<i32>} : memref<2x256x64xf32, #tpu.memory_space<vmem>>, vector<1x1x16xf32>,
        %get3A_669 = vector.shape_cast %get3A_668 : vector<1x1x16xf32> to vector<16xf32>
        %sub3A_670 = arith.subf %get3A_669, %get3A_663 : vector<16xf32>
        %mul3A_671 = arith.mulf %sub3A_670, %sub3A_670 : vector<16xf32>
        %add3A_672 = arith.addf %add3A_614, %mul3A_671 : vector<16xf32>
        %get3A_673 = arith.index_cast %squeeze3A_646 : i32 to index
        %get3A_674 = arith.constant 32 : index
        %get3A_675 = tpu.vector_load %arg6[%get3A_673, %get3A_674] {strides = array<i32>} : memref<1000x64xf32, #tpu.memory_space<vmem>>, vector<1x16xf32>,
        %get3A_676 = vector.shape_cast %get3A_675 : vector<1x16xf32> to vector<16xf32>
        %get3A_677 = arith.constant 0 : i32
        %get3A_678 = arith.index_cast %get3A_677 : i32 to index
        %get3A_679 = arith.index_cast %add3A_644 : i32 to index
        %get3A_680 = arith.constant 32 : index
        %get3A_681 = tpu.vector_load %arg7[%get3A_678, %get3A_679, %get3A_680] {strides = array<i32>} : memref<2x256x64xf32, #tpu.memory_space<vmem>>, vector<1x1x16xf32>,
        %get3A_682 = vector.shape_cast %get3A_681 : vector<1x1x16xf32> to vector<16xf32>
        %sub3A_683 = arith.subf %get3A_682, %get3A_676 : vector<16xf32>
        %mul3A_684 = arith.mulf %sub3A_683, %sub3A_683 : vector<16xf32>
        %add3A_685 = arith.addf %add3A_627, %mul3A_684 : vector<16xf32>
        %get3A_686 = arith.index_cast %squeeze3A_646 : i32 to index
        %get3A_687 = arith.constant 48 : index
        %get3A_688 = tpu.vector_load %arg6[%get3A_686, %get3A_687] {strides = array<i32>} : memref<1000x64xf32, #tpu.memory_space<vmem>>, vector<1x16xf32>,
        %get3A_689 = vector.shape_cast %get3A_688 : vector<1x16xf32> to vector<16xf32>
        %get3A_690 = arith.constant 0 : i32
        %get3A_691 = arith.index_cast %get3A_690 : i32 to index
        %get3A_692 = arith.index_cast %add3A_644 : i32 to index
        %get3A_693 = arith.constant 48 : index
        %get3A_694 = tpu.vector_load %arg7[%get3A_691, %get3A_692, %get3A_693] {strides = array<i32>} : memref<2x256x64xf32, #tpu.memory_space<vmem>>, vector<1x1x16xf32>,
        %get3A_695 = vector.shape_cast %get3A_694 : vector<1x1x16xf32> to vector<16xf32>
        %sub3A_696 = arith.subf %get3A_695, %get3A_689 : vector<16xf32>
        %mul3A_697 = arith.mulf %sub3A_696, %sub3A_696 : vector<16xf32>
        %add3A_698 = arith.addf %add3A_640, %mul3A_697 : vector<16xf32>
        %mul3A_699 = arith.constant 16 : i32
        %mul3A_700 = arith.muli %scan3A_169, %mul3A_699 : i32
        %add3A_701 = arith.constant 9 : i32
        %add3A_702 = arith.addi %mul3A_700, %add3A_701 : i32
        %slice3A_703 = vector.extract_strided_slice %get3A_179 {offsets = [9], sizes = [1], strides = [1]} : vector<16xi32> to vector<1xi32>
        %squeeze3A_704 = vector.extract %slice3A_703[0] : i32 from vector<1xi32>
        %get3A_705 = arith.index_cast %squeeze3A_704 : i32 to index
        %get3A_706 = arith.constant 0 : index
        %get3A_707 = tpu.vector_load %arg6[%get3A_705, %get3A_706] {strides = array<i32>} : memref<1000x64xf32, #tpu.memory_space<vmem>>, vector<1x16xf32>,
        %get3A_708 = vector.shape_cast %get3A_707 : vector<1x16xf32> to vector<16xf32>
        %get3A_709 = arith.constant 0 : i32
        %get3A_710 = arith.index_cast %get3A_709 : i32 to index
        %get3A_711 = arith.index_cast %add3A_702 : i32 to index
        %get3A_712 = arith.constant 0 : index
        %get3A_713 = tpu.vector_load %arg7[%get3A_710, %get3A_711, %get3A_712] {strides = array<i32>} : memref<2x256x64xf32, #tpu.memory_space<vmem>>, vector<1x1x16xf32>,
        %get3A_714 = vector.shape_cast %get3A_713 : vector<1x1x16xf32> to vector<16xf32>
        %sub3A_715 = arith.subf %get3A_714, %get3A_708 : vector<16xf32>
        %mul3A_716 = arith.mulf %sub3A_715, %sub3A_715 : vector<16xf32>
        %add3A_717 = arith.addf %add3A_659, %mul3A_716 : vector<16xf32>
        %get3A_718 = arith.index_cast %squeeze3A_704 : i32 to index
        %get3A_719 = arith.constant 16 : index
        %get3A_720 = tpu.vector_load %arg6[%get3A_718, %get3A_719] {strides = array<i32>} : memref<1000x64xf32, #tpu.memory_space<vmem>>, vector<1x16xf32>,
        %get3A_721 = vector.shape_cast %get3A_720 : vector<1x16xf32> to vector<16xf32>
        %get3A_722 = arith.constant 0 : i32
        %get3A_723 = arith.index_cast %get3A_722 : i32 to index
        %get3A_724 = arith.index_cast %add3A_702 : i32 to index
        %get3A_725 = arith.constant 16 : index
        %get3A_726 = tpu.vector_load %arg7[%get3A_723, %get3A_724, %get3A_725] {strides = array<i32>} : memref<2x256x64xf32, #tpu.memory_space<vmem>>, vector<1x1x16xf32>,
        %get3A_727 = vector.shape_cast %get3A_726 : vector<1x1x16xf32> to vector<16xf32>
        %sub3A_728 = arith.subf %get3A_727, %get3A_721 : vector<16xf32>
        %mul3A_729 = arith.mulf %sub3A_728, %sub3A_728 : vector<16xf32>
        %add3A_730 = arith.addf %add3A_672, %mul3A_729 : vector<16xf32>
        %get3A_731 = arith.index_cast %squeeze3A_704 : i32 to index
        %get3A_732 = arith.constant 32 : index
        %get3A_733 = tpu.vector_load %arg6[%get3A_731, %get3A_732] {strides = array<i32>} : memref<1000x64xf32, #tpu.memory_space<vmem>>, vector<1x16xf32>,
        %get3A_734 = vector.shape_cast %get3A_733 : vector<1x16xf32> to vector<16xf32>
        %get3A_735 = arith.constant 0 : i32
        %get3A_736 = arith.index_cast %get3A_735 : i32 to index
        %get3A_737 = arith.index_cast %add3A_702 : i32 to index
        %get3A_738 = arith.constant 32 : index
        %get3A_739 = tpu.vector_load %arg7[%get3A_736, %get3A_737, %get3A_738] {strides = array<i32>} : memref<2x256x64xf32, #tpu.memory_space<vmem>>, vector<1x1x16xf32>,
        %get3A_740 = vector.shape_cast %get3A_739 : vector<1x1x16xf32> to vector<16xf32>
        %sub3A_741 = arith.subf %get3A_740, %get3A_734 : vector<16xf32>
        %mul3A_742 = arith.mulf %sub3A_741, %sub3A_741 : vector<16xf32>
        %add3A_743 = arith.addf %add3A_685, %mul3A_742 : vector<16xf32>
        %get3A_744 = arith.index_cast %squeeze3A_704 : i32 to index
        %get3A_745 = arith.constant 48 : index
        %get3A_746 = tpu.vector_load %arg6[%get3A_744, %get3A_745] {strides = array<i32>} : memref<1000x64xf32, #tpu.memory_space<vmem>>, vector<1x16xf32>,
        %get3A_747 = vector.shape_cast %get3A_746 : vector<1x16xf32> to vector<16xf32>
        %get3A_748 = arith.constant 0 : i32
        %get3A_749 = arith.index_cast %get3A_748 : i32 to index
        %get3A_750 = arith.index_cast %add3A_702 : i32 to index
        %get3A_751 = arith.constant 48 : index
        %get3A_752 = tpu.vector_load %arg7[%get3A_749, %get3A_750, %get3A_751] {strides = array<i32>} : memref<2x256x64xf32, #tpu.memory_space<vmem>>, vector<1x1x16xf32>,
        %get3A_753 = vector.shape_cast %get3A_752 : vector<1x1x16xf32> to vector<16xf32>
        %sub3A_754 = arith.subf %get3A_753, %get3A_747 : vector<16xf32>
        %mul3A_755 = arith.mulf %sub3A_754, %sub3A_754 : vector<16xf32>
        %add3A_756 = arith.addf %add3A_698, %mul3A_755 : vector<16xf32>
        %mul3A_757 = arith.constant 16 : i32
        %mul3A_758 = arith.muli %scan3A_169, %mul3A_757 : i32
        %add3A_759 = arith.constant 10 : i32
        %add3A_760 = arith.addi %mul3A_758, %add3A_759 : i32
        %slice3A_761 = vector.extract_strided_slice %get3A_179 {offsets = [10], sizes = [1], strides = [1]} : vector<16xi32> to vector<1xi32>
        %squeeze3A_762 = vector.extract %slice3A_761[0] : i32 from vector<1xi32>
        %get3A_763 = arith.index_cast %squeeze3A_762 : i32 to index
        %get3A_764 = arith.constant 0 : index
        %get3A_765 = tpu.vector_load %arg6[%get3A_763, %get3A_764] {strides = array<i32>} : memref<1000x64xf32, #tpu.memory_space<vmem>>, vector<1x16xf32>,
        %get3A_766 = vector.shape_cast %get3A_765 : vector<1x16xf32> to vector<16xf32>
        %get3A_767 = arith.constant 0 : i32
        %get3A_768 = arith.index_cast %get3A_767 : i32 to index
        %get3A_769 = arith.index_cast %add3A_760 : i32 to index
        %get3A_770 = arith.constant 0 : index
        %get3A_771 = tpu.vector_load %arg7[%get3A_768, %get3A_769, %get3A_770] {strides = array<i32>} : memref<2x256x64xf32, #tpu.memory_space<vmem>>, vector<1x1x16xf32>,
        %get3A_772 = vector.shape_cast %get3A_771 : vector<1x1x16xf32> to vector<16xf32>
        %sub3A_773 = arith.subf %get3A_772, %get3A_766 : vector<16xf32>
        %mul3A_774 = arith.mulf %sub3A_773, %sub3A_773 : vector<16xf32>
        %add3A_775 = arith.addf %add3A_717, %mul3A_774 : vector<16xf32>
        %get3A_776 = arith.index_cast %squeeze3A_762 : i32 to index
        %get3A_777 = arith.constant 16 : index
        %get3A_778 = tpu.vector_load %arg6[%get3A_776, %get3A_777] {strides = array<i32>} : memref<1000x64xf32, #tpu.memory_space<vmem>>, vector<1x16xf32>,
        %get3A_779 = vector.shape_cast %get3A_778 : vector<1x16xf32> to vector<16xf32>
        %get3A_780 = arith.constant 0 : i32
        %get3A_781 = arith.index_cast %get3A_780 : i32 to index
        %get3A_782 = arith.index_cast %add3A_760 : i32 to index
        %get3A_783 = arith.constant 16 : index
        %get3A_784 = tpu.vector_load %arg7[%get3A_781, %get3A_782, %get3A_783] {strides = array<i32>} : memref<2x256x64xf32, #tpu.memory_space<vmem>>, vector<1x1x16xf32>,
        %get3A_785 = vector.shape_cast %get3A_784 : vector<1x1x16xf32> to vector<16xf32>
        %sub3A_786 = arith.subf %get3A_785, %get3A_779 : vector<16xf32>
        %mul3A_787 = arith.mulf %sub3A_786, %sub3A_786 : vector<16xf32>
        %add3A_788 = arith.addf %add3A_730, %mul3A_787 : vector<16xf32>
        %get3A_789 = arith.index_cast %squeeze3A_762 : i32 to index
        %get3A_790 = arith.constant 32 : index
        %get3A_791 = tpu.vector_load %arg6[%get3A_789, %get3A_790] {strides = array<i32>} : memref<1000x64xf32, #tpu.memory_space<vmem>>, vector<1x16xf32>,
        %get3A_792 = vector.shape_cast %get3A_791 : vector<1x16xf32> to vector<16xf32>
        %get3A_793 = arith.constant 0 : i32
        %get3A_794 = arith.index_cast %get3A_793 : i32 to index
        %get3A_795 = arith.index_cast %add3A_760 : i32 to index
        %get3A_796 = arith.constant 32 : index
        %get3A_797 = tpu.vector_load %arg7[%get3A_794, %get3A_795, %get3A_796] {strides = array<i32>} : memref<2x256x64xf32, #tpu.memory_space<vmem>>, vector<1x1x16xf32>,
        %get3A_798 = vector.shape_cast %get3A_797 : vector<1x1x16xf32> to vector<16xf32>
        %sub3A_799 = arith.subf %get3A_798, %get3A_792 : vector<16xf32>
        %mul3A_800 = arith.mulf %sub3A_799, %sub3A_799 : vector<16xf32>
        %add3A_801 = arith.addf %add3A_743, %mul3A_800 : vector<16xf32>
        %get3A_802 = arith.index_cast %squeeze3A_762 : i32 to index
        %get3A_803 = arith.constant 48 : index
        %get3A_804 = tpu.vector_load %arg6[%get3A_802, %get3A_803] {strides = array<i32>} : memref<1000x64xf32, #tpu.memory_space<vmem>>, vector<1x16xf32>,
        %get3A_805 = vector.shape_cast %get3A_804 : vector<1x16xf32> to vector<16xf32>
        %get3A_806 = arith.constant 0 : i32
        %get3A_807 = arith.index_cast %get3A_806 : i32 to index
        %get3A_808 = arith.index_cast %add3A_760 : i32 to index
        %get3A_809 = arith.constant 48 : index
        %get3A_810 = tpu.vector_load %arg7[%get3A_807, %get3A_808, %get3A_809] {strides = array<i32>} : memref<2x256x64xf32, #tpu.memory_space<vmem>>, vector<1x1x16xf32>,
        %get3A_811 = vector.shape_cast %get3A_810 : vector<1x1x16xf32> to vector<16xf32>
        %sub3A_812 = arith.subf %get3A_811, %get3A_805 : vector<16xf32>
        %mul3A_813 = arith.mulf %sub3A_812, %sub3A_812 : vector<16xf32>
        %add3A_814 = arith.addf %add3A_756, %mul3A_813 : vector<16xf32>
        %mul3A_815 = arith.constant 16 : i32
        %mul3A_816 = arith.muli %scan3A_169, %mul3A_815 : i32
        %add3A_817 = arith.constant 11 : i32
        %add3A_818 = arith.addi %mul3A_816, %add3A_817 : i32
        %slice3A_819 = vector.extract_strided_slice %get3A_179 {offsets = [11], sizes = [1], strides = [1]} : vector<16xi32> to vector<1xi32>
        %squeeze3A_820 = vector.extract %slice3A_819[0] : i32 from vector<1xi32>
        %get3A_821 = arith.index_cast %squeeze3A_820 : i32 to index
        %get3A_822 = arith.constant 0 : index
        %get3A_823 = tpu.vector_load %arg6[%get3A_821, %get3A_822] {strides = array<i32>} : memref<1000x64xf32, #tpu.memory_space<vmem>>, vector<1x16xf32>,
        %get3A_824 = vector.shape_cast %get3A_823 : vector<1x16xf32> to vector<16xf32>
        %get3A_825 = arith.constant 0 : i32
        %get3A_826 = arith.index_cast %get3A_825 : i32 to index
        %get3A_827 = arith.index_cast %add3A_818 : i32 to index
        %get3A_828 = arith.constant 0 : index
        %get3A_829 = tpu.vector_load %arg7[%get3A_826, %get3A_827, %get3A_828] {strides = array<i32>} : memref<2x256x64xf32, #tpu.memory_space<vmem>>, vector<1x1x16xf32>,
        %get3A_830 = vector.shape_cast %get3A_829 : vector<1x1x16xf32> to vector<16xf32>
        %sub3A_831 = arith.subf %get3A_830, %get3A_824 : vector<16xf32>
        %mul3A_832 = arith.mulf %sub3A_831, %sub3A_831 : vector<16xf32>
        %add3A_833 = arith.addf %add3A_775, %mul3A_832 : vector<16xf32>
        %get3A_834 = arith.index_cast %squeeze3A_820 : i32 to index
        %get3A_835 = arith.constant 16 : index
        %get3A_836 = tpu.vector_load %arg6[%get3A_834, %get3A_835] {strides = array<i32>} : memref<1000x64xf32, #tpu.memory_space<vmem>>, vector<1x16xf32>,
        %get3A_837 = vector.shape_cast %get3A_836 : vector<1x16xf32> to vector<16xf32>
        %get3A_838 = arith.constant 0 : i32
        %get3A_839 = arith.index_cast %get3A_838 : i32 to index
        %get3A_840 = arith.index_cast %add3A_818 : i32 to index
        %get3A_841 = arith.constant 16 : index
        %get3A_842 = tpu.vector_load %arg7[%get3A_839, %get3A_840, %get3A_841] {strides = array<i32>} : memref<2x256x64xf32, #tpu.memory_space<vmem>>, vector<1x1x16xf32>,
        %get3A_843 = vector.shape_cast %get3A_842 : vector<1x1x16xf32> to vector<16xf32>
        %sub3A_844 = arith.subf %get3A_843, %get3A_837 : vector<16xf32>
        %mul3A_845 = arith.mulf %sub3A_844, %sub3A_844 : vector<16xf32>
        %add3A_846 = arith.addf %add3A_788, %mul3A_845 : vector<16xf32>
        %get3A_847 = arith.index_cast %squeeze3A_820 : i32 to index
        %get3A_848 = arith.constant 32 : index
        %get3A_849 = tpu.vector_load %arg6[%get3A_847, %get3A_848] {strides = array<i32>} : memref<1000x64xf32, #tpu.memory_space<vmem>>, vector<1x16xf32>,
        %get3A_850 = vector.shape_cast %get3A_849 : vector<1x16xf32> to vector<16xf32>
        %get3A_851 = arith.constant 0 : i32
        %get3A_852 = arith.index_cast %get3A_851 : i32 to index
        %get3A_853 = arith.index_cast %add3A_818 : i32 to index
        %get3A_854 = arith.constant 32 : index
        %get3A_855 = tpu.vector_load %arg7[%get3A_852, %get3A_853, %get3A_854] {strides = array<i32>} : memref<2x256x64xf32, #tpu.memory_space<vmem>>, vector<1x1x16xf32>,
        %get3A_856 = vector.shape_cast %get3A_855 : vector<1x1x16xf32> to vector<16xf32>
        %sub3A_857 = arith.subf %get3A_856, %get3A_850 : vector<16xf32>
        %mul3A_858 = arith.mulf %sub3A_857, %sub3A_857 : vector<16xf32>
        %add3A_859 = arith.addf %add3A_801, %mul3A_858 : vector<16xf32>
        %get3A_860 = arith.index_cast %squeeze3A_820 : i32 to index
        %get3A_861 = arith.constant 48 : index
        %get3A_862 = tpu.vector_load %arg6[%get3A_860, %get3A_861] {strides = array<i32>} : memref<1000x64xf32, #tpu.memory_space<vmem>>, vector<1x16xf32>,
        %get3A_863 = vector.shape_cast %get3A_862 : vector<1x16xf32> to vector<16xf32>
        %get3A_864 = arith.constant 0 : i32
        %get3A_865 = arith.index_cast %get3A_864 : i32 to index
        %get3A_866 = arith.index_cast %add3A_818 : i32 to index
        %get3A_867 = arith.constant 48 : index
        %get3A_868 = tpu.vector_load %arg7[%get3A_865, %get3A_866, %get3A_867] {strides = array<i32>} : memref<2x256x64xf32, #tpu.memory_space<vmem>>, vector<1x1x16xf32>,
        %get3A_869 = vector.shape_cast %get3A_868 : vector<1x1x16xf32> to vector<16xf32>
        %sub3A_870 = arith.subf %get3A_869, %get3A_863 : vector<16xf32>
        %mul3A_871 = arith.mulf %sub3A_870, %sub3A_870 : vector<16xf32>
        %add3A_872 = arith.addf %add3A_814, %mul3A_871 : vector<16xf32>
        %mul3A_873 = arith.constant 16 : i32
        %mul3A_874 = arith.muli %scan3A_169, %mul3A_873 : i32
        %add3A_875 = arith.constant 12 : i32
        %add3A_876 = arith.addi %mul3A_874, %add3A_875 : i32
        %slice3A_877 = vector.extract_strided_slice %get3A_179 {offsets = [12], sizes = [1], strides = [1]} : vector<16xi32> to vector<1xi32>
        %squeeze3A_878 = vector.extract %slice3A_877[0] : i32 from vector<1xi32>
        %get3A_879 = arith.index_cast %squeeze3A_878 : i32 to index
        %get3A_880 = arith.constant 0 : index
        %get3A_881 = tpu.vector_load %arg6[%get3A_879, %get3A_880] {strides = array<i32>} : memref<1000x64xf32, #tpu.memory_space<vmem>>, vector<1x16xf32>,
        %get3A_882 = vector.shape_cast %get3A_881 : vector<1x16xf32> to vector<16xf32>
        %get3A_883 = arith.constant 0 : i32
        %get3A_884 = arith.index_cast %get3A_883 : i32 to index
        %get3A_885 = arith.index_cast %add3A_876 : i32 to index
        %get3A_886 = arith.constant 0 : index
        %get3A_887 = tpu.vector_load %arg7[%get3A_884, %get3A_885, %get3A_886] {strides = array<i32>} : memref<2x256x64xf32, #tpu.memory_space<vmem>>, vector<1x1x16xf32>,
        %get3A_888 = vector.shape_cast %get3A_887 : vector<1x1x16xf32> to vector<16xf32>
        %sub3A_889 = arith.subf %get3A_888, %get3A_882 : vector<16xf32>
        %mul3A_890 = arith.mulf %sub3A_889, %sub3A_889 : vector<16xf32>
        %add3A_891 = arith.addf %add3A_833, %mul3A_890 : vector<16xf32>
        %get3A_892 = arith.index_cast %squeeze3A_878 : i32 to index
        %get3A_893 = arith.constant 16 : index
        %get3A_894 = tpu.vector_load %arg6[%get3A_892, %get3A_893] {strides = array<i32>} : memref<1000x64xf32, #tpu.memory_space<vmem>>, vector<1x16xf32>,
        %get3A_895 = vector.shape_cast %get3A_894 : vector<1x16xf32> to vector<16xf32>
        %get3A_896 = arith.constant 0 : i32
        %get3A_897 = arith.index_cast %get3A_896 : i32 to index
        %get3A_898 = arith.index_cast %add3A_876 : i32 to index
        %get3A_899 = arith.constant 16 : index
        %get3A_900 = tpu.vector_load %arg7[%get3A_897, %get3A_898, %get3A_899] {strides = array<i32>} : memref<2x256x64xf32, #tpu.memory_space<vmem>>, vector<1x1x16xf32>,
        %get3A_901 = vector.shape_cast %get3A_900 : vector<1x1x16xf32> to vector<16xf32>
        %sub3A_902 = arith.subf %get3A_901, %get3A_895 : vector<16xf32>
        %mul3A_903 = arith.mulf %sub3A_902, %sub3A_902 : vector<16xf32>
        %add3A_904 = arith.addf %add3A_846, %mul3A_903 : vector<16xf32>
        %get3A_905 = arith.index_cast %squeeze3A_878 : i32 to index
        %get3A_906 = arith.constant 32 : index
        %get3A_907 = tpu.vector_load %arg6[%get3A_905, %get3A_906] {strides = array<i32>} : memref<1000x64xf32, #tpu.memory_space<vmem>>, vector<1x16xf32>,
        %get3A_908 = vector.shape_cast %get3A_907 : vector<1x16xf32> to vector<16xf32>
        %get3A_909 = arith.constant 0 : i32
        %get3A_910 = arith.index_cast %get3A_909 : i32 to index
        %get3A_911 = arith.index_cast %add3A_876 : i32 to index
        %get3A_912 = arith.constant 32 : index
        %get3A_913 = tpu.vector_load %arg7[%get3A_910, %get3A_911, %get3A_912] {strides = array<i32>} : memref<2x256x64xf32, #tpu.memory_space<vmem>>, vector<1x1x16xf32>,
        %get3A_914 = vector.shape_cast %get3A_913 : vector<1x1x16xf32> to vector<16xf32>
        %sub3A_915 = arith.subf %get3A_914, %get3A_908 : vector<16xf32>
        %mul3A_916 = arith.mulf %sub3A_915, %sub3A_915 : vector<16xf32>
        %add3A_917 = arith.addf %add3A_859, %mul3A_916 : vector<16xf32>
        %get3A_918 = arith.index_cast %squeeze3A_878 : i32 to index
        %get3A_919 = arith.constant 48 : index
        %get3A_920 = tpu.vector_load %arg6[%get3A_918, %get3A_919] {strides = array<i32>} : memref<1000x64xf32, #tpu.memory_space<vmem>>, vector<1x16xf32>,
        %get3A_921 = vector.shape_cast %get3A_920 : vector<1x16xf32> to vector<16xf32>
        %get3A_922 = arith.constant 0 : i32
        %get3A_923 = arith.index_cast %get3A_922 : i32 to index
        %get3A_924 = arith.index_cast %add3A_876 : i32 to index
        %get3A_925 = arith.constant 48 : index
        %get3A_926 = tpu.vector_load %arg7[%get3A_923, %get3A_924, %get3A_925] {strides = array<i32>} : memref<2x256x64xf32, #tpu.memory_space<vmem>>, vector<1x1x16xf32>,
        %get3A_927 = vector.shape_cast %get3A_926 : vector<1x1x16xf32> to vector<16xf32>
        %sub3A_928 = arith.subf %get3A_927, %get3A_921 : vector<16xf32>
        %mul3A_929 = arith.mulf %sub3A_928, %sub3A_928 : vector<16xf32>
        %add3A_930 = arith.addf %add3A_872, %mul3A_929 : vector<16xf32>
        %mul3A_931 = arith.constant 16 : i32
        %mul3A_932 = arith.muli %scan3A_169, %mul3A_931 : i32
        %add3A_933 = arith.constant 13 : i32
        %add3A_934 = arith.addi %mul3A_932, %add3A_933 : i32
        %slice3A_935 = vector.extract_strided_slice %get3A_179 {offsets = [13], sizes = [1], strides = [1]} : vector<16xi32> to vector<1xi32>
        %squeeze3A_936 = vector.extract %slice3A_935[0] : i32 from vector<1xi32>
        %get3A_937 = arith.index_cast %squeeze3A_936 : i32 to index
        %get3A_938 = arith.constant 0 : index
        %get3A_939 = tpu.vector_load %arg6[%get3A_937, %get3A_938] {strides = array<i32>} : memref<1000x64xf32, #tpu.memory_space<vmem>>, vector<1x16xf32>,
        %get3A_940 = vector.shape_cast %get3A_939 : vector<1x16xf32> to vector<16xf32>
        %get3A_941 = arith.constant 0 : i32
        %get3A_942 = arith.index_cast %get3A_941 : i32 to index
        %get3A_943 = arith.index_cast %add3A_934 : i32 to index
        %get3A_944 = arith.constant 0 : index
        %get3A_945 = tpu.vector_load %arg7[%get3A_942, %get3A_943, %get3A_944] {strides = array<i32>} : memref<2x256x64xf32, #tpu.memory_space<vmem>>, vector<1x1x16xf32>,
        %get3A_946 = vector.shape_cast %get3A_945 : vector<1x1x16xf32> to vector<16xf32>
        %sub3A_947 = arith.subf %get3A_946, %get3A_940 : vector<16xf32>
        %mul3A_948 = arith.mulf %sub3A_947, %sub3A_947 : vector<16xf32>
        %add3A_949 = arith.addf %add3A_891, %mul3A_948 : vector<16xf32>
        %get3A_950 = arith.index_cast %squeeze3A_936 : i32 to index
        %get3A_951 = arith.constant 16 : index
        %get3A_952 = tpu.vector_load %arg6[%get3A_950, %get3A_951] {strides = array<i32>} : memref<1000x64xf32, #tpu.memory_space<vmem>>, vector<1x16xf32>,
        %get3A_953 = vector.shape_cast %get3A_952 : vector<1x16xf32> to vector<16xf32>
        %get3A_954 = arith.constant 0 : i32
        %get3A_955 = arith.index_cast %get3A_954 : i32 to index
        %get3A_956 = arith.index_cast %add3A_934 : i32 to index
        %get3A_957 = arith.constant 16 : index
        %get3A_958 = tpu.vector_load %arg7[%get3A_955, %get3A_956, %get3A_957] {strides = array<i32>} : memref<2x256x64xf32, #tpu.memory_space<vmem>>, vector<1x1x16xf32>,
        %get3A_959 = vector.shape_cast %get3A_958 : vector<1x1x16xf32> to vector<16xf32>
        %sub3A_960 = arith.subf %get3A_959, %get3A_953 : vector<16xf32>
        %mul3A_961 = arith.mulf %sub3A_960, %sub3A_960 : vector<16xf32>
        %add3A_962 = arith.addf %add3A_904, %mul3A_961 : vector<16xf32>
        %get3A_963 = arith.index_cast %squeeze3A_936 : i32 to index
        %get3A_964 = arith.constant 32 : index
        %get3A_965 = tpu.vector_load %arg6[%get3A_963, %get3A_964] {strides = array<i32>} : memref<1000x64xf32, #tpu.memory_space<vmem>>, vector<1x16xf32>,
        %get3A_966 = vector.shape_cast %get3A_965 : vector<1x16xf32> to vector<16xf32>
        %get3A_967 = arith.constant 0 : i32
        %get3A_968 = arith.index_cast %get3A_967 : i32 to index
        %get3A_969 = arith.index_cast %add3A_934 : i32 to index
        %get3A_970 = arith.constant 32 : index
        %get3A_971 = tpu.vector_load %arg7[%get3A_968, %get3A_969, %get3A_970] {strides = array<i32>} : memref<2x256x64xf32, #tpu.memory_space<vmem>>, vector<1x1x16xf32>,
        %get3A_972 = vector.shape_cast %get3A_971 : vector<1x1x16xf32> to vector<16xf32>
        %sub3A_973 = arith.subf %get3A_972, %get3A_966 : vector<16xf32>
        %mul3A_974 = arith.mulf %sub3A_973, %sub3A_973 : vector<16xf32>
        %add3A_975 = arith.addf %add3A_917, %mul3A_974 : vector<16xf32>
        %get3A_976 = arith.index_cast %squeeze3A_936 : i32 to index
        %get3A_977 = arith.constant 48 : index
        %get3A_978 = tpu.vector_load %arg6[%get3A_976, %get3A_977] {strides = array<i32>} : memref<1000x64xf32, #tpu.memory_space<vmem>>, vector<1x16xf32>,
        %get3A_979 = vector.shape_cast %get3A_978 : vector<1x16xf32> to vector<16xf32>
        %get3A_980 = arith.constant 0 : i32
        %get3A_981 = arith.index_cast %get3A_980 : i32 to index
        %get3A_982 = arith.index_cast %add3A_934 : i32 to index
        %get3A_983 = arith.constant 48 : index
        %get3A_984 = tpu.vector_load %arg7[%get3A_981, %get3A_982, %get3A_983] {strides = array<i32>} : memref<2x256x64xf32, #tpu.memory_space<vmem>>, vector<1x1x16xf32>,
        %get3A_985 = vector.shape_cast %get3A_984 : vector<1x1x16xf32> to vector<16xf32>
        %sub3A_986 = arith.subf %get3A_985, %get3A_979 : vector<16xf32>
        %mul3A_987 = arith.mulf %sub3A_986, %sub3A_986 : vector<16xf32>
        %add3A_988 = arith.addf %add3A_930, %mul3A_987 : vector<16xf32>
        %mul3A_989 = arith.constant 16 : i32
        %mul3A_990 = arith.muli %scan3A_169, %mul3A_989 : i32
        %add3A_991 = arith.constant 14 : i32
        %add3A_992 = arith.addi %mul3A_990, %add3A_991 : i32
        %slice3A_993 = vector.extract_strided_slice %get3A_179 {offsets = [14], sizes = [1], strides = [1]} : vector<16xi32> to vector<1xi32>
        %squeeze3A_994 = vector.extract %slice3A_993[0] : i32 from vector<1xi32>
        %get3A_995 = arith.index_cast %squeeze3A_994 : i32 to index
        %get3A_996 = arith.constant 0 : index
        %get3A_997 = tpu.vector_load %arg6[%get3A_995, %get3A_996] {strides = array<i32>} : memref<1000x64xf32, #tpu.memory_space<vmem>>, vector<1x16xf32>,
        %get3A_998 = vector.shape_cast %get3A_997 : vector<1x16xf32> to vector<16xf32>
        %get3A_999 = arith.constant 0 : i32
        %get3A_1000 = arith.index_cast %get3A_999 : i32 to index
        %get3A_1001 = arith.index_cast %add3A_992 : i32 to index
        %get3A_1002 = arith.constant 0 : index
        %get3A_1003 = tpu.vector_load %arg7[%get3A_1000, %get3A_1001, %get3A_1002] {strides = array<i32>} : memref<2x256x64xf32, #tpu.memory_space<vmem>>, vector<1x1x16xf32>,
        %get3A_1004 = vector.shape_cast %get3A_1003 : vector<1x1x16xf32> to vector<16xf32>
        %sub3A_1005 = arith.subf %get3A_1004, %get3A_998 : vector<16xf32>
        %mul3A_1006 = arith.mulf %sub3A_1005, %sub3A_1005 : vector<16xf32>
        %add3A_1007 = arith.addf %add3A_949, %mul3A_1006 : vector<16xf32>
        %get3A_1008 = arith.index_cast %squeeze3A_994 : i32 to index
        %get3A_1009 = arith.constant 16 : index
        %get3A_1010 = tpu.vector_load %arg6[%get3A_1008, %get3A_1009] {strides = array<i32>} : memref<1000x64xf32, #tpu.memory_space<vmem>>, vector<1x16xf32>,
        %get3A_1011 = vector.shape_cast %get3A_1010 : vector<1x16xf32> to vector<16xf32>
        %get3A_1012 = arith.constant 0 : i32
        %get3A_1013 = arith.index_cast %get3A_1012 : i32 to index
        %get3A_1014 = arith.index_cast %add3A_992 : i32 to index
        %get3A_1015 = arith.constant 16 : index
        %get3A_1016 = tpu.vector_load %arg7[%get3A_1013, %get3A_1014, %get3A_1015] {strides = array<i32>} : memref<2x256x64xf32, #tpu.memory_space<vmem>>, vector<1x1x16xf32>,
        %get3A_1017 = vector.shape_cast %get3A_1016 : vector<1x1x16xf32> to vector<16xf32>
        %sub3A_1018 = arith.subf %get3A_1017, %get3A_1011 : vector<16xf32>
        %mul3A_1019 = arith.mulf %sub3A_1018, %sub3A_1018 : vector<16xf32>
        %add3A_1020 = arith.addf %add3A_962, %mul3A_1019 : vector<16xf32>
        %get3A_1021 = arith.index_cast %squeeze3A_994 : i32 to index
        %get3A_1022 = arith.constant 32 : index
        %get3A_1023 = tpu.vector_load %arg6[%get3A_1021, %get3A_1022] {strides = array<i32>} : memref<1000x64xf32, #tpu.memory_space<vmem>>, vector<1x16xf32>,
        %get3A_1024 = vector.shape_cast %get3A_1023 : vector<1x16xf32> to vector<16xf32>
        %get3A_1025 = arith.constant 0 : i32
        %get3A_1026 = arith.index_cast %get3A_1025 : i32 to index
        %get3A_1027 = arith.index_cast %add3A_992 : i32 to index
        %get3A_1028 = arith.constant 32 : index
        %get3A_1029 = tpu.vector_load %arg7[%get3A_1026, %get3A_1027, %get3A_1028] {strides = array<i32>} : memref<2x256x64xf32, #tpu.memory_space<vmem>>, vector<1x1x16xf32>,
        %get3A_1030 = vector.shape_cast %get3A_1029 : vector<1x1x16xf32> to vector<16xf32>
        %sub3A_1031 = arith.subf %get3A_1030, %get3A_1024 : vector<16xf32>
        %mul3A_1032 = arith.mulf %sub3A_1031, %sub3A_1031 : vector<16xf32>
        %add3A_1033 = arith.addf %add3A_975, %mul3A_1032 : vector<16xf32>
        %get3A_1034 = arith.index_cast %squeeze3A_994 : i32 to index
        %get3A_1035 = arith.constant 48 : index
        %get3A_1036 = tpu.vector_load %arg6[%get3A_1034, %get3A_1035] {strides = array<i32>} : memref<1000x64xf32, #tpu.memory_space<vmem>>, vector<1x16xf32>,
        %get3A_1037 = vector.shape_cast %get3A_1036 : vector<1x16xf32> to vector<16xf32>
        %get3A_1038 = arith.constant 0 : i32
        %get3A_1039 = arith.index_cast %get3A_1038 : i32 to index
        %get3A_1040 = arith.index_cast %add3A_992 : i32 to index
        %get3A_1041 = arith.constant 48 : index
        %get3A_1042 = tpu.vector_load %arg7[%get3A_1039, %get3A_1040, %get3A_1041] {strides = array<i32>} : memref<2x256x64xf32, #tpu.memory_space<vmem>>, vector<1x1x16xf32>,
        %get3A_1043 = vector.shape_cast %get3A_1042 : vector<1x1x16xf32> to vector<16xf32>
        %sub3A_1044 = arith.subf %get3A_1043, %get3A_1037 : vector<16xf32>
        %mul3A_1045 = arith.mulf %sub3A_1044, %sub3A_1044 : vector<16xf32>
        %add3A_1046 = arith.addf %add3A_988, %mul3A_1045 : vector<16xf32>
        %mul3A_1047 = arith.constant 16 : i32
        %mul3A_1048 = arith.muli %scan3A_169, %mul3A_1047 : i32
        %add3A_1049 = arith.constant 15 : i32
        %add3A_1050 = arith.addi %mul3A_1048, %add3A_1049 : i32
        %slice3A_1051 = vector.extract_strided_slice %get3A_179 {offsets = [15], sizes = [1], strides = [1]} : vector<16xi32> to vector<1xi32>
        %squeeze3A_1052 = vector.extract %slice3A_1051[0] : i32 from vector<1xi32>
        %get3A_1053 = arith.index_cast %squeeze3A_1052 : i32 to index
        %get3A_1054 = arith.constant 0 : index
        %get3A_1055 = tpu.vector_load %arg6[%get3A_1053, %get3A_1054] {strides = array<i32>} : memref<1000x64xf32, #tpu.memory_space<vmem>>, vector<1x16xf32>,
        %get3A_1056 = vector.shape_cast %get3A_1055 : vector<1x16xf32> to vector<16xf32>
        %get3A_1057 = arith.constant 0 : i32
        %get3A_1058 = arith.index_cast %get3A_1057 : i32 to index
        %get3A_1059 = arith.index_cast %add3A_1050 : i32 to index
        %get3A_1060 = arith.constant 0 : index
        %get3A_1061 = tpu.vector_load %arg7[%get3A_1058, %get3A_1059, %get3A_1060] {strides = array<i32>} : memref<2x256x64xf32, #tpu.memory_space<vmem>>, vector<1x1x16xf32>,
        %get3A_1062 = vector.shape_cast %get3A_1061 : vector<1x1x16xf32> to vector<16xf32>
        %sub3A_1063 = arith.subf %get3A_1062, %get3A_1056 : vector<16xf32>
        %mul3A_1064 = arith.mulf %sub3A_1063, %sub3A_1063 : vector<16xf32>
        %add3A_1065 = arith.addf %add3A_1007, %mul3A_1064 : vector<16xf32>
        %get3A_1066 = arith.index_cast %squeeze3A_1052 : i32 to index
        %get3A_1067 = arith.constant 16 : index
        %get3A_1068 = tpu.vector_load %arg6[%get3A_1066, %get3A_1067] {strides = array<i32>} : memref<1000x64xf32, #tpu.memory_space<vmem>>, vector<1x16xf32>,
        %get3A_1069 = vector.shape_cast %get3A_1068 : vector<1x16xf32> to vector<16xf32>
        %get3A_1070 = arith.constant 0 : i32
        %get3A_1071 = arith.index_cast %get3A_1070 : i32 to index
        %get3A_1072 = arith.index_cast %add3A_1050 : i32 to index
        %get3A_1073 = arith.constant 16 : index
        %get3A_1074 = tpu.vector_load %arg7[%get3A_1071, %get3A_1072, %get3A_1073] {strides = array<i32>} : memref<2x256x64xf32, #tpu.memory_space<vmem>>, vector<1x1x16xf32>,
        %get3A_1075 = vector.shape_cast %get3A_1074 : vector<1x1x16xf32> to vector<16xf32>
        %sub3A_1076 = arith.subf %get3A_1075, %get3A_1069 : vector<16xf32>
        %mul3A_1077 = arith.mulf %sub3A_1076, %sub3A_1076 : vector<16xf32>
        %add3A_1078 = arith.addf %add3A_1020, %mul3A_1077 : vector<16xf32>
        %get3A_1079 = arith.index_cast %squeeze3A_1052 : i32 to index
        %get3A_1080 = arith.constant 32 : index
        %get3A_1081 = tpu.vector_load %arg6[%get3A_1079, %get3A_1080] {strides = array<i32>} : memref<1000x64xf32, #tpu.memory_space<vmem>>, vector<1x16xf32>,
        %get3A_1082 = vector.shape_cast %get3A_1081 : vector<1x16xf32> to vector<16xf32>
        %get3A_1083 = arith.constant 0 : i32
        %get3A_1084 = arith.index_cast %get3A_1083 : i32 to index
        %get3A_1085 = arith.index_cast %add3A_1050 : i32 to index
        %get3A_1086 = arith.constant 32 : index
        %get3A_1087 = tpu.vector_load %arg7[%get3A_1084, %get3A_1085, %get3A_1086] {strides = array<i32>} : memref<2x256x64xf32, #tpu.memory_space<vmem>>, vector<1x1x16xf32>,
        %get3A_1088 = vector.shape_cast %get3A_1087 : vector<1x1x16xf32> to vector<16xf32>
        %sub3A_1089 = arith.subf %get3A_1088, %get3A_1082 : vector<16xf32>
        %mul3A_1090 = arith.mulf %sub3A_1089, %sub3A_1089 : vector<16xf32>
        %add3A_1091 = arith.addf %add3A_1033, %mul3A_1090 : vector<16xf32>
        %get3A_1092 = arith.index_cast %squeeze3A_1052 : i32 to index
        %get3A_1093 = arith.constant 48 : index
        %get3A_1094 = tpu.vector_load %arg6[%get3A_1092, %get3A_1093] {strides = array<i32>} : memref<1000x64xf32, #tpu.memory_space<vmem>>, vector<1x16xf32>,
        %get3A_1095 = vector.shape_cast %get3A_1094 : vector<1x16xf32> to vector<16xf32>
        %get3A_1096 = arith.constant 0 : i32
        %get3A_1097 = arith.index_cast %get3A_1096 : i32 to index
        %get3A_1098 = arith.index_cast %add3A_1050 : i32 to index
        %get3A_1099 = arith.constant 48 : index
        %get3A_1100 = tpu.vector_load %arg7[%get3A_1097, %get3A_1098, %get3A_1099] {strides = array<i32>} : memref<2x256x64xf32, #tpu.memory_space<vmem>>, vector<1x1x16xf32>,
        %get3A_1101 = vector.shape_cast %get3A_1100 : vector<1x1x16xf32> to vector<16xf32>
        %sub3A_1102 = arith.subf %get3A_1101, %get3A_1095 : vector<16xf32>
        %mul3A_1103 = arith.mulf %sub3A_1102, %sub3A_1102 : vector<16xf32>
        %add3A_1104 = arith.addf %add3A_1046, %mul3A_1103 : vector<16xf32>
        scf.yield %add3A_1065, %add3A_1078, %add3A_1091, %add3A_1104 : vector<16xf32>, vector<16xf32>, vector<16xf32>, vector<16xf32>
      }
      %scan3A_117 = arith.constant 16 : i32
      %add3A_118 = arith.constant 2 : i32
      %add3A_119 = arith.addi %add3A_82, %add3A_118 : i32
      %lt3A = arith.constant 24 : i32
      %lt3A_120 = arith.cmpi slt, %add3A_119, %lt3A : i32
      %convert_element_type3A = arith.extui %lt3A_120 : i1 to i32
      %cond3A = arith.constant 0 : i32
      %cond3A_121 = arith.cmpi ne, %convert_element_type3A, %cond3A : i32
      scf.if %cond3A_121 {
        %add3A_169 = arith.constant 2 : i32
        %add3A_170 = arith.addi %add3A_82, %add3A_169 : i32
        %mul3A_171 = arith.constant 256 : i32
        %mul3A_172 = arith.muli %add3A_170, %mul3A_171 : i32
        %dma_start3A_173 = arith.constant 0 : i32
        %dma_start3A_174 = arith.constant 0 : i32
        %dma_start3A_175 = arith.constant 0 : i32
        %dma_start3A_176 = arith.constant 0 : i32
        %dma_start3A_177 = tpu.memref_slice %arg7[%dma_start3A_173, %dma_start3A_175, %dma_start3A_176] : memref<2x256x64xf32, #tpu.memory_space<vmem>> -> memref<1x256x64xf32, #tpu.memory_space<vmem>>
        %dma_start3A_178 = tpu.memref_squeeze %dma_start3A_177 : memref<1x256x64xf32, #tpu.memory_space<vmem>> -> memref<256x64xf32, #tpu.memory_space<vmem>>
        %dma_start3A_179 = tpu.memref_slice %arg2[%mul3A_172, %mul3A_2] : memref<6144x2048xf32, #tpu.memory_space<hbm>> -> memref<256x64xf32, #tpu.memory_space<hbm>>
        %dma_start3A_180 = tpu.memref_slice %arg10[%dma_start3A_174] : memref<2x!tpu.dma_semaphore, #tpu.memory_space<semaphore_mem>> -> memref<1x!tpu.dma_semaphore, #tpu.memory_space<semaphore_mem>>
        %dma_start3A_181 = tpu.memref_squeeze %dma_start3A_180 : memref<1x!tpu.dma_semaphore, #tpu.memory_space<semaphore_mem>> -> memref<!tpu.dma_semaphore, #tpu.memory_space<semaphore_mem>>
        %dma_start3A_182 = arith.constant 0 : i32
        %dma_start3A_183 = arith.constant 0 : i32
        %dma_start3A_184 = tpu.memref_slice %arg7[%dma_start3A_173, %dma_start3A_182, %dma_start3A_183] : memref<2x256x64xf32, #tpu.memory_space<vmem>> -> memref<1x256x64xf32, #tpu.memory_space<vmem>>
        %dma_start3A_185 = tpu.memref_squeeze %dma_start3A_184 : memref<1x256x64xf32, #tpu.memory_space<vmem>> -> memref<256x64xf32, #tpu.memory_space<vmem>>
        %dma_start3A_186 = tpu.memref_slice %arg2[%mul3A_172, %mul3A_2] : memref<6144x2048xf32, #tpu.memory_space<hbm>> -> memref<256x64xf32, #tpu.memory_space<hbm>>
        tpu.enqueue_dma source(%dma_start3A_186 : memref<256x64xf32, #tpu.memory_space<hbm>>) target(%dma_start3A_185 : memref<256x64xf32, #tpu.memory_space<vmem>>) target_semaphore(%dma_start3A_181 : memref<!tpu.dma_semaphore, #tpu.memory_space<semaphore_mem>>)
        %mul3A_187 = arith.constant 256 : i32
        %mul3A_188 = arith.muli %add3A_170, %mul3A_187 : i32
        %dma_start3A_189 = arith.constant 0 : i32
        %dma_start3A_190 = arith.constant 0 : i32
        %dma_start3A_191 = arith.constant 0 : i32
        %dma_start3A_192 = tpu.memref_slice %arg8[%dma_start3A_189, %dma_start3A_191] : memref<2x256xi32, #tpu.memory_space<vmem>> -> memref<1x256xi32, #tpu.memory_space<vmem>>
        %dma_start3A_193 = tpu.memref_squeeze %dma_start3A_192 : memref<1x256xi32, #tpu.memory_space<vmem>> -> memref<256xi32, #tpu.memory_space<vmem>>
        %dma_start3A_194 = tpu.memref_slice %arg3[%mul3A_188] : memref<6144xi32, #tpu.memory_space<hbm>> -> memref<256xi32, #tpu.memory_space<hbm>>
        %dma_start3A_195 = tpu.memref_slice %arg11[%dma_start3A_190] : memref<2x!tpu.dma_semaphore, #tpu.memory_space<semaphore_mem>> -> memref<1x!tpu.dma_semaphore, #tpu.memory_space<semaphore_mem>>
        %dma_start3A_196 = tpu.memref_squeeze %dma_start3A_195 : memref<1x!tpu.dma_semaphore, #tpu.memory_space<semaphore_mem>> -> memref<!tpu.dma_semaphore, #tpu.memory_space<semaphore_mem>>
        %dma_start3A_197 = arith.constant 0 : i32
        %dma_start3A_198 = tpu.memref_slice %arg8[%dma_start3A_189, %dma_start3A_197] : memref<2x256xi32, #tpu.memory_space<vmem>> -> memref<1x256xi32, #tpu.memory_space<vmem>>
        %dma_start3A_199 = tpu.memref_squeeze %dma_start3A_198 : memref<1x256xi32, #tpu.memory_space<vmem>> -> memref<256xi32, #tpu.memory_space<vmem>>
        %dma_start3A_200 = tpu.memref_slice %arg3[%mul3A_188] : memref<6144xi32, #tpu.memory_space<hbm>> -> memref<256xi32, #tpu.memory_space<hbm>>
        tpu.enqueue_dma source(%dma_start3A_200 : memref<256xi32, #tpu.memory_space<hbm>>) target(%dma_start3A_199 : memref<256xi32, #tpu.memory_space<vmem>>) target_semaphore(%dma_start3A_196 : memref<!tpu.dma_semaphore, #tpu.memory_space<semaphore_mem>>)
      } else {
      }
      %mul3A_122 = arith.constant 2 : i32
      %mul3A_123 = arith.muli %mul3A_122, %scan3A_74 : i32
      %add3A_124 = arith.constant 1 : i32
      %add3A_125 = arith.addi %mul3A_123, %add3A_124 : i32
      %dma_wait3A_126 = arith.constant 1 : i32
      %dma_wait3A_127 = arith.constant 1 : i32
      %dma_wait3A_128 = arith.constant 0 : i32
      %dma_wait3A_129 = arith.constant 0 : i32
      %dma_wait3A_130 = tpu.memref_slice %arg7[%dma_wait3A_126, %dma_wait3A_128, %dma_wait3A_129] : memref<2x256x64xf32, #tpu.memory_space<vmem>> -> memref<1x256x64xf32, #tpu.memory_space<vmem>>
      %dma_wait3A_131 = tpu.memref_squeeze %dma_wait3A_130 : memref<1x256x64xf32, #tpu.memory_space<vmem>> -> memref<256x64xf32, #tpu.memory_space<vmem>>
      %dma_wait3A_132 = arith.constant 0 : i32
      %dma_wait3A_133 = tpu.memref_slice %arg2[%dma_wait3A_132, %mul3A_2] : memref<6144x2048xf32, #tpu.memory_space<hbm>> -> memref<256x64xf32, #tpu.memory_space<hbm>>
      %dma_wait3A_134 = tpu.memref_slice %arg10[%dma_wait3A_127] : memref<2x!tpu.dma_semaphore, #tpu.memory_space<semaphore_mem>> -> memref<1x!tpu.dma_semaphore, #tpu.memory_space<semaphore_mem>>
      %dma_wait3A_135 = tpu.memref_squeeze %dma_wait3A_134 : memref<1x!tpu.dma_semaphore, #tpu.memory_space<semaphore_mem>> -> memref<!tpu.dma_semaphore, #tpu.memory_space<semaphore_mem>>
      %dma_wait3A_136 = arith.constant 0 : i32
      %dma_wait3A_137 = arith.constant 0 : i32
      %dma_wait3A_138 = tpu.memref_slice %arg7[%dma_wait3A_126, %dma_wait3A_136, %dma_wait3A_137] : memref<2x256x64xf32, #tpu.memory_space<vmem>> -> memref<1x256x64xf32, #tpu.memory_space<vmem>>
      %dma_wait3A_139 = tpu.memref_squeeze %dma_wait3A_138 : memref<1x256x64xf32, #tpu.memory_space<vmem>> -> memref<256x64xf32, #tpu.memory_space<vmem>>
      %dma_wait3A_140 = arith.constant 0 : i32
      %dma_wait3A_141 = tpu.memref_slice %arg2[%dma_wait3A_140, %mul3A_2] : memref<6144x2048xf32, #tpu.memory_space<hbm>> -> memref<256x64xf32, #tpu.memory_space<hbm>>
      tpu.wait_dma2 semaphore(%dma_wait3A_135 : memref<!tpu.dma_semaphore, #tpu.memory_space<semaphore_mem>>) src(%dma_wait3A_141 : memref<256x64xf32, #tpu.memory_space<hbm>>) dst(%dma_wait3A_139 : memref<256x64xf32, #tpu.memory_space<vmem>>)
      %dma_wait3A_142 = arith.constant 1 : i32
      %dma_wait3A_143 = arith.constant 1 : i32
      %dma_wait3A_144 = arith.constant 0 : i32
      %dma_wait3A_145 = tpu.memref_slice %arg8[%dma_wait3A_142, %dma_wait3A_144] : memref<2x256xi32, #tpu.memory_space<vmem>> -> memref<1x256xi32, #tpu.memory_space<vmem>>
      %dma_wait3A_146 = tpu.memref_squeeze %dma_wait3A_145 : memref<1x256xi32, #tpu.memory_space<vmem>> -> memref<256xi32, #tpu.memory_space<vmem>>
      %dma_wait3A_147 = arith.constant 0 : i32
      %dma_wait3A_148 = tpu.memref_slice %arg3[%dma_wait3A_147] : memref<6144xi32, #tpu.memory_space<hbm>> -> memref<256xi32, #tpu.memory_space<hbm>>
      %dma_wait3A_149 = tpu.memref_slice %arg11[%dma_wait3A_143] : memref<2x!tpu.dma_semaphore, #tpu.memory_space<semaphore_mem>> -> memref<1x!tpu.dma_semaphore, #tpu.memory_space<semaphore_mem>>
      %dma_wait3A_150 = tpu.memref_squeeze %dma_wait3A_149 : memref<1x!tpu.dma_semaphore, #tpu.memory_space<semaphore_mem>> -> memref<!tpu.dma_semaphore, #tpu.memory_space<semaphore_mem>>
      %dma_wait3A_151 = arith.constant 0 : i32
      %dma_wait3A_152 = tpu.memref_slice %arg8[%dma_wait3A_142, %dma_wait3A_151] : memref<2x256xi32, #tpu.memory_space<vmem>> -> memref<1x256xi32, #tpu.memory_space<vmem>>
      %dma_wait3A_153 = tpu.memref_squeeze %dma_wait3A_152 : memref<1x256xi32, #tpu.memory_space<vmem>> -> memref<256xi32, #tpu.memory_space<vmem>>
      %dma_wait3A_154 = arith.constant 0 : i32
      %dma_wait3A_155 = tpu.memref_slice %arg3[%dma_wait3A_154] : memref<6144xi32, #tpu.memory_space<hbm>> -> memref<256xi32, #tpu.memory_space<hbm>>
      tpu.wait_dma2 semaphore(%dma_wait3A_150 : memref<!tpu.dma_semaphore, #tpu.memory_space<semaphore_mem>>) src(%dma_wait3A_155 : memref<256xi32, #tpu.memory_space<hbm>>) dst(%dma_wait3A_153 : memref<256xi32, #tpu.memory_space<vmem>>)
      %scan3A_156 = arith.constant 0 : i32
      %scan3A_157 = arith.constant 16 : i32
      %scan3A_158 = arith.addi %scan3A_156, %scan3A_157 : i32
      %scan3A_159 = arith.constant 1 : i32
      %scan3A_160:4 = scf.for %scan3A_169 = %scan3A_156 to %scan3A_158 step %scan3A_159 iter_args(%scan3A_170 = %scan3A_116#0, %scan3A_171 = %scan3A_116#1, %scan3A_172 = %scan3A_116#2, %scan3A_173 = %scan3A_116#3) -> (vector<16xf32>, vector<16xf32>, vector<16xf32>, vector<16xf32>)  : i32 {
        %mul3A_174 = arith.constant 16 : i32
        %mul3A_175 = arith.muli %scan3A_169, %mul3A_174 : i32
        %get3A = arith.constant 1 : i32
        %get3A_176 = arith.index_cast %get3A : i32 to index
        %get3A_177 = arith.index_cast %mul3A_175 : i32 to index
        %get3A_178 = tpu.vector_load %arg8[%get3A_176, %get3A_177] {strides = array<i32>} : memref<2x256xi32, #tpu.memory_space<vmem>>, vector<1x16xi32>,
        %get3A_179 = vector.shape_cast %get3A_178 : vector<1x16xi32> to vector<16xi32>
        %mul3A_180 = arith.constant 16 : i32
        %mul3A_181 = arith.muli %scan3A_169, %mul3A_180 : i32
        %add3A_182 = arith.constant 0 : i32
        %add3A_183 = arith.addi %mul3A_181, %add3A_182 : i32
        %slice3A = vector.extract_strided_slice %get3A_179 {offsets = [0], sizes = [1], strides = [1]} : vector<16xi32> to vector<1xi32>
        %squeeze3A = vector.extract %slice3A[0] : i32 from vector<1xi32>
        %get3A_184 = arith.index_cast %squeeze3A : i32 to index
        %get3A_185 = arith.constant 0 : index
        %get3A_186 = tpu.vector_load %arg6[%get3A_184, %get3A_185] {strides = array<i32>} : memref<1000x64xf32, #tpu.memory_space<vmem>>, vector<1x16xf32>,
        %get3A_187 = vector.shape_cast %get3A_186 : vector<1x16xf32> to vector<16xf32>
        %get3A_188 = arith.constant 1 : i32
        %get3A_189 = arith.index_cast %get3A_188 : i32 to index
        %get3A_190 = arith.index_cast %add3A_183 : i32 to index
        %get3A_191 = arith.constant 0 : index
        %get3A_192 = tpu.vector_load %arg7[%get3A_189, %get3A_190, %get3A_191] {strides = array<i32>} : memref<2x256x64xf32, #tpu.memory_space<vmem>>, vector<1x1x16xf32>,
        %get3A_193 = vector.shape_cast %get3A_192 : vector<1x1x16xf32> to vector<16xf32>
        %sub3A = arith.subf %get3A_193, %get3A_187 : vector<16xf32>
        %mul3A_194 = arith.mulf %sub3A, %sub3A : vector<16xf32>
        %add3A_195 = arith.addf %scan3A_170, %mul3A_194 : vector<16xf32>
        %get3A_196 = arith.index_cast %squeeze3A : i32 to index
        %get3A_197 = arith.constant 16 : index
        %get3A_198 = tpu.vector_load %arg6[%get3A_196, %get3A_197] {strides = array<i32>} : memref<1000x64xf32, #tpu.memory_space<vmem>>, vector<1x16xf32>,
        %get3A_199 = vector.shape_cast %get3A_198 : vector<1x16xf32> to vector<16xf32>
        %get3A_200 = arith.constant 1 : i32
        %get3A_201 = arith.index_cast %get3A_200 : i32 to index
        %get3A_202 = arith.index_cast %add3A_183 : i32 to index
        %get3A_203 = arith.constant 16 : index
        %get3A_204 = tpu.vector_load %arg7[%get3A_201, %get3A_202, %get3A_203] {strides = array<i32>} : memref<2x256x64xf32, #tpu.memory_space<vmem>>, vector<1x1x16xf32>,
        %get3A_205 = vector.shape_cast %get3A_204 : vector<1x1x16xf32> to vector<16xf32>
        %sub3A_206 = arith.subf %get3A_205, %get3A_199 : vector<16xf32>
        %mul3A_207 = arith.mulf %sub3A_206, %sub3A_206 : vector<16xf32>
        %add3A_208 = arith.addf %scan3A_171, %mul3A_207 : vector<16xf32>
        %get3A_209 = arith.index_cast %squeeze3A : i32 to index
        %get3A_210 = arith.constant 32 : index
        %get3A_211 = tpu.vector_load %arg6[%get3A_209, %get3A_210] {strides = array<i32>} : memref<1000x64xf32, #tpu.memory_space<vmem>>, vector<1x16xf32>,
        %get3A_212 = vector.shape_cast %get3A_211 : vector<1x16xf32> to vector<16xf32>
        %get3A_213 = arith.constant 1 : i32
        %get3A_214 = arith.index_cast %get3A_213 : i32 to index
        %get3A_215 = arith.index_cast %add3A_183 : i32 to index
        %get3A_216 = arith.constant 32 : index
        %get3A_217 = tpu.vector_load %arg7[%get3A_214, %get3A_215, %get3A_216] {strides = array<i32>} : memref<2x256x64xf32, #tpu.memory_space<vmem>>, vector<1x1x16xf32>,
        %get3A_218 = vector.shape_cast %get3A_217 : vector<1x1x16xf32> to vector<16xf32>
        %sub3A_219 = arith.subf %get3A_218, %get3A_212 : vector<16xf32>
        %mul3A_220 = arith.mulf %sub3A_219, %sub3A_219 : vector<16xf32>
        %add3A_221 = arith.addf %scan3A_172, %mul3A_220 : vector<16xf32>
        %get3A_222 = arith.index_cast %squeeze3A : i32 to index
        %get3A_223 = arith.constant 48 : index
        %get3A_224 = tpu.vector_load %arg6[%get3A_222, %get3A_223] {strides = array<i32>} : memref<1000x64xf32, #tpu.memory_space<vmem>>, vector<1x16xf32>,
        %get3A_225 = vector.shape_cast %get3A_224 : vector<1x16xf32> to vector<16xf32>
        %get3A_226 = arith.constant 1 : i32
        %get3A_227 = arith.index_cast %get3A_226 : i32 to index
        %get3A_228 = arith.index_cast %add3A_183 : i32 to index
        %get3A_229 = arith.constant 48 : index
        %get3A_230 = tpu.vector_load %arg7[%get3A_227, %get3A_228, %get3A_229] {strides = array<i32>} : memref<2x256x64xf32, #tpu.memory_space<vmem>>, vector<1x1x16xf32>,
        %get3A_231 = vector.shape_cast %get3A_230 : vector<1x1x16xf32> to vector<16xf32>
        %sub3A_232 = arith.subf %get3A_231, %get3A_225 : vector<16xf32>
        %mul3A_233 = arith.mulf %sub3A_232, %sub3A_232 : vector<16xf32>
        %add3A_234 = arith.addf %scan3A_173, %mul3A_233 : vector<16xf32>
        %mul3A_235 = arith.constant 16 : i32
        %mul3A_236 = arith.muli %scan3A_169, %mul3A_235 : i32
        %add3A_237 = arith.constant 1 : i32
        %add3A_238 = arith.addi %mul3A_236, %add3A_237 : i32
        %slice3A_239 = vector.extract_strided_slice %get3A_179 {offsets = [1], sizes = [1], strides = [1]} : vector<16xi32> to vector<1xi32>
        %squeeze3A_240 = vector.extract %slice3A_239[0] : i32 from vector<1xi32>
        %get3A_241 = arith.index_cast %squeeze3A_240 : i32 to index
        %get3A_242 = arith.constant 0 : index
        %get3A_243 = tpu.vector_load %arg6[%get3A_241, %get3A_242] {strides = array<i32>} : memref<1000x64xf32, #tpu.memory_space<vmem>>, vector<1x16xf32>,
        %get3A_244 = vector.shape_cast %get3A_243 : vector<1x16xf32> to vector<16xf32>
        %get3A_245 = arith.constant 1 : i32
        %get3A_246 = arith.index_cast %get3A_245 : i32 to index
        %get3A_247 = arith.index_cast %add3A_238 : i32 to index
        %get3A_248 = arith.constant 0 : index
        %get3A_249 = tpu.vector_load %arg7[%get3A_246, %get3A_247, %get3A_248] {strides = array<i32>} : memref<2x256x64xf32, #tpu.memory_space<vmem>>, vector<1x1x16xf32>,
        %get3A_250 = vector.shape_cast %get3A_249 : vector<1x1x16xf32> to vector<16xf32>
        %sub3A_251 = arith.subf %get3A_250, %get3A_244 : vector<16xf32>
        %mul3A_252 = arith.mulf %sub3A_251, %sub3A_251 : vector<16xf32>
        %add3A_253 = arith.addf %add3A_195, %mul3A_252 : vector<16xf32>
        %get3A_254 = arith.index_cast %squeeze3A_240 : i32 to index
        %get3A_255 = arith.constant 16 : index
        %get3A_256 = tpu.vector_load %arg6[%get3A_254, %get3A_255] {strides = array<i32>} : memref<1000x64xf32, #tpu.memory_space<vmem>>, vector<1x16xf32>,
        %get3A_257 = vector.shape_cast %get3A_256 : vector<1x16xf32> to vector<16xf32>
        %get3A_258 = arith.constant 1 : i32
        %get3A_259 = arith.index_cast %get3A_258 : i32 to index
        %get3A_260 = arith.index_cast %add3A_238 : i32 to index
        %get3A_261 = arith.constant 16 : index
        %get3A_262 = tpu.vector_load %arg7[%get3A_259, %get3A_260, %get3A_261] {strides = array<i32>} : memref<2x256x64xf32, #tpu.memory_space<vmem>>, vector<1x1x16xf32>,
        %get3A_263 = vector.shape_cast %get3A_262 : vector<1x1x16xf32> to vector<16xf32>
        %sub3A_264 = arith.subf %get3A_263, %get3A_257 : vector<16xf32>
        %mul3A_265 = arith.mulf %sub3A_264, %sub3A_264 : vector<16xf32>
        %add3A_266 = arith.addf %add3A_208, %mul3A_265 : vector<16xf32>
        %get3A_267 = arith.index_cast %squeeze3A_240 : i32 to index
        %get3A_268 = arith.constant 32 : index
        %get3A_269 = tpu.vector_load %arg6[%get3A_267, %get3A_268] {strides = array<i32>} : memref<1000x64xf32, #tpu.memory_space<vmem>>, vector<1x16xf32>,
        %get3A_270 = vector.shape_cast %get3A_269 : vector<1x16xf32> to vector<16xf32>
        %get3A_271 = arith.constant 1 : i32
        %get3A_272 = arith.index_cast %get3A_271 : i32 to index
        %get3A_273 = arith.index_cast %add3A_238 : i32 to index
        %get3A_274 = arith.constant 32 : index
        %get3A_275 = tpu.vector_load %arg7[%get3A_272, %get3A_273, %get3A_274] {strides = array<i32>} : memref<2x256x64xf32, #tpu.memory_space<vmem>>, vector<1x1x16xf32>,
        %get3A_276 = vector.shape_cast %get3A_275 : vector<1x1x16xf32> to vector<16xf32>
        %sub3A_277 = arith.subf %get3A_276, %get3A_270 : vector<16xf32>
        %mul3A_278 = arith.mulf %sub3A_277, %sub3A_277 : vector<16xf32>
        %add3A_279 = arith.addf %add3A_221, %mul3A_278 : vector<16xf32>
        %get3A_280 = arith.index_cast %squeeze3A_240 : i32 to index
        %get3A_281 = arith.constant 48 : index
        %get3A_282 = tpu.vector_load %arg6[%get3A_280, %get3A_281] {strides = array<i32>} : memref<1000x64xf32, #tpu.memory_space<vmem>>, vector<1x16xf32>,
        %get3A_283 = vector.shape_cast %get3A_282 : vector<1x16xf32> to vector<16xf32>
        %get3A_284 = arith.constant 1 : i32
        %get3A_285 = arith.index_cast %get3A_284 : i32 to index
        %get3A_286 = arith.index_cast %add3A_238 : i32 to index
        %get3A_287 = arith.constant 48 : index
        %get3A_288 = tpu.vector_load %arg7[%get3A_285, %get3A_286, %get3A_287] {strides = array<i32>} : memref<2x256x64xf32, #tpu.memory_space<vmem>>, vector<1x1x16xf32>,
        %get3A_289 = vector.shape_cast %get3A_288 : vector<1x1x16xf32> to vector<16xf32>
        %sub3A_290 = arith.subf %get3A_289, %get3A_283 : vector<16xf32>
        %mul3A_291 = arith.mulf %sub3A_290, %sub3A_290 : vector<16xf32>
        %add3A_292 = arith.addf %add3A_234, %mul3A_291 : vector<16xf32>
        %mul3A_293 = arith.constant 16 : i32
        %mul3A_294 = arith.muli %scan3A_169, %mul3A_293 : i32
        %add3A_295 = arith.constant 2 : i32
        %add3A_296 = arith.addi %mul3A_294, %add3A_295 : i32
        %slice3A_297 = vector.extract_strided_slice %get3A_179 {offsets = [2], sizes = [1], strides = [1]} : vector<16xi32> to vector<1xi32>
        %squeeze3A_298 = vector.extract %slice3A_297[0] : i32 from vector<1xi32>
        %get3A_299 = arith.index_cast %squeeze3A_298 : i32 to index
        %get3A_300 = arith.constant 0 : index
        %get3A_301 = tpu.vector_load %arg6[%get3A_299, %get3A_300] {strides = array<i32>} : memref<1000x64xf32, #tpu.memory_space<vmem>>, vector<1x16xf32>,
        %get3A_302 = vector.shape_cast %get3A_301 : vector<1x16xf32> to vector<16xf32>
        %get3A_303 = arith.constant 1 : i32
        %get3A_304 = arith.index_cast %get3A_303 : i32 to index
        %get3A_305 = arith.index_cast %add3A_296 : i32 to index
        %get3A_306 = arith.constant 0 : index
        %get3A_307 = tpu.vector_load %arg7[%get3A_304, %get3A_305, %get3A_306] {strides = array<i32>} : memref<2x256x64xf32, #tpu.memory_space<vmem>>, vector<1x1x16xf32>,
        %get3A_308 = vector.shape_cast %get3A_307 : vector<1x1x16xf32> to vector<16xf32>
        %sub3A_309 = arith.subf %get3A_308, %get3A_302 : vector<16xf32>
        %mul3A_310 = arith.mulf %sub3A_309, %sub3A_309 : vector<16xf32>
        %add3A_311 = arith.addf %add3A_253, %mul3A_310 : vector<16xf32>
        %get3A_312 = arith.index_cast %squeeze3A_298 : i32 to index
        %get3A_313 = arith.constant 16 : index
        %get3A_314 = tpu.vector_load %arg6[%get3A_312, %get3A_313] {strides = array<i32>} : memref<1000x64xf32, #tpu.memory_space<vmem>>, vector<1x16xf32>,
        %get3A_315 = vector.shape_cast %get3A_314 : vector<1x16xf32> to vector<16xf32>
        %get3A_316 = arith.constant 1 : i32
        %get3A_317 = arith.index_cast %get3A_316 : i32 to index
        %get3A_318 = arith.index_cast %add3A_296 : i32 to index
        %get3A_319 = arith.constant 16 : index
        %get3A_320 = tpu.vector_load %arg7[%get3A_317, %get3A_318, %get3A_319] {strides = array<i32>} : memref<2x256x64xf32, #tpu.memory_space<vmem>>, vector<1x1x16xf32>,
        %get3A_321 = vector.shape_cast %get3A_320 : vector<1x1x16xf32> to vector<16xf32>
        %sub3A_322 = arith.subf %get3A_321, %get3A_315 : vector<16xf32>
        %mul3A_323 = arith.mulf %sub3A_322, %sub3A_322 : vector<16xf32>
        %add3A_324 = arith.addf %add3A_266, %mul3A_323 : vector<16xf32>
        %get3A_325 = arith.index_cast %squeeze3A_298 : i32 to index
        %get3A_326 = arith.constant 32 : index
        %get3A_327 = tpu.vector_load %arg6[%get3A_325, %get3A_326] {strides = array<i32>} : memref<1000x64xf32, #tpu.memory_space<vmem>>, vector<1x16xf32>,
        %get3A_328 = vector.shape_cast %get3A_327 : vector<1x16xf32> to vector<16xf32>
        %get3A_329 = arith.constant 1 : i32
        %get3A_330 = arith.index_cast %get3A_329 : i32 to index
        %get3A_331 = arith.index_cast %add3A_296 : i32 to index
        %get3A_332 = arith.constant 32 : index
        %get3A_333 = tpu.vector_load %arg7[%get3A_330, %get3A_331, %get3A_332] {strides = array<i32>} : memref<2x256x64xf32, #tpu.memory_space<vmem>>, vector<1x1x16xf32>,
        %get3A_334 = vector.shape_cast %get3A_333 : vector<1x1x16xf32> to vector<16xf32>
        %sub3A_335 = arith.subf %get3A_334, %get3A_328 : vector<16xf32>
        %mul3A_336 = arith.mulf %sub3A_335, %sub3A_335 : vector<16xf32>
        %add3A_337 = arith.addf %add3A_279, %mul3A_336 : vector<16xf32>
        %get3A_338 = arith.index_cast %squeeze3A_298 : i32 to index
        %get3A_339 = arith.constant 48 : index
        %get3A_340 = tpu.vector_load %arg6[%get3A_338, %get3A_339] {strides = array<i32>} : memref<1000x64xf32, #tpu.memory_space<vmem>>, vector<1x16xf32>,
        %get3A_341 = vector.shape_cast %get3A_340 : vector<1x16xf32> to vector<16xf32>
        %get3A_342 = arith.constant 1 : i32
        %get3A_343 = arith.index_cast %get3A_342 : i32 to index
        %get3A_344 = arith.index_cast %add3A_296 : i32 to index
        %get3A_345 = arith.constant 48 : index
        %get3A_346 = tpu.vector_load %arg7[%get3A_343, %get3A_344, %get3A_345] {strides = array<i32>} : memref<2x256x64xf32, #tpu.memory_space<vmem>>, vector<1x1x16xf32>,
        %get3A_347 = vector.shape_cast %get3A_346 : vector<1x1x16xf32> to vector<16xf32>
        %sub3A_348 = arith.subf %get3A_347, %get3A_341 : vector<16xf32>
        %mul3A_349 = arith.mulf %sub3A_348, %sub3A_348 : vector<16xf32>
        %add3A_350 = arith.addf %add3A_292, %mul3A_349 : vector<16xf32>
        %mul3A_351 = arith.constant 16 : i32
        %mul3A_352 = arith.muli %scan3A_169, %mul3A_351 : i32
        %add3A_353 = arith.constant 3 : i32
        %add3A_354 = arith.addi %mul3A_352, %add3A_353 : i32
        %slice3A_355 = vector.extract_strided_slice %get3A_179 {offsets = [3], sizes = [1], strides = [1]} : vector<16xi32> to vector<1xi32>
        %squeeze3A_356 = vector.extract %slice3A_355[0] : i32 from vector<1xi32>
        %get3A_357 = arith.index_cast %squeeze3A_356 : i32 to index
        %get3A_358 = arith.constant 0 : index
        %get3A_359 = tpu.vector_load %arg6[%get3A_357, %get3A_358] {strides = array<i32>} : memref<1000x64xf32, #tpu.memory_space<vmem>>, vector<1x16xf32>,
        %get3A_360 = vector.shape_cast %get3A_359 : vector<1x16xf32> to vector<16xf32>
        %get3A_361 = arith.constant 1 : i32
        %get3A_362 = arith.index_cast %get3A_361 : i32 to index
        %get3A_363 = arith.index_cast %add3A_354 : i32 to index
        %get3A_364 = arith.constant 0 : index
        %get3A_365 = tpu.vector_load %arg7[%get3A_362, %get3A_363, %get3A_364] {strides = array<i32>} : memref<2x256x64xf32, #tpu.memory_space<vmem>>, vector<1x1x16xf32>,
        %get3A_366 = vector.shape_cast %get3A_365 : vector<1x1x16xf32> to vector<16xf32>
        %sub3A_367 = arith.subf %get3A_366, %get3A_360 : vector<16xf32>
        %mul3A_368 = arith.mulf %sub3A_367, %sub3A_367 : vector<16xf32>
        %add3A_369 = arith.addf %add3A_311, %mul3A_368 : vector<16xf32>
        %get3A_370 = arith.index_cast %squeeze3A_356 : i32 to index
        %get3A_371 = arith.constant 16 : index
        %get3A_372 = tpu.vector_load %arg6[%get3A_370, %get3A_371] {strides = array<i32>} : memref<1000x64xf32, #tpu.memory_space<vmem>>, vector<1x16xf32>,
        %get3A_373 = vector.shape_cast %get3A_372 : vector<1x16xf32> to vector<16xf32>
        %get3A_374 = arith.constant 1 : i32
        %get3A_375 = arith.index_cast %get3A_374 : i32 to index
        %get3A_376 = arith.index_cast %add3A_354 : i32 to index
        %get3A_377 = arith.constant 16 : index
        %get3A_378 = tpu.vector_load %arg7[%get3A_375, %get3A_376, %get3A_377] {strides = array<i32>} : memref<2x256x64xf32, #tpu.memory_space<vmem>>, vector<1x1x16xf32>,
        %get3A_379 = vector.shape_cast %get3A_378 : vector<1x1x16xf32> to vector<16xf32>
        %sub3A_380 = arith.subf %get3A_379, %get3A_373 : vector<16xf32>
        %mul3A_381 = arith.mulf %sub3A_380, %sub3A_380 : vector<16xf32>
        %add3A_382 = arith.addf %add3A_324, %mul3A_381 : vector<16xf32>
        %get3A_383 = arith.index_cast %squeeze3A_356 : i32 to index
        %get3A_384 = arith.constant 32 : index
        %get3A_385 = tpu.vector_load %arg6[%get3A_383, %get3A_384] {strides = array<i32>} : memref<1000x64xf32, #tpu.memory_space<vmem>>, vector<1x16xf32>,
        %get3A_386 = vector.shape_cast %get3A_385 : vector<1x16xf32> to vector<16xf32>
        %get3A_387 = arith.constant 1 : i32
        %get3A_388 = arith.index_cast %get3A_387 : i32 to index
        %get3A_389 = arith.index_cast %add3A_354 : i32 to index
        %get3A_390 = arith.constant 32 : index
        %get3A_391 = tpu.vector_load %arg7[%get3A_388, %get3A_389, %get3A_390] {strides = array<i32>} : memref<2x256x64xf32, #tpu.memory_space<vmem>>, vector<1x1x16xf32>,
        %get3A_392 = vector.shape_cast %get3A_391 : vector<1x1x16xf32> to vector<16xf32>
        %sub3A_393 = arith.subf %get3A_392, %get3A_386 : vector<16xf32>
        %mul3A_394 = arith.mulf %sub3A_393, %sub3A_393 : vector<16xf32>
        %add3A_395 = arith.addf %add3A_337, %mul3A_394 : vector<16xf32>
        %get3A_396 = arith.index_cast %squeeze3A_356 : i32 to index
        %get3A_397 = arith.constant 48 : index
        %get3A_398 = tpu.vector_load %arg6[%get3A_396, %get3A_397] {strides = array<i32>} : memref<1000x64xf32, #tpu.memory_space<vmem>>, vector<1x16xf32>,
        %get3A_399 = vector.shape_cast %get3A_398 : vector<1x16xf32> to vector<16xf32>
        %get3A_400 = arith.constant 1 : i32
        %get3A_401 = arith.index_cast %get3A_400 : i32 to index
        %get3A_402 = arith.index_cast %add3A_354 : i32 to index
        %get3A_403 = arith.constant 48 : index
        %get3A_404 = tpu.vector_load %arg7[%get3A_401, %get3A_402, %get3A_403] {strides = array<i32>} : memref<2x256x64xf32, #tpu.memory_space<vmem>>, vector<1x1x16xf32>,
        %get3A_405 = vector.shape_cast %get3A_404 : vector<1x1x16xf32> to vector<16xf32>
        %sub3A_406 = arith.subf %get3A_405, %get3A_399 : vector<16xf32>
        %mul3A_407 = arith.mulf %sub3A_406, %sub3A_406 : vector<16xf32>
        %add3A_408 = arith.addf %add3A_350, %mul3A_407 : vector<16xf32>
        %mul3A_409 = arith.constant 16 : i32
        %mul3A_410 = arith.muli %scan3A_169, %mul3A_409 : i32
        %add3A_411 = arith.constant 4 : i32
        %add3A_412 = arith.addi %mul3A_410, %add3A_411 : i32
        %slice3A_413 = vector.extract_strided_slice %get3A_179 {offsets = [4], sizes = [1], strides = [1]} : vector<16xi32> to vector<1xi32>
        %squeeze3A_414 = vector.extract %slice3A_413[0] : i32 from vector<1xi32>
        %get3A_415 = arith.index_cast %squeeze3A_414 : i32 to index
        %get3A_416 = arith.constant 0 : index
        %get3A_417 = tpu.vector_load %arg6[%get3A_415, %get3A_416] {strides = array<i32>} : memref<1000x64xf32, #tpu.memory_space<vmem>>, vector<1x16xf32>,
        %get3A_418 = vector.shape_cast %get3A_417 : vector<1x16xf32> to vector<16xf32>
        %get3A_419 = arith.constant 1 : i32
        %get3A_420 = arith.index_cast %get3A_419 : i32 to index
        %get3A_421 = arith.index_cast %add3A_412 : i32 to index
        %get3A_422 = arith.constant 0 : index
        %get3A_423 = tpu.vector_load %arg7[%get3A_420, %get3A_421, %get3A_422] {strides = array<i32>} : memref<2x256x64xf32, #tpu.memory_space<vmem>>, vector<1x1x16xf32>,
        %get3A_424 = vector.shape_cast %get3A_423 : vector<1x1x16xf32> to vector<16xf32>
        %sub3A_425 = arith.subf %get3A_424, %get3A_418 : vector<16xf32>
        %mul3A_426 = arith.mulf %sub3A_425, %sub3A_425 : vector<16xf32>
        %add3A_427 = arith.addf %add3A_369, %mul3A_426 : vector<16xf32>
        %get3A_428 = arith.index_cast %squeeze3A_414 : i32 to index
        %get3A_429 = arith.constant 16 : index
        %get3A_430 = tpu.vector_load %arg6[%get3A_428, %get3A_429] {strides = array<i32>} : memref<1000x64xf32, #tpu.memory_space<vmem>>, vector<1x16xf32>,
        %get3A_431 = vector.shape_cast %get3A_430 : vector<1x16xf32> to vector<16xf32>
        %get3A_432 = arith.constant 1 : i32
        %get3A_433 = arith.index_cast %get3A_432 : i32 to index
        %get3A_434 = arith.index_cast %add3A_412 : i32 to index
        %get3A_435 = arith.constant 16 : index
        %get3A_436 = tpu.vector_load %arg7[%get3A_433, %get3A_434, %get3A_435] {strides = array<i32>} : memref<2x256x64xf32, #tpu.memory_space<vmem>>, vector<1x1x16xf32>,
        %get3A_437 = vector.shape_cast %get3A_436 : vector<1x1x16xf32> to vector<16xf32>
        %sub3A_438 = arith.subf %get3A_437, %get3A_431 : vector<16xf32>
        %mul3A_439 = arith.mulf %sub3A_438, %sub3A_438 : vector<16xf32>
        %add3A_440 = arith.addf %add3A_382, %mul3A_439 : vector<16xf32>
        %get3A_441 = arith.index_cast %squeeze3A_414 : i32 to index
        %get3A_442 = arith.constant 32 : index
        %get3A_443 = tpu.vector_load %arg6[%get3A_441, %get3A_442] {strides = array<i32>} : memref<1000x64xf32, #tpu.memory_space<vmem>>, vector<1x16xf32>,
        %get3A_444 = vector.shape_cast %get3A_443 : vector<1x16xf32> to vector<16xf32>
        %get3A_445 = arith.constant 1 : i32
        %get3A_446 = arith.index_cast %get3A_445 : i32 to index
        %get3A_447 = arith.index_cast %add3A_412 : i32 to index
        %get3A_448 = arith.constant 32 : index
        %get3A_449 = tpu.vector_load %arg7[%get3A_446, %get3A_447, %get3A_448] {strides = array<i32>} : memref<2x256x64xf32, #tpu.memory_space<vmem>>, vector<1x1x16xf32>,
        %get3A_450 = vector.shape_cast %get3A_449 : vector<1x1x16xf32> to vector<16xf32>
        %sub3A_451 = arith.subf %get3A_450, %get3A_444 : vector<16xf32>
        %mul3A_452 = arith.mulf %sub3A_451, %sub3A_451 : vector<16xf32>
        %add3A_453 = arith.addf %add3A_395, %mul3A_452 : vector<16xf32>
        %get3A_454 = arith.index_cast %squeeze3A_414 : i32 to index
        %get3A_455 = arith.constant 48 : index
        %get3A_456 = tpu.vector_load %arg6[%get3A_454, %get3A_455] {strides = array<i32>} : memref<1000x64xf32, #tpu.memory_space<vmem>>, vector<1x16xf32>,
        %get3A_457 = vector.shape_cast %get3A_456 : vector<1x16xf32> to vector<16xf32>
        %get3A_458 = arith.constant 1 : i32
        %get3A_459 = arith.index_cast %get3A_458 : i32 to index
        %get3A_460 = arith.index_cast %add3A_412 : i32 to index
        %get3A_461 = arith.constant 48 : index
        %get3A_462 = tpu.vector_load %arg7[%get3A_459, %get3A_460, %get3A_461] {strides = array<i32>} : memref<2x256x64xf32, #tpu.memory_space<vmem>>, vector<1x1x16xf32>,
        %get3A_463 = vector.shape_cast %get3A_462 : vector<1x1x16xf32> to vector<16xf32>
        %sub3A_464 = arith.subf %get3A_463, %get3A_457 : vector<16xf32>
        %mul3A_465 = arith.mulf %sub3A_464, %sub3A_464 : vector<16xf32>
        %add3A_466 = arith.addf %add3A_408, %mul3A_465 : vector<16xf32>
        %mul3A_467 = arith.constant 16 : i32
        %mul3A_468 = arith.muli %scan3A_169, %mul3A_467 : i32
        %add3A_469 = arith.constant 5 : i32
        %add3A_470 = arith.addi %mul3A_468, %add3A_469 : i32
        %slice3A_471 = vector.extract_strided_slice %get3A_179 {offsets = [5], sizes = [1], strides = [1]} : vector<16xi32> to vector<1xi32>
        %squeeze3A_472 = vector.extract %slice3A_471[0] : i32 from vector<1xi32>
        %get3A_473 = arith.index_cast %squeeze3A_472 : i32 to index
        %get3A_474 = arith.constant 0 : index
        %get3A_475 = tpu.vector_load %arg6[%get3A_473, %get3A_474] {strides = array<i32>} : memref<1000x64xf32, #tpu.memory_space<vmem>>, vector<1x16xf32>,
        %get3A_476 = vector.shape_cast %get3A_475 : vector<1x16xf32> to vector<16xf32>
        %get3A_477 = arith.constant 1 : i32
        %get3A_478 = arith.index_cast %get3A_477 : i32 to index
        %get3A_479 = arith.index_cast %add3A_470 : i32 to index
        %get3A_480 = arith.constant 0 : index
        %get3A_481 = tpu.vector_load %arg7[%get3A_478, %get3A_479, %get3A_480] {strides = array<i32>} : memref<2x256x64xf32, #tpu.memory_space<vmem>>, vector<1x1x16xf32>,
        %get3A_482 = vector.shape_cast %get3A_481 : vector<1x1x16xf32> to vector<16xf32>
        %sub3A_483 = arith.subf %get3A_482, %get3A_476 : vector<16xf32>
        %mul3A_484 = arith.mulf %sub3A_483, %sub3A_483 : vector<16xf32>
        %add3A_485 = arith.addf %add3A_427, %mul3A_484 : vector<16xf32>
        %get3A_486 = arith.index_cast %squeeze3A_472 : i32 to index
        %get3A_487 = arith.constant 16 : index
        %get3A_488 = tpu.vector_load %arg6[%get3A_486, %get3A_487] {strides = array<i32>} : memref<1000x64xf32, #tpu.memory_space<vmem>>, vector<1x16xf32>,
        %get3A_489 = vector.shape_cast %get3A_488 : vector<1x16xf32> to vector<16xf32>
        %get3A_490 = arith.constant 1 : i32
        %get3A_491 = arith.index_cast %get3A_490 : i32 to index
        %get3A_492 = arith.index_cast %add3A_470 : i32 to index
        %get3A_493 = arith.constant 16 : index
        %get3A_494 = tpu.vector_load %arg7[%get3A_491, %get3A_492, %get3A_493] {strides = array<i32>} : memref<2x256x64xf32, #tpu.memory_space<vmem>>, vector<1x1x16xf32>,
        %get3A_495 = vector.shape_cast %get3A_494 : vector<1x1x16xf32> to vector<16xf32>
        %sub3A_496 = arith.subf %get3A_495, %get3A_489 : vector<16xf32>
        %mul3A_497 = arith.mulf %sub3A_496, %sub3A_496 : vector<16xf32>
        %add3A_498 = arith.addf %add3A_440, %mul3A_497 : vector<16xf32>
        %get3A_499 = arith.index_cast %squeeze3A_472 : i32 to index
        %get3A_500 = arith.constant 32 : index
        %get3A_501 = tpu.vector_load %arg6[%get3A_499, %get3A_500] {strides = array<i32>} : memref<1000x64xf32, #tpu.memory_space<vmem>>, vector<1x16xf32>,
        %get3A_502 = vector.shape_cast %get3A_501 : vector<1x16xf32> to vector<16xf32>
        %get3A_503 = arith.constant 1 : i32
        %get3A_504 = arith.index_cast %get3A_503 : i32 to index
        %get3A_505 = arith.index_cast %add3A_470 : i32 to index
        %get3A_506 = arith.constant 32 : index
        %get3A_507 = tpu.vector_load %arg7[%get3A_504, %get3A_505, %get3A_506] {strides = array<i32>} : memref<2x256x64xf32, #tpu.memory_space<vmem>>, vector<1x1x16xf32>,
        %get3A_508 = vector.shape_cast %get3A_507 : vector<1x1x16xf32> to vector<16xf32>
        %sub3A_509 = arith.subf %get3A_508, %get3A_502 : vector<16xf32>
        %mul3A_510 = arith.mulf %sub3A_509, %sub3A_509 : vector<16xf32>
        %add3A_511 = arith.addf %add3A_453, %mul3A_510 : vector<16xf32>
        %get3A_512 = arith.index_cast %squeeze3A_472 : i32 to index
        %get3A_513 = arith.constant 48 : index
        %get3A_514 = tpu.vector_load %arg6[%get3A_512, %get3A_513] {strides = array<i32>} : memref<1000x64xf32, #tpu.memory_space<vmem>>, vector<1x16xf32>,
        %get3A_515 = vector.shape_cast %get3A_514 : vector<1x16xf32> to vector<16xf32>
        %get3A_516 = arith.constant 1 : i32
        %get3A_517 = arith.index_cast %get3A_516 : i32 to index
        %get3A_518 = arith.index_cast %add3A_470 : i32 to index
        %get3A_519 = arith.constant 48 : index
        %get3A_520 = tpu.vector_load %arg7[%get3A_517, %get3A_518, %get3A_519] {strides = array<i32>} : memref<2x256x64xf32, #tpu.memory_space<vmem>>, vector<1x1x16xf32>,
        %get3A_521 = vector.shape_cast %get3A_520 : vector<1x1x16xf32> to vector<16xf32>
        %sub3A_522 = arith.subf %get3A_521, %get3A_515 : vector<16xf32>
        %mul3A_523 = arith.mulf %sub3A_522, %sub3A_522 : vector<16xf32>
        %add3A_524 = arith.addf %add3A_466, %mul3A_523 : vector<16xf32>
        %mul3A_525 = arith.constant 16 : i32
        %mul3A_526 = arith.muli %scan3A_169, %mul3A_525 : i32
        %add3A_527 = arith.constant 6 : i32
        %add3A_528 = arith.addi %mul3A_526, %add3A_527 : i32
        %slice3A_529 = vector.extract_strided_slice %get3A_179 {offsets = [6], sizes = [1], strides = [1]} : vector<16xi32> to vector<1xi32>
        %squeeze3A_530 = vector.extract %slice3A_529[0] : i32 from vector<1xi32>
        %get3A_531 = arith.index_cast %squeeze3A_530 : i32 to index
        %get3A_532 = arith.constant 0 : index
        %get3A_533 = tpu.vector_load %arg6[%get3A_531, %get3A_532] {strides = array<i32>} : memref<1000x64xf32, #tpu.memory_space<vmem>>, vector<1x16xf32>,
        %get3A_534 = vector.shape_cast %get3A_533 : vector<1x16xf32> to vector<16xf32>
        %get3A_535 = arith.constant 1 : i32
        %get3A_536 = arith.index_cast %get3A_535 : i32 to index
        %get3A_537 = arith.index_cast %add3A_528 : i32 to index
        %get3A_538 = arith.constant 0 : index
        %get3A_539 = tpu.vector_load %arg7[%get3A_536, %get3A_537, %get3A_538] {strides = array<i32>} : memref<2x256x64xf32, #tpu.memory_space<vmem>>, vector<1x1x16xf32>,
        %get3A_540 = vector.shape_cast %get3A_539 : vector<1x1x16xf32> to vector<16xf32>
        %sub3A_541 = arith.subf %get3A_540, %get3A_534 : vector<16xf32>
        %mul3A_542 = arith.mulf %sub3A_541, %sub3A_541 : vector<16xf32>
        %add3A_543 = arith.addf %add3A_485, %mul3A_542 : vector<16xf32>
        %get3A_544 = arith.index_cast %squeeze3A_530 : i32 to index
        %get3A_545 = arith.constant 16 : index
        %get3A_546 = tpu.vector_load %arg6[%get3A_544, %get3A_545] {strides = array<i32>} : memref<1000x64xf32, #tpu.memory_space<vmem>>, vector<1x16xf32>,
        %get3A_547 = vector.shape_cast %get3A_546 : vector<1x16xf32> to vector<16xf32>
        %get3A_548 = arith.constant 1 : i32
        %get3A_549 = arith.index_cast %get3A_548 : i32 to index
        %get3A_550 = arith.index_cast %add3A_528 : i32 to index
        %get3A_551 = arith.constant 16 : index
        %get3A_552 = tpu.vector_load %arg7[%get3A_549, %get3A_550, %get3A_551] {strides = array<i32>} : memref<2x256x64xf32, #tpu.memory_space<vmem>>, vector<1x1x16xf32>,
        %get3A_553 = vector.shape_cast %get3A_552 : vector<1x1x16xf32> to vector<16xf32>
        %sub3A_554 = arith.subf %get3A_553, %get3A_547 : vector<16xf32>
        %mul3A_555 = arith.mulf %sub3A_554, %sub3A_554 : vector<16xf32>
        %add3A_556 = arith.addf %add3A_498, %mul3A_555 : vector<16xf32>
        %get3A_557 = arith.index_cast %squeeze3A_530 : i32 to index
        %get3A_558 = arith.constant 32 : index
        %get3A_559 = tpu.vector_load %arg6[%get3A_557, %get3A_558] {strides = array<i32>} : memref<1000x64xf32, #tpu.memory_space<vmem>>, vector<1x16xf32>,
        %get3A_560 = vector.shape_cast %get3A_559 : vector<1x16xf32> to vector<16xf32>
        %get3A_561 = arith.constant 1 : i32
        %get3A_562 = arith.index_cast %get3A_561 : i32 to index
        %get3A_563 = arith.index_cast %add3A_528 : i32 to index
        %get3A_564 = arith.constant 32 : index
        %get3A_565 = tpu.vector_load %arg7[%get3A_562, %get3A_563, %get3A_564] {strides = array<i32>} : memref<2x256x64xf32, #tpu.memory_space<vmem>>, vector<1x1x16xf32>,
        %get3A_566 = vector.shape_cast %get3A_565 : vector<1x1x16xf32> to vector<16xf32>
        %sub3A_567 = arith.subf %get3A_566, %get3A_560 : vector<16xf32>
        %mul3A_568 = arith.mulf %sub3A_567, %sub3A_567 : vector<16xf32>
        %add3A_569 = arith.addf %add3A_511, %mul3A_568 : vector<16xf32>
        %get3A_570 = arith.index_cast %squeeze3A_530 : i32 to index
        %get3A_571 = arith.constant 48 : index
        %get3A_572 = tpu.vector_load %arg6[%get3A_570, %get3A_571] {strides = array<i32>} : memref<1000x64xf32, #tpu.memory_space<vmem>>, vector<1x16xf32>,
        %get3A_573 = vector.shape_cast %get3A_572 : vector<1x16xf32> to vector<16xf32>
        %get3A_574 = arith.constant 1 : i32
        %get3A_575 = arith.index_cast %get3A_574 : i32 to index
        %get3A_576 = arith.index_cast %add3A_528 : i32 to index
        %get3A_577 = arith.constant 48 : index
        %get3A_578 = tpu.vector_load %arg7[%get3A_575, %get3A_576, %get3A_577] {strides = array<i32>} : memref<2x256x64xf32, #tpu.memory_space<vmem>>, vector<1x1x16xf32>,
        %get3A_579 = vector.shape_cast %get3A_578 : vector<1x1x16xf32> to vector<16xf32>
        %sub3A_580 = arith.subf %get3A_579, %get3A_573 : vector<16xf32>
        %mul3A_581 = arith.mulf %sub3A_580, %sub3A_580 : vector<16xf32>
        %add3A_582 = arith.addf %add3A_524, %mul3A_581 : vector<16xf32>
        %mul3A_583 = arith.constant 16 : i32
        %mul3A_584 = arith.muli %scan3A_169, %mul3A_583 : i32
        %add3A_585 = arith.constant 7 : i32
        %add3A_586 = arith.addi %mul3A_584, %add3A_585 : i32
        %slice3A_587 = vector.extract_strided_slice %get3A_179 {offsets = [7], sizes = [1], strides = [1]} : vector<16xi32> to vector<1xi32>
        %squeeze3A_588 = vector.extract %slice3A_587[0] : i32 from vector<1xi32>
        %get3A_589 = arith.index_cast %squeeze3A_588 : i32 to index
        %get3A_590 = arith.constant 0 : index
        %get3A_591 = tpu.vector_load %arg6[%get3A_589, %get3A_590] {strides = array<i32>} : memref<1000x64xf32, #tpu.memory_space<vmem>>, vector<1x16xf32>,
        %get3A_592 = vector.shape_cast %get3A_591 : vector<1x16xf32> to vector<16xf32>
        %get3A_593 = arith.constant 1 : i32
        %get3A_594 = arith.index_cast %get3A_593 : i32 to index
        %get3A_595 = arith.index_cast %add3A_586 : i32 to index
        %get3A_596 = arith.constant 0 : index
        %get3A_597 = tpu.vector_load %arg7[%get3A_594, %get3A_595, %get3A_596] {strides = array<i32>} : memref<2x256x64xf32, #tpu.memory_space<vmem>>, vector<1x1x16xf32>,
        %get3A_598 = vector.shape_cast %get3A_597 : vector<1x1x16xf32> to vector<16xf32>
        %sub3A_599 = arith.subf %get3A_598, %get3A_592 : vector<16xf32>
        %mul3A_600 = arith.mulf %sub3A_599, %sub3A_599 : vector<16xf32>
        %add3A_601 = arith.addf %add3A_543, %mul3A_600 : vector<16xf32>
        %get3A_602 = arith.index_cast %squeeze3A_588 : i32 to index
        %get3A_603 = arith.constant 16 : index
        %get3A_604 = tpu.vector_load %arg6[%get3A_602, %get3A_603] {strides = array<i32>} : memref<1000x64xf32, #tpu.memory_space<vmem>>, vector<1x16xf32>,
        %get3A_605 = vector.shape_cast %get3A_604 : vector<1x16xf32> to vector<16xf32>
        %get3A_606 = arith.constant 1 : i32
        %get3A_607 = arith.index_cast %get3A_606 : i32 to index
        %get3A_608 = arith.index_cast %add3A_586 : i32 to index
        %get3A_609 = arith.constant 16 : index
        %get3A_610 = tpu.vector_load %arg7[%get3A_607, %get3A_608, %get3A_609] {strides = array<i32>} : memref<2x256x64xf32, #tpu.memory_space<vmem>>, vector<1x1x16xf32>,
        %get3A_611 = vector.shape_cast %get3A_610 : vector<1x1x16xf32> to vector<16xf32>
        %sub3A_612 = arith.subf %get3A_611, %get3A_605 : vector<16xf32>
        %mul3A_613 = arith.mulf %sub3A_612, %sub3A_612 : vector<16xf32>
        %add3A_614 = arith.addf %add3A_556, %mul3A_613 : vector<16xf32>
        %get3A_615 = arith.index_cast %squeeze3A_588 : i32 to index
        %get3A_616 = arith.constant 32 : index
        %get3A_617 = tpu.vector_load %arg6[%get3A_615, %get3A_616] {strides = array<i32>} : memref<1000x64xf32, #tpu.memory_space<vmem>>, vector<1x16xf32>,
        %get3A_618 = vector.shape_cast %get3A_617 : vector<1x16xf32> to vector<16xf32>
        %get3A_619 = arith.constant 1 : i32
        %get3A_620 = arith.index_cast %get3A_619 : i32 to index
        %get3A_621 = arith.index_cast %add3A_586 : i32 to index
        %get3A_622 = arith.constant 32 : index
        %get3A_623 = tpu.vector_load %arg7[%get3A_620, %get3A_621, %get3A_622] {strides = array<i32>} : memref<2x256x64xf32, #tpu.memory_space<vmem>>, vector<1x1x16xf32>,
        %get3A_624 = vector.shape_cast %get3A_623 : vector<1x1x16xf32> to vector<16xf32>
        %sub3A_625 = arith.subf %get3A_624, %get3A_618 : vector<16xf32>
        %mul3A_626 = arith.mulf %sub3A_625, %sub3A_625 : vector<16xf32>
        %add3A_627 = arith.addf %add3A_569, %mul3A_626 : vector<16xf32>
        %get3A_628 = arith.index_cast %squeeze3A_588 : i32 to index
        %get3A_629 = arith.constant 48 : index
        %get3A_630 = tpu.vector_load %arg6[%get3A_628, %get3A_629] {strides = array<i32>} : memref<1000x64xf32, #tpu.memory_space<vmem>>, vector<1x16xf32>,
        %get3A_631 = vector.shape_cast %get3A_630 : vector<1x16xf32> to vector<16xf32>
        %get3A_632 = arith.constant 1 : i32
        %get3A_633 = arith.index_cast %get3A_632 : i32 to index
        %get3A_634 = arith.index_cast %add3A_586 : i32 to index
        %get3A_635 = arith.constant 48 : index
        %get3A_636 = tpu.vector_load %arg7[%get3A_633, %get3A_634, %get3A_635] {strides = array<i32>} : memref<2x256x64xf32, #tpu.memory_space<vmem>>, vector<1x1x16xf32>,
        %get3A_637 = vector.shape_cast %get3A_636 : vector<1x1x16xf32> to vector<16xf32>
        %sub3A_638 = arith.subf %get3A_637, %get3A_631 : vector<16xf32>
        %mul3A_639 = arith.mulf %sub3A_638, %sub3A_638 : vector<16xf32>
        %add3A_640 = arith.addf %add3A_582, %mul3A_639 : vector<16xf32>
        %mul3A_641 = arith.constant 16 : i32
        %mul3A_642 = arith.muli %scan3A_169, %mul3A_641 : i32
        %add3A_643 = arith.constant 8 : i32
        %add3A_644 = arith.addi %mul3A_642, %add3A_643 : i32
        %slice3A_645 = vector.extract_strided_slice %get3A_179 {offsets = [8], sizes = [1], strides = [1]} : vector<16xi32> to vector<1xi32>
        %squeeze3A_646 = vector.extract %slice3A_645[0] : i32 from vector<1xi32>
        %get3A_647 = arith.index_cast %squeeze3A_646 : i32 to index
        %get3A_648 = arith.constant 0 : index
        %get3A_649 = tpu.vector_load %arg6[%get3A_647, %get3A_648] {strides = array<i32>} : memref<1000x64xf32, #tpu.memory_space<vmem>>, vector<1x16xf32>,
        %get3A_650 = vector.shape_cast %get3A_649 : vector<1x16xf32> to vector<16xf32>
        %get3A_651 = arith.constant 1 : i32
        %get3A_652 = arith.index_cast %get3A_651 : i32 to index
        %get3A_653 = arith.index_cast %add3A_644 : i32 to index
        %get3A_654 = arith.constant 0 : index
        %get3A_655 = tpu.vector_load %arg7[%get3A_652, %get3A_653, %get3A_654] {strides = array<i32>} : memref<2x256x64xf32, #tpu.memory_space<vmem>>, vector<1x1x16xf32>,
        %get3A_656 = vector.shape_cast %get3A_655 : vector<1x1x16xf32> to vector<16xf32>
        %sub3A_657 = arith.subf %get3A_656, %get3A_650 : vector<16xf32>
        %mul3A_658 = arith.mulf %sub3A_657, %sub3A_657 : vector<16xf32>
        %add3A_659 = arith.addf %add3A_601, %mul3A_658 : vector<16xf32>
        %get3A_660 = arith.index_cast %squeeze3A_646 : i32 to index
        %get3A_661 = arith.constant 16 : index
        %get3A_662 = tpu.vector_load %arg6[%get3A_660, %get3A_661] {strides = array<i32>} : memref<1000x64xf32, #tpu.memory_space<vmem>>, vector<1x16xf32>,
        %get3A_663 = vector.shape_cast %get3A_662 : vector<1x16xf32> to vector<16xf32>
        %get3A_664 = arith.constant 1 : i32
        %get3A_665 = arith.index_cast %get3A_664 : i32 to index
        %get3A_666 = arith.index_cast %add3A_644 : i32 to index
        %get3A_667 = arith.constant 16 : index
        %get3A_668 = tpu.vector_load %arg7[%get3A_665, %get3A_666, %get3A_667] {strides = array<i32>} : memref<2x256x64xf32, #tpu.memory_space<vmem>>, vector<1x1x16xf32>,
        %get3A_669 = vector.shape_cast %get3A_668 : vector<1x1x16xf32> to vector<16xf32>
        %sub3A_670 = arith.subf %get3A_669, %get3A_663 : vector<16xf32>
        %mul3A_671 = arith.mulf %sub3A_670, %sub3A_670 : vector<16xf32>
        %add3A_672 = arith.addf %add3A_614, %mul3A_671 : vector<16xf32>
        %get3A_673 = arith.index_cast %squeeze3A_646 : i32 to index
        %get3A_674 = arith.constant 32 : index
        %get3A_675 = tpu.vector_load %arg6[%get3A_673, %get3A_674] {strides = array<i32>} : memref<1000x64xf32, #tpu.memory_space<vmem>>, vector<1x16xf32>,
        %get3A_676 = vector.shape_cast %get3A_675 : vector<1x16xf32> to vector<16xf32>
        %get3A_677 = arith.constant 1 : i32
        %get3A_678 = arith.index_cast %get3A_677 : i32 to index
        %get3A_679 = arith.index_cast %add3A_644 : i32 to index
        %get3A_680 = arith.constant 32 : index
        %get3A_681 = tpu.vector_load %arg7[%get3A_678, %get3A_679, %get3A_680] {strides = array<i32>} : memref<2x256x64xf32, #tpu.memory_space<vmem>>, vector<1x1x16xf32>,
        %get3A_682 = vector.shape_cast %get3A_681 : vector<1x1x16xf32> to vector<16xf32>
        %sub3A_683 = arith.subf %get3A_682, %get3A_676 : vector<16xf32>
        %mul3A_684 = arith.mulf %sub3A_683, %sub3A_683 : vector<16xf32>
        %add3A_685 = arith.addf %add3A_627, %mul3A_684 : vector<16xf32>
        %get3A_686 = arith.index_cast %squeeze3A_646 : i32 to index
        %get3A_687 = arith.constant 48 : index
        %get3A_688 = tpu.vector_load %arg6[%get3A_686, %get3A_687] {strides = array<i32>} : memref<1000x64xf32, #tpu.memory_space<vmem>>, vector<1x16xf32>,
        %get3A_689 = vector.shape_cast %get3A_688 : vector<1x16xf32> to vector<16xf32>
        %get3A_690 = arith.constant 1 : i32
        %get3A_691 = arith.index_cast %get3A_690 : i32 to index
        %get3A_692 = arith.index_cast %add3A_644 : i32 to index
        %get3A_693 = arith.constant 48 : index
        %get3A_694 = tpu.vector_load %arg7[%get3A_691, %get3A_692, %get3A_693] {strides = array<i32>} : memref<2x256x64xf32, #tpu.memory_space<vmem>>, vector<1x1x16xf32>,
        %get3A_695 = vector.shape_cast %get3A_694 : vector<1x1x16xf32> to vector<16xf32>
        %sub3A_696 = arith.subf %get3A_695, %get3A_689 : vector<16xf32>
        %mul3A_697 = arith.mulf %sub3A_696, %sub3A_696 : vector<16xf32>
        %add3A_698 = arith.addf %add3A_640, %mul3A_697 : vector<16xf32>
        %mul3A_699 = arith.constant 16 : i32
        %mul3A_700 = arith.muli %scan3A_169, %mul3A_699 : i32
        %add3A_701 = arith.constant 9 : i32
        %add3A_702 = arith.addi %mul3A_700, %add3A_701 : i32
        %slice3A_703 = vector.extract_strided_slice %get3A_179 {offsets = [9], sizes = [1], strides = [1]} : vector<16xi32> to vector<1xi32>
        %squeeze3A_704 = vector.extract %slice3A_703[0] : i32 from vector<1xi32>
        %get3A_705 = arith.index_cast %squeeze3A_704 : i32 to index
        %get3A_706 = arith.constant 0 : index
        %get3A_707 = tpu.vector_load %arg6[%get3A_705, %get3A_706] {strides = array<i32>} : memref<1000x64xf32, #tpu.memory_space<vmem>>, vector<1x16xf32>,
        %get3A_708 = vector.shape_cast %get3A_707 : vector<1x16xf32> to vector<16xf32>
        %get3A_709 = arith.constant 1 : i32
        %get3A_710 = arith.index_cast %get3A_709 : i32 to index
        %get3A_711 = arith.index_cast %add3A_702 : i32 to index
        %get3A_712 = arith.constant 0 : index
        %get3A_713 = tpu.vector_load %arg7[%get3A_710, %get3A_711, %get3A_712] {strides = array<i32>} : memref<2x256x64xf32, #tpu.memory_space<vmem>>, vector<1x1x16xf32>,
        %get3A_714 = vector.shape_cast %get3A_713 : vector<1x1x16xf32> to vector<16xf32>
        %sub3A_715 = arith.subf %get3A_714, %get3A_708 : vector<16xf32>
        %mul3A_716 = arith.mulf %sub3A_715, %sub3A_715 : vector<16xf32>
        %add3A_717 = arith.addf %add3A_659, %mul3A_716 : vector<16xf32>
        %get3A_718 = arith.index_cast %squeeze3A_704 : i32 to index
        %get3A_719 = arith.constant 16 : index
        %get3A_720 = tpu.vector_load %arg6[%get3A_718, %get3A_719] {strides = array<i32>} : memref<1000x64xf32, #tpu.memory_space<vmem>>, vector<1x16xf32>,
        %get3A_721 = vector.shape_cast %get3A_720 : vector<1x16xf32> to vector<16xf32>
        %get3A_722 = arith.constant 1 : i32
        %get3A_723 = arith.index_cast %get3A_722 : i32 to index
        %get3A_724 = arith.index_cast %add3A_702 : i32 to index
        %get3A_725 = arith.constant 16 : index
        %get3A_726 = tpu.vector_load %arg7[%get3A_723, %get3A_724, %get3A_725] {strides = array<i32>} : memref<2x256x64xf32, #tpu.memory_space<vmem>>, vector<1x1x16xf32>,
        %get3A_727 = vector.shape_cast %get3A_726 : vector<1x1x16xf32> to vector<16xf32>
        %sub3A_728 = arith.subf %get3A_727, %get3A_721 : vector<16xf32>
        %mul3A_729 = arith.mulf %sub3A_728, %sub3A_728 : vector<16xf32>
        %add3A_730 = arith.addf %add3A_672, %mul3A_729 : vector<16xf32>
        %get3A_731 = arith.index_cast %squeeze3A_704 : i32 to index
        %get3A_732 = arith.constant 32 : index
        %get3A_733 = tpu.vector_load %arg6[%get3A_731, %get3A_732] {strides = array<i32>} : memref<1000x64xf32, #tpu.memory_space<vmem>>, vector<1x16xf32>,
        %get3A_734 = vector.shape_cast %get3A_733 : vector<1x16xf32> to vector<16xf32>
        %get3A_735 = arith.constant 1 : i32
        %get3A_736 = arith.index_cast %get3A_735 : i32 to index
        %get3A_737 = arith.index_cast %add3A_702 : i32 to index
        %get3A_738 = arith.constant 32 : index
        %get3A_739 = tpu.vector_load %arg7[%get3A_736, %get3A_737, %get3A_738] {strides = array<i32>} : memref<2x256x64xf32, #tpu.memory_space<vmem>>, vector<1x1x16xf32>,
        %get3A_740 = vector.shape_cast %get3A_739 : vector<1x1x16xf32> to vector<16xf32>
        %sub3A_741 = arith.subf %get3A_740, %get3A_734 : vector<16xf32>
        %mul3A_742 = arith.mulf %sub3A_741, %sub3A_741 : vector<16xf32>
        %add3A_743 = arith.addf %add3A_685, %mul3A_742 : vector<16xf32>
        %get3A_744 = arith.index_cast %squeeze3A_704 : i32 to index
        %get3A_745 = arith.constant 48 : index
        %get3A_746 = tpu.vector_load %arg6[%get3A_744, %get3A_745] {strides = array<i32>} : memref<1000x64xf32, #tpu.memory_space<vmem>>, vector<1x16xf32>,
        %get3A_747 = vector.shape_cast %get3A_746 : vector<1x16xf32> to vector<16xf32>
        %get3A_748 = arith.constant 1 : i32
        %get3A_749 = arith.index_cast %get3A_748 : i32 to index
        %get3A_750 = arith.index_cast %add3A_702 : i32 to index
        %get3A_751 = arith.constant 48 : index
        %get3A_752 = tpu.vector_load %arg7[%get3A_749, %get3A_750, %get3A_751] {strides = array<i32>} : memref<2x256x64xf32, #tpu.memory_space<vmem>>, vector<1x1x16xf32>,
        %get3A_753 = vector.shape_cast %get3A_752 : vector<1x1x16xf32> to vector<16xf32>
        %sub3A_754 = arith.subf %get3A_753, %get3A_747 : vector<16xf32>
        %mul3A_755 = arith.mulf %sub3A_754, %sub3A_754 : vector<16xf32>
        %add3A_756 = arith.addf %add3A_698, %mul3A_755 : vector<16xf32>
        %mul3A_757 = arith.constant 16 : i32
        %mul3A_758 = arith.muli %scan3A_169, %mul3A_757 : i32
        %add3A_759 = arith.constant 10 : i32
        %add3A_760 = arith.addi %mul3A_758, %add3A_759 : i32
        %slice3A_761 = vector.extract_strided_slice %get3A_179 {offsets = [10], sizes = [1], strides = [1]} : vector<16xi32> to vector<1xi32>
        %squeeze3A_762 = vector.extract %slice3A_761[0] : i32 from vector<1xi32>
        %get3A_763 = arith.index_cast %squeeze3A_762 : i32 to index
        %get3A_764 = arith.constant 0 : index
        %get3A_765 = tpu.vector_load %arg6[%get3A_763, %get3A_764] {strides = array<i32>} : memref<1000x64xf32, #tpu.memory_space<vmem>>, vector<1x16xf32>,
        %get3A_766 = vector.shape_cast %get3A_765 : vector<1x16xf32> to vector<16xf32>
        %get3A_767 = arith.constant 1 : i32
        %get3A_768 = arith.index_cast %get3A_767 : i32 to index
        %get3A_769 = arith.index_cast %add3A_760 : i32 to index
        %get3A_770 = arith.constant 0 : index
        %get3A_771 = tpu.vector_load %arg7[%get3A_768, %get3A_769, %get3A_770] {strides = array<i32>} : memref<2x256x64xf32, #tpu.memory_space<vmem>>, vector<1x1x16xf32>,
        %get3A_772 = vector.shape_cast %get3A_771 : vector<1x1x16xf32> to vector<16xf32>
        %sub3A_773 = arith.subf %get3A_772, %get3A_766 : vector<16xf32>
        %mul3A_774 = arith.mulf %sub3A_773, %sub3A_773 : vector<16xf32>
        %add3A_775 = arith.addf %add3A_717, %mul3A_774 : vector<16xf32>
        %get3A_776 = arith.index_cast %squeeze3A_762 : i32 to index
        %get3A_777 = arith.constant 16 : index
        %get3A_778 = tpu.vector_load %arg6[%get3A_776, %get3A_777] {strides = array<i32>} : memref<1000x64xf32, #tpu.memory_space<vmem>>, vector<1x16xf32>,
        %get3A_779 = vector.shape_cast %get3A_778 : vector<1x16xf32> to vector<16xf32>
        %get3A_780 = arith.constant 1 : i32
        %get3A_781 = arith.index_cast %get3A_780 : i32 to index
        %get3A_782 = arith.index_cast %add3A_760 : i32 to index
        %get3A_783 = arith.constant 16 : index
        %get3A_784 = tpu.vector_load %arg7[%get3A_781, %get3A_782, %get3A_783] {strides = array<i32>} : memref<2x256x64xf32, #tpu.memory_space<vmem>>, vector<1x1x16xf32>,
        %get3A_785 = vector.shape_cast %get3A_784 : vector<1x1x16xf32> to vector<16xf32>
        %sub3A_786 = arith.subf %get3A_785, %get3A_779 : vector<16xf32>
        %mul3A_787 = arith.mulf %sub3A_786, %sub3A_786 : vector<16xf32>
        %add3A_788 = arith.addf %add3A_730, %mul3A_787 : vector<16xf32>
        %get3A_789 = arith.index_cast %squeeze3A_762 : i32 to index
        %get3A_790 = arith.constant 32 : index
        %get3A_791 = tpu.vector_load %arg6[%get3A_789, %get3A_790] {strides = array<i32>} : memref<1000x64xf32, #tpu.memory_space<vmem>>, vector<1x16xf32>,
        %get3A_792 = vector.shape_cast %get3A_791 : vector<1x16xf32> to vector<16xf32>
        %get3A_793 = arith.constant 1 : i32
        %get3A_794 = arith.index_cast %get3A_793 : i32 to index
        %get3A_795 = arith.index_cast %add3A_760 : i32 to index
        %get3A_796 = arith.constant 32 : index
        %get3A_797 = tpu.vector_load %arg7[%get3A_794, %get3A_795, %get3A_796] {strides = array<i32>} : memref<2x256x64xf32, #tpu.memory_space<vmem>>, vector<1x1x16xf32>,
        %get3A_798 = vector.shape_cast %get3A_797 : vector<1x1x16xf32> to vector<16xf32>
        %sub3A_799 = arith.subf %get3A_798, %get3A_792 : vector<16xf32>
        %mul3A_800 = arith.mulf %sub3A_799, %sub3A_799 : vector<16xf32>
        %add3A_801 = arith.addf %add3A_743, %mul3A_800 : vector<16xf32>
        %get3A_802 = arith.index_cast %squeeze3A_762 : i32 to index
        %get3A_803 = arith.constant 48 : index
        %get3A_804 = tpu.vector_load %arg6[%get3A_802, %get3A_803] {strides = array<i32>} : memref<1000x64xf32, #tpu.memory_space<vmem>>, vector<1x16xf32>,
        %get3A_805 = vector.shape_cast %get3A_804 : vector<1x16xf32> to vector<16xf32>
        %get3A_806 = arith.constant 1 : i32
        %get3A_807 = arith.index_cast %get3A_806 : i32 to index
        %get3A_808 = arith.index_cast %add3A_760 : i32 to index
        %get3A_809 = arith.constant 48 : index
        %get3A_810 = tpu.vector_load %arg7[%get3A_807, %get3A_808, %get3A_809] {strides = array<i32>} : memref<2x256x64xf32, #tpu.memory_space<vmem>>, vector<1x1x16xf32>,
        %get3A_811 = vector.shape_cast %get3A_810 : vector<1x1x16xf32> to vector<16xf32>
        %sub3A_812 = arith.subf %get3A_811, %get3A_805 : vector<16xf32>
        %mul3A_813 = arith.mulf %sub3A_812, %sub3A_812 : vector<16xf32>
        %add3A_814 = arith.addf %add3A_756, %mul3A_813 : vector<16xf32>
        %mul3A_815 = arith.constant 16 : i32
        %mul3A_816 = arith.muli %scan3A_169, %mul3A_815 : i32
        %add3A_817 = arith.constant 11 : i32
        %add3A_818 = arith.addi %mul3A_816, %add3A_817 : i32
        %slice3A_819 = vector.extract_strided_slice %get3A_179 {offsets = [11], sizes = [1], strides = [1]} : vector<16xi32> to vector<1xi32>
        %squeeze3A_820 = vector.extract %slice3A_819[0] : i32 from vector<1xi32>
        %get3A_821 = arith.index_cast %squeeze3A_820 : i32 to index
        %get3A_822 = arith.constant 0 : index
        %get3A_823 = tpu.vector_load %arg6[%get3A_821, %get3A_822] {strides = array<i32>} : memref<1000x64xf32, #tpu.memory_space<vmem>>, vector<1x16xf32>,
        %get3A_824 = vector.shape_cast %get3A_823 : vector<1x16xf32> to vector<16xf32>
        %get3A_825 = arith.constant 1 : i32
        %get3A_826 = arith.index_cast %get3A_825 : i32 to index
        %get3A_827 = arith.index_cast %add3A_818 : i32 to index
        %get3A_828 = arith.constant 0 : index
        %get3A_829 = tpu.vector_load %arg7[%get3A_826, %get3A_827, %get3A_828] {strides = array<i32>} : memref<2x256x64xf32, #tpu.memory_space<vmem>>, vector<1x1x16xf32>,
        %get3A_830 = vector.shape_cast %get3A_829 : vector<1x1x16xf32> to vector<16xf32>
        %sub3A_831 = arith.subf %get3A_830, %get3A_824 : vector<16xf32>
        %mul3A_832 = arith.mulf %sub3A_831, %sub3A_831 : vector<16xf32>
        %add3A_833 = arith.addf %add3A_775, %mul3A_832 : vector<16xf32>
        %get3A_834 = arith.index_cast %squeeze3A_820 : i32 to index
        %get3A_835 = arith.constant 16 : index
        %get3A_836 = tpu.vector_load %arg6[%get3A_834, %get3A_835] {strides = array<i32>} : memref<1000x64xf32, #tpu.memory_space<vmem>>, vector<1x16xf32>,
        %get3A_837 = vector.shape_cast %get3A_836 : vector<1x16xf32> to vector<16xf32>
        %get3A_838 = arith.constant 1 : i32
        %get3A_839 = arith.index_cast %get3A_838 : i32 to index
        %get3A_840 = arith.index_cast %add3A_818 : i32 to index
        %get3A_841 = arith.constant 16 : index
        %get3A_842 = tpu.vector_load %arg7[%get3A_839, %get3A_840, %get3A_841] {strides = array<i32>} : memref<2x256x64xf32, #tpu.memory_space<vmem>>, vector<1x1x16xf32>,
        %get3A_843 = vector.shape_cast %get3A_842 : vector<1x1x16xf32> to vector<16xf32>
        %sub3A_844 = arith.subf %get3A_843, %get3A_837 : vector<16xf32>
        %mul3A_845 = arith.mulf %sub3A_844, %sub3A_844 : vector<16xf32>
        %add3A_846 = arith.addf %add3A_788, %mul3A_845 : vector<16xf32>
        %get3A_847 = arith.index_cast %squeeze3A_820 : i32 to index
        %get3A_848 = arith.constant 32 : index
        %get3A_849 = tpu.vector_load %arg6[%get3A_847, %get3A_848] {strides = array<i32>} : memref<1000x64xf32, #tpu.memory_space<vmem>>, vector<1x16xf32>,
        %get3A_850 = vector.shape_cast %get3A_849 : vector<1x16xf32> to vector<16xf32>
        %get3A_851 = arith.constant 1 : i32
        %get3A_852 = arith.index_cast %get3A_851 : i32 to index
        %get3A_853 = arith.index_cast %add3A_818 : i32 to index
        %get3A_854 = arith.constant 32 : index
        %get3A_855 = tpu.vector_load %arg7[%get3A_852, %get3A_853, %get3A_854] {strides = array<i32>} : memref<2x256x64xf32, #tpu.memory_space<vmem>>, vector<1x1x16xf32>,
        %get3A_856 = vector.shape_cast %get3A_855 : vector<1x1x16xf32> to vector<16xf32>
        %sub3A_857 = arith.subf %get3A_856, %get3A_850 : vector<16xf32>
        %mul3A_858 = arith.mulf %sub3A_857, %sub3A_857 : vector<16xf32>
        %add3A_859 = arith.addf %add3A_801, %mul3A_858 : vector<16xf32>
        %get3A_860 = arith.index_cast %squeeze3A_820 : i32 to index
        %get3A_861 = arith.constant 48 : index
        %get3A_862 = tpu.vector_load %arg6[%get3A_860, %get3A_861] {strides = array<i32>} : memref<1000x64xf32, #tpu.memory_space<vmem>>, vector<1x16xf32>,
        %get3A_863 = vector.shape_cast %get3A_862 : vector<1x16xf32> to vector<16xf32>
        %get3A_864 = arith.constant 1 : i32
        %get3A_865 = arith.index_cast %get3A_864 : i32 to index
        %get3A_866 = arith.index_cast %add3A_818 : i32 to index
        %get3A_867 = arith.constant 48 : index
        %get3A_868 = tpu.vector_load %arg7[%get3A_865, %get3A_866, %get3A_867] {strides = array<i32>} : memref<2x256x64xf32, #tpu.memory_space<vmem>>, vector<1x1x16xf32>,
        %get3A_869 = vector.shape_cast %get3A_868 : vector<1x1x16xf32> to vector<16xf32>
        %sub3A_870 = arith.subf %get3A_869, %get3A_863 : vector<16xf32>
        %mul3A_871 = arith.mulf %sub3A_870, %sub3A_870 : vector<16xf32>
        %add3A_872 = arith.addf %add3A_814, %mul3A_871 : vector<16xf32>
        %mul3A_873 = arith.constant 16 : i32
        %mul3A_874 = arith.muli %scan3A_169, %mul3A_873 : i32
        %add3A_875 = arith.constant 12 : i32
        %add3A_876 = arith.addi %mul3A_874, %add3A_875 : i32
        %slice3A_877 = vector.extract_strided_slice %get3A_179 {offsets = [12], sizes = [1], strides = [1]} : vector<16xi32> to vector<1xi32>
        %squeeze3A_878 = vector.extract %slice3A_877[0] : i32 from vector<1xi32>
        %get3A_879 = arith.index_cast %squeeze3A_878 : i32 to index
        %get3A_880 = arith.constant 0 : index
        %get3A_881 = tpu.vector_load %arg6[%get3A_879, %get3A_880] {strides = array<i32>} : memref<1000x64xf32, #tpu.memory_space<vmem>>, vector<1x16xf32>,
        %get3A_882 = vector.shape_cast %get3A_881 : vector<1x16xf32> to vector<16xf32>
        %get3A_883 = arith.constant 1 : i32
        %get3A_884 = arith.index_cast %get3A_883 : i32 to index
        %get3A_885 = arith.index_cast %add3A_876 : i32 to index
        %get3A_886 = arith.constant 0 : index
        %get3A_887 = tpu.vector_load %arg7[%get3A_884, %get3A_885, %get3A_886] {strides = array<i32>} : memref<2x256x64xf32, #tpu.memory_space<vmem>>, vector<1x1x16xf32>,
        %get3A_888 = vector.shape_cast %get3A_887 : vector<1x1x16xf32> to vector<16xf32>
        %sub3A_889 = arith.subf %get3A_888, %get3A_882 : vector<16xf32>
        %mul3A_890 = arith.mulf %sub3A_889, %sub3A_889 : vector<16xf32>
        %add3A_891 = arith.addf %add3A_833, %mul3A_890 : vector<16xf32>
        %get3A_892 = arith.index_cast %squeeze3A_878 : i32 to index
        %get3A_893 = arith.constant 16 : index
        %get3A_894 = tpu.vector_load %arg6[%get3A_892, %get3A_893] {strides = array<i32>} : memref<1000x64xf32, #tpu.memory_space<vmem>>, vector<1x16xf32>,
        %get3A_895 = vector.shape_cast %get3A_894 : vector<1x16xf32> to vector<16xf32>
        %get3A_896 = arith.constant 1 : i32
        %get3A_897 = arith.index_cast %get3A_896 : i32 to index
        %get3A_898 = arith.index_cast %add3A_876 : i32 to index
        %get3A_899 = arith.constant 16 : index
        %get3A_900 = tpu.vector_load %arg7[%get3A_897, %get3A_898, %get3A_899] {strides = array<i32>} : memref<2x256x64xf32, #tpu.memory_space<vmem>>, vector<1x1x16xf32>,
        %get3A_901 = vector.shape_cast %get3A_900 : vector<1x1x16xf32> to vector<16xf32>
        %sub3A_902 = arith.subf %get3A_901, %get3A_895 : vector<16xf32>
        %mul3A_903 = arith.mulf %sub3A_902, %sub3A_902 : vector<16xf32>
        %add3A_904 = arith.addf %add3A_846, %mul3A_903 : vector<16xf32>
        %get3A_905 = arith.index_cast %squeeze3A_878 : i32 to index
        %get3A_906 = arith.constant 32 : index
        %get3A_907 = tpu.vector_load %arg6[%get3A_905, %get3A_906] {strides = array<i32>} : memref<1000x64xf32, #tpu.memory_space<vmem>>, vector<1x16xf32>,
        %get3A_908 = vector.shape_cast %get3A_907 : vector<1x16xf32> to vector<16xf32>
        %get3A_909 = arith.constant 1 : i32
        %get3A_910 = arith.index_cast %get3A_909 : i32 to index
        %get3A_911 = arith.index_cast %add3A_876 : i32 to index
        %get3A_912 = arith.constant 32 : index
        %get3A_913 = tpu.vector_load %arg7[%get3A_910, %get3A_911, %get3A_912] {strides = array<i32>} : memref<2x256x64xf32, #tpu.memory_space<vmem>>, vector<1x1x16xf32>,
        %get3A_914 = vector.shape_cast %get3A_913 : vector<1x1x16xf32> to vector<16xf32>
        %sub3A_915 = arith.subf %get3A_914, %get3A_908 : vector<16xf32>
        %mul3A_916 = arith.mulf %sub3A_915, %sub3A_915 : vector<16xf32>
        %add3A_917 = arith.addf %add3A_859, %mul3A_916 : vector<16xf32>
        %get3A_918 = arith.index_cast %squeeze3A_878 : i32 to index
        %get3A_919 = arith.constant 48 : index
        %get3A_920 = tpu.vector_load %arg6[%get3A_918, %get3A_919] {strides = array<i32>} : memref<1000x64xf32, #tpu.memory_space<vmem>>, vector<1x16xf32>,
        %get3A_921 = vector.shape_cast %get3A_920 : vector<1x16xf32> to vector<16xf32>
        %get3A_922 = arith.constant 1 : i32
        %get3A_923 = arith.index_cast %get3A_922 : i32 to index
        %get3A_924 = arith.index_cast %add3A_876 : i32 to index
        %get3A_925 = arith.constant 48 : index
        %get3A_926 = tpu.vector_load %arg7[%get3A_923, %get3A_924, %get3A_925] {strides = array<i32>} : memref<2x256x64xf32, #tpu.memory_space<vmem>>, vector<1x1x16xf32>,
        %get3A_927 = vector.shape_cast %get3A_926 : vector<1x1x16xf32> to vector<16xf32>
        %sub3A_928 = arith.subf %get3A_927, %get3A_921 : vector<16xf32>
        %mul3A_929 = arith.mulf %sub3A_928, %sub3A_928 : vector<16xf32>
        %add3A_930 = arith.addf %add3A_872, %mul3A_929 : vector<16xf32>
        %mul3A_931 = arith.constant 16 : i32
        %mul3A_932 = arith.muli %scan3A_169, %mul3A_931 : i32
        %add3A_933 = arith.constant 13 : i32
        %add3A_934 = arith.addi %mul3A_932, %add3A_933 : i32
        %slice3A_935 = vector.extract_strided_slice %get3A_179 {offsets = [13], sizes = [1], strides = [1]} : vector<16xi32> to vector<1xi32>
        %squeeze3A_936 = vector.extract %slice3A_935[0] : i32 from vector<1xi32>
        %get3A_937 = arith.index_cast %squeeze3A_936 : i32 to index
        %get3A_938 = arith.constant 0 : index
        %get3A_939 = tpu.vector_load %arg6[%get3A_937, %get3A_938] {strides = array<i32>} : memref<1000x64xf32, #tpu.memory_space<vmem>>, vector<1x16xf32>,
        %get3A_940 = vector.shape_cast %get3A_939 : vector<1x16xf32> to vector<16xf32>
        %get3A_941 = arith.constant 1 : i32
        %get3A_942 = arith.index_cast %get3A_941 : i32 to index
        %get3A_943 = arith.index_cast %add3A_934 : i32 to index
        %get3A_944 = arith.constant 0 : index
        %get3A_945 = tpu.vector_load %arg7[%get3A_942, %get3A_943, %get3A_944] {strides = array<i32>} : memref<2x256x64xf32, #tpu.memory_space<vmem>>, vector<1x1x16xf32>,
        %get3A_946 = vector.shape_cast %get3A_945 : vector<1x1x16xf32> to vector<16xf32>
        %sub3A_947 = arith.subf %get3A_946, %get3A_940 : vector<16xf32>
        %mul3A_948 = arith.mulf %sub3A_947, %sub3A_947 : vector<16xf32>
        %add3A_949 = arith.addf %add3A_891, %mul3A_948 : vector<16xf32>
        %get3A_950 = arith.index_cast %squeeze3A_936 : i32 to index
        %get3A_951 = arith.constant 16 : index
        %get3A_952 = tpu.vector_load %arg6[%get3A_950, %get3A_951] {strides = array<i32>} : memref<1000x64xf32, #tpu.memory_space<vmem>>, vector<1x16xf32>,
        %get3A_953 = vector.shape_cast %get3A_952 : vector<1x16xf32> to vector<16xf32>
        %get3A_954 = arith.constant 1 : i32
        %get3A_955 = arith.index_cast %get3A_954 : i32 to index
        %get3A_956 = arith.index_cast %add3A_934 : i32 to index
        %get3A_957 = arith.constant 16 : index
        %get3A_958 = tpu.vector_load %arg7[%get3A_955, %get3A_956, %get3A_957] {strides = array<i32>} : memref<2x256x64xf32, #tpu.memory_space<vmem>>, vector<1x1x16xf32>,
        %get3A_959 = vector.shape_cast %get3A_958 : vector<1x1x16xf32> to vector<16xf32>
        %sub3A_960 = arith.subf %get3A_959, %get3A_953 : vector<16xf32>
        %mul3A_961 = arith.mulf %sub3A_960, %sub3A_960 : vector<16xf32>
        %add3A_962 = arith.addf %add3A_904, %mul3A_961 : vector<16xf32>
        %get3A_963 = arith.index_cast %squeeze3A_936 : i32 to index
        %get3A_964 = arith.constant 32 : index
        %get3A_965 = tpu.vector_load %arg6[%get3A_963, %get3A_964] {strides = array<i32>} : memref<1000x64xf32, #tpu.memory_space<vmem>>, vector<1x16xf32>,
        %get3A_966 = vector.shape_cast %get3A_965 : vector<1x16xf32> to vector<16xf32>
        %get3A_967 = arith.constant 1 : i32
        %get3A_968 = arith.index_cast %get3A_967 : i32 to index
        %get3A_969 = arith.index_cast %add3A_934 : i32 to index
        %get3A_970 = arith.constant 32 : index
        %get3A_971 = tpu.vector_load %arg7[%get3A_968, %get3A_969, %get3A_970] {strides = array<i32>} : memref<2x256x64xf32, #tpu.memory_space<vmem>>, vector<1x1x16xf32>,
        %get3A_972 = vector.shape_cast %get3A_971 : vector<1x1x16xf32> to vector<16xf32>
        %sub3A_973 = arith.subf %get3A_972, %get3A_966 : vector<16xf32>
        %mul3A_974 = arith.mulf %sub3A_973, %sub3A_973 : vector<16xf32>
        %add3A_975 = arith.addf %add3A_917, %mul3A_974 : vector<16xf32>
        %get3A_976 = arith.index_cast %squeeze3A_936 : i32 to index
        %get3A_977 = arith.constant 48 : index
        %get3A_978 = tpu.vector_load %arg6[%get3A_976, %get3A_977] {strides = array<i32>} : memref<1000x64xf32, #tpu.memory_space<vmem>>, vector<1x16xf32>,
        %get3A_979 = vector.shape_cast %get3A_978 : vector<1x16xf32> to vector<16xf32>
        %get3A_980 = arith.constant 1 : i32
        %get3A_981 = arith.index_cast %get3A_980 : i32 to index
        %get3A_982 = arith.index_cast %add3A_934 : i32 to index
        %get3A_983 = arith.constant 48 : index
        %get3A_984 = tpu.vector_load %arg7[%get3A_981, %get3A_982, %get3A_983] {strides = array<i32>} : memref<2x256x64xf32, #tpu.memory_space<vmem>>, vector<1x1x16xf32>,
        %get3A_985 = vector.shape_cast %get3A_984 : vector<1x1x16xf32> to vector<16xf32>
        %sub3A_986 = arith.subf %get3A_985, %get3A_979 : vector<16xf32>
        %mul3A_987 = arith.mulf %sub3A_986, %sub3A_986 : vector<16xf32>
        %add3A_988 = arith.addf %add3A_930, %mul3A_987 : vector<16xf32>
        %mul3A_989 = arith.constant 16 : i32
        %mul3A_990 = arith.muli %scan3A_169, %mul3A_989 : i32
        %add3A_991 = arith.constant 14 : i32
        %add3A_992 = arith.addi %mul3A_990, %add3A_991 : i32
        %slice3A_993 = vector.extract_strided_slice %get3A_179 {offsets = [14], sizes = [1], strides = [1]} : vector<16xi32> to vector<1xi32>
        %squeeze3A_994 = vector.extract %slice3A_993[0] : i32 from vector<1xi32>
        %get3A_995 = arith.index_cast %squeeze3A_994 : i32 to index
        %get3A_996 = arith.constant 0 : index
        %get3A_997 = tpu.vector_load %arg6[%get3A_995, %get3A_996] {strides = array<i32>} : memref<1000x64xf32, #tpu.memory_space<vmem>>, vector<1x16xf32>,
        %get3A_998 = vector.shape_cast %get3A_997 : vector<1x16xf32> to vector<16xf32>
        %get3A_999 = arith.constant 1 : i32
        %get3A_1000 = arith.index_cast %get3A_999 : i32 to index
        %get3A_1001 = arith.index_cast %add3A_992 : i32 to index
        %get3A_1002 = arith.constant 0 : index
        %get3A_1003 = tpu.vector_load %arg7[%get3A_1000, %get3A_1001, %get3A_1002] {strides = array<i32>} : memref<2x256x64xf32, #tpu.memory_space<vmem>>, vector<1x1x16xf32>,
        %get3A_1004 = vector.shape_cast %get3A_1003 : vector<1x1x16xf32> to vector<16xf32>
        %sub3A_1005 = arith.subf %get3A_1004, %get3A_998 : vector<16xf32>
        %mul3A_1006 = arith.mulf %sub3A_1005, %sub3A_1005 : vector<16xf32>
        %add3A_1007 = arith.addf %add3A_949, %mul3A_1006 : vector<16xf32>
        %get3A_1008 = arith.index_cast %squeeze3A_994 : i32 to index
        %get3A_1009 = arith.constant 16 : index
        %get3A_1010 = tpu.vector_load %arg6[%get3A_1008, %get3A_1009] {strides = array<i32>} : memref<1000x64xf32, #tpu.memory_space<vmem>>, vector<1x16xf32>,
        %get3A_1011 = vector.shape_cast %get3A_1010 : vector<1x16xf32> to vector<16xf32>
        %get3A_1012 = arith.constant 1 : i32
        %get3A_1013 = arith.index_cast %get3A_1012 : i32 to index
        %get3A_1014 = arith.index_cast %add3A_992 : i32 to index
        %get3A_1015 = arith.constant 16 : index
        %get3A_1016 = tpu.vector_load %arg7[%get3A_1013, %get3A_1014, %get3A_1015] {strides = array<i32>} : memref<2x256x64xf32, #tpu.memory_space<vmem>>, vector<1x1x16xf32>,
        %get3A_1017 = vector.shape_cast %get3A_1016 : vector<1x1x16xf32> to vector<16xf32>
        %sub3A_1018 = arith.subf %get3A_1017, %get3A_1011 : vector<16xf32>
        %mul3A_1019 = arith.mulf %sub3A_1018, %sub3A_1018 : vector<16xf32>
        %add3A_1020 = arith.addf %add3A_962, %mul3A_1019 : vector<16xf32>
        %get3A_1021 = arith.index_cast %squeeze3A_994 : i32 to index
        %get3A_1022 = arith.constant 32 : index
        %get3A_1023 = tpu.vector_load %arg6[%get3A_1021, %get3A_1022] {strides = array<i32>} : memref<1000x64xf32, #tpu.memory_space<vmem>>, vector<1x16xf32>,
        %get3A_1024 = vector.shape_cast %get3A_1023 : vector<1x16xf32> to vector<16xf32>
        %get3A_1025 = arith.constant 1 : i32
        %get3A_1026 = arith.index_cast %get3A_1025 : i32 to index
        %get3A_1027 = arith.index_cast %add3A_992 : i32 to index
        %get3A_1028 = arith.constant 32 : index
        %get3A_1029 = tpu.vector_load %arg7[%get3A_1026, %get3A_1027, %get3A_1028] {strides = array<i32>} : memref<2x256x64xf32, #tpu.memory_space<vmem>>, vector<1x1x16xf32>,
        %get3A_1030 = vector.shape_cast %get3A_1029 : vector<1x1x16xf32> to vector<16xf32>
        %sub3A_1031 = arith.subf %get3A_1030, %get3A_1024 : vector<16xf32>
        %mul3A_1032 = arith.mulf %sub3A_1031, %sub3A_1031 : vector<16xf32>
        %add3A_1033 = arith.addf %add3A_975, %mul3A_1032 : vector<16xf32>
        %get3A_1034 = arith.index_cast %squeeze3A_994 : i32 to index
        %get3A_1035 = arith.constant 48 : index
        %get3A_1036 = tpu.vector_load %arg6[%get3A_1034, %get3A_1035] {strides = array<i32>} : memref<1000x64xf32, #tpu.memory_space<vmem>>, vector<1x16xf32>,
        %get3A_1037 = vector.shape_cast %get3A_1036 : vector<1x16xf32> to vector<16xf32>
        %get3A_1038 = arith.constant 1 : i32
        %get3A_1039 = arith.index_cast %get3A_1038 : i32 to index
        %get3A_1040 = arith.index_cast %add3A_992 : i32 to index
        %get3A_1041 = arith.constant 48 : index
        %get3A_1042 = tpu.vector_load %arg7[%get3A_1039, %get3A_1040, %get3A_1041] {strides = array<i32>} : memref<2x256x64xf32, #tpu.memory_space<vmem>>, vector<1x1x16xf32>,
        %get3A_1043 = vector.shape_cast %get3A_1042 : vector<1x1x16xf32> to vector<16xf32>
        %sub3A_1044 = arith.subf %get3A_1043, %get3A_1037 : vector<16xf32>
        %mul3A_1045 = arith.mulf %sub3A_1044, %sub3A_1044 : vector<16xf32>
        %add3A_1046 = arith.addf %add3A_988, %mul3A_1045 : vector<16xf32>
        %mul3A_1047 = arith.constant 16 : i32
        %mul3A_1048 = arith.muli %scan3A_169, %mul3A_1047 : i32
        %add3A_1049 = arith.constant 15 : i32
        %add3A_1050 = arith.addi %mul3A_1048, %add3A_1049 : i32
        %slice3A_1051 = vector.extract_strided_slice %get3A_179 {offsets = [15], sizes = [1], strides = [1]} : vector<16xi32> to vector<1xi32>
        %squeeze3A_1052 = vector.extract %slice3A_1051[0] : i32 from vector<1xi32>
        %get3A_1053 = arith.index_cast %squeeze3A_1052 : i32 to index
        %get3A_1054 = arith.constant 0 : index
        %get3A_1055 = tpu.vector_load %arg6[%get3A_1053, %get3A_1054] {strides = array<i32>} : memref<1000x64xf32, #tpu.memory_space<vmem>>, vector<1x16xf32>,
        %get3A_1056 = vector.shape_cast %get3A_1055 : vector<1x16xf32> to vector<16xf32>
        %get3A_1057 = arith.constant 1 : i32
        %get3A_1058 = arith.index_cast %get3A_1057 : i32 to index
        %get3A_1059 = arith.index_cast %add3A_1050 : i32 to index
        %get3A_1060 = arith.constant 0 : index
        %get3A_1061 = tpu.vector_load %arg7[%get3A_1058, %get3A_1059, %get3A_1060] {strides = array<i32>} : memref<2x256x64xf32, #tpu.memory_space<vmem>>, vector<1x1x16xf32>,
        %get3A_1062 = vector.shape_cast %get3A_1061 : vector<1x1x16xf32> to vector<16xf32>
        %sub3A_1063 = arith.subf %get3A_1062, %get3A_1056 : vector<16xf32>
        %mul3A_1064 = arith.mulf %sub3A_1063, %sub3A_1063 : vector<16xf32>
        %add3A_1065 = arith.addf %add3A_1007, %mul3A_1064 : vector<16xf32>
        %get3A_1066 = arith.index_cast %squeeze3A_1052 : i32 to index
        %get3A_1067 = arith.constant 16 : index
        %get3A_1068 = tpu.vector_load %arg6[%get3A_1066, %get3A_1067] {strides = array<i32>} : memref<1000x64xf32, #tpu.memory_space<vmem>>, vector<1x16xf32>,
        %get3A_1069 = vector.shape_cast %get3A_1068 : vector<1x16xf32> to vector<16xf32>
        %get3A_1070 = arith.constant 1 : i32
        %get3A_1071 = arith.index_cast %get3A_1070 : i32 to index
        %get3A_1072 = arith.index_cast %add3A_1050 : i32 to index
        %get3A_1073 = arith.constant 16 : index
        %get3A_1074 = tpu.vector_load %arg7[%get3A_1071, %get3A_1072, %get3A_1073] {strides = array<i32>} : memref<2x256x64xf32, #tpu.memory_space<vmem>>, vector<1x1x16xf32>,
        %get3A_1075 = vector.shape_cast %get3A_1074 : vector<1x1x16xf32> to vector<16xf32>
        %sub3A_1076 = arith.subf %get3A_1075, %get3A_1069 : vector<16xf32>
        %mul3A_1077 = arith.mulf %sub3A_1076, %sub3A_1076 : vector<16xf32>
        %add3A_1078 = arith.addf %add3A_1020, %mul3A_1077 : vector<16xf32>
        %get3A_1079 = arith.index_cast %squeeze3A_1052 : i32 to index
        %get3A_1080 = arith.constant 32 : index
        %get3A_1081 = tpu.vector_load %arg6[%get3A_1079, %get3A_1080] {strides = array<i32>} : memref<1000x64xf32, #tpu.memory_space<vmem>>, vector<1x16xf32>,
        %get3A_1082 = vector.shape_cast %get3A_1081 : vector<1x16xf32> to vector<16xf32>
        %get3A_1083 = arith.constant 1 : i32
        %get3A_1084 = arith.index_cast %get3A_1083 : i32 to index
        %get3A_1085 = arith.index_cast %add3A_1050 : i32 to index
        %get3A_1086 = arith.constant 32 : index
        %get3A_1087 = tpu.vector_load %arg7[%get3A_1084, %get3A_1085, %get3A_1086] {strides = array<i32>} : memref<2x256x64xf32, #tpu.memory_space<vmem>>, vector<1x1x16xf32>,
        %get3A_1088 = vector.shape_cast %get3A_1087 : vector<1x1x16xf32> to vector<16xf32>
        %sub3A_1089 = arith.subf %get3A_1088, %get3A_1082 : vector<16xf32>
        %mul3A_1090 = arith.mulf %sub3A_1089, %sub3A_1089 : vector<16xf32>
        %add3A_1091 = arith.addf %add3A_1033, %mul3A_1090 : vector<16xf32>
        %get3A_1092 = arith.index_cast %squeeze3A_1052 : i32 to index
        %get3A_1093 = arith.constant 48 : index
        %get3A_1094 = tpu.vector_load %arg6[%get3A_1092, %get3A_1093] {strides = array<i32>} : memref<1000x64xf32, #tpu.memory_space<vmem>>, vector<1x16xf32>,
        %get3A_1095 = vector.shape_cast %get3A_1094 : vector<1x16xf32> to vector<16xf32>
        %get3A_1096 = arith.constant 1 : i32
        %get3A_1097 = arith.index_cast %get3A_1096 : i32 to index
        %get3A_1098 = arith.index_cast %add3A_1050 : i32 to index
        %get3A_1099 = arith.constant 48 : index
        %get3A_1100 = tpu.vector_load %arg7[%get3A_1097, %get3A_1098, %get3A_1099] {strides = array<i32>} : memref<2x256x64xf32, #tpu.memory_space<vmem>>, vector<1x1x16xf32>,
        %get3A_1101 = vector.shape_cast %get3A_1100 : vector<1x1x16xf32> to vector<16xf32>
        %sub3A_1102 = arith.subf %get3A_1101, %get3A_1095 : vector<16xf32>
        %mul3A_1103 = arith.mulf %sub3A_1102, %sub3A_1102 : vector<16xf32>
        %add3A_1104 = arith.addf %add3A_1046, %mul3A_1103 : vector<16xf32>
        scf.yield %add3A_1065, %add3A_1078, %add3A_1091, %add3A_1104 : vector<16xf32>, vector<16xf32>, vector<16xf32>, vector<16xf32>
      }
      %scan3A_161 = arith.constant 16 : i32
      %add3A_162 = arith.constant 2 : i32
      %add3A_163 = arith.addi %add3A_125, %add3A_162 : i32
      %lt3A_164 = arith.constant 24 : i32
      %lt3A_165 = arith.cmpi slt, %add3A_163, %lt3A_164 : i32
      %convert_element_type3A_166 = arith.extui %lt3A_165 : i1 to i32
      %cond3A_167 = arith.constant 0 : i32
      %cond3A_168 = arith.cmpi ne, %convert_element_type3A_166, %cond3A_167 : i32
      scf.if %cond3A_168 {
        %add3A_169 = arith.constant 2 : i32
        %add3A_170 = arith.addi %add3A_125, %add3A_169 : i32
        %mul3A_171 = arith.constant 256 : i32
        %mul3A_172 = arith.muli %add3A_170, %mul3A_171 : i32
        %dma_start3A_173 = arith.constant 1 : i32
        %dma_start3A_174 = arith.constant 1 : i32
        %dma_start3A_175 = arith.constant 0 : i32
        %dma_start3A_176 = arith.constant 0 : i32
        %dma_start3A_177 = tpu.memref_slice %arg7[%dma_start3A_173, %dma_start3A_175, %dma_start3A_176] : memref<2x256x64xf32, #tpu.memory_space<vmem>> -> memref<1x256x64xf32, #tpu.memory_space<vmem>>
        %dma_start3A_178 = tpu.memref_squeeze %dma_start3A_177 : memref<1x256x64xf32, #tpu.memory_space<vmem>> -> memref<256x64xf32, #tpu.memory_space<vmem>>
        %dma_start3A_179 = tpu.memref_slice %arg2[%mul3A_172, %mul3A_2] : memref<6144x2048xf32, #tpu.memory_space<hbm>> -> memref<256x64xf32, #tpu.memory_space<hbm>>
        %dma_start3A_180 = tpu.memref_slice %arg10[%dma_start3A_174] : memref<2x!tpu.dma_semaphore, #tpu.memory_space<semaphore_mem>> -> memref<1x!tpu.dma_semaphore, #tpu.memory_space<semaphore_mem>>
        %dma_start3A_181 = tpu.memref_squeeze %dma_start3A_180 : memref<1x!tpu.dma_semaphore, #tpu.memory_space<semaphore_mem>> -> memref<!tpu.dma_semaphore, #tpu.memory_space<semaphore_mem>>
        %dma_start3A_182 = arith.constant 0 : i32
        %dma_start3A_183 = arith.constant 0 : i32
        %dma_start3A_184 = tpu.memref_slice %arg7[%dma_start3A_173, %dma_start3A_182, %dma_start3A_183] : memref<2x256x64xf32, #tpu.memory_space<vmem>> -> memref<1x256x64xf32, #tpu.memory_space<vmem>>
        %dma_start3A_185 = tpu.memref_squeeze %dma_start3A_184 : memref<1x256x64xf32, #tpu.memory_space<vmem>> -> memref<256x64xf32, #tpu.memory_space<vmem>>
        %dma_start3A_186 = tpu.memref_slice %arg2[%mul3A_172, %mul3A_2] : memref<6144x2048xf32, #tpu.memory_space<hbm>> -> memref<256x64xf32, #tpu.memory_space<hbm>>
        tpu.enqueue_dma source(%dma_start3A_186 : memref<256x64xf32, #tpu.memory_space<hbm>>) target(%dma_start3A_185 : memref<256x64xf32, #tpu.memory_space<vmem>>) target_semaphore(%dma_start3A_181 : memref<!tpu.dma_semaphore, #tpu.memory_space<semaphore_mem>>)
        %mul3A_187 = arith.constant 256 : i32
        %mul3A_188 = arith.muli %add3A_170, %mul3A_187 : i32
        %dma_start3A_189 = arith.constant 1 : i32
        %dma_start3A_190 = arith.constant 1 : i32
        %dma_start3A_191 = arith.constant 0 : i32
        %dma_start3A_192 = tpu.memref_slice %arg8[%dma_start3A_189, %dma_start3A_191] : memref<2x256xi32, #tpu.memory_space<vmem>> -> memref<1x256xi32, #tpu.memory_space<vmem>>
        %dma_start3A_193 = tpu.memref_squeeze %dma_start3A_192 : memref<1x256xi32, #tpu.memory_space<vmem>> -> memref<256xi32, #tpu.memory_space<vmem>>
        %dma_start3A_194 = tpu.memref_slice %arg3[%mul3A_188] : memref<6144xi32, #tpu.memory_space<hbm>> -> memref<256xi32, #tpu.memory_space<hbm>>
        %dma_start3A_195 = tpu.memref_slice %arg11[%dma_start3A_190] : memref<2x!tpu.dma_semaphore, #tpu.memory_space<semaphore_mem>> -> memref<1x!tpu.dma_semaphore, #tpu.memory_space<semaphore_mem>>
        %dma_start3A_196 = tpu.memref_squeeze %dma_start3A_195 : memref<1x!tpu.dma_semaphore, #tpu.memory_space<semaphore_mem>> -> memref<!tpu.dma_semaphore, #tpu.memory_space<semaphore_mem>>
        %dma_start3A_197 = arith.constant 0 : i32
        %dma_start3A_198 = tpu.memref_slice %arg8[%dma_start3A_189, %dma_start3A_197] : memref<2x256xi32, #tpu.memory_space<vmem>> -> memref<1x256xi32, #tpu.memory_space<vmem>>
        %dma_start3A_199 = tpu.memref_squeeze %dma_start3A_198 : memref<1x256xi32, #tpu.memory_space<vmem>> -> memref<256xi32, #tpu.memory_space<vmem>>
        %dma_start3A_200 = tpu.memref_slice %arg3[%mul3A_188] : memref<6144xi32, #tpu.memory_space<hbm>> -> memref<256xi32, #tpu.memory_space<hbm>>
        tpu.enqueue_dma source(%dma_start3A_200 : memref<256xi32, #tpu.memory_space<hbm>>) target(%dma_start3A_199 : memref<256xi32, #tpu.memory_space<vmem>>) target_semaphore(%dma_start3A_196 : memref<!tpu.dma_semaphore, #tpu.memory_space<semaphore_mem>>)
      } else {
      }
      scf.yield %scan3A_160#0, %scan3A_160#1, %scan3A_160#2, %scan3A_160#3 : vector<16xf32>, vector<16xf32>, vector<16xf32>, vector<16xf32>
    }
    %scan3A_67 = arith.constant 12 : i32
    %add3A_68 = arith.addf %scan3A_66#0, %scan3A_66#1 : vector<16xf32>
    %add3A_69 = arith.addf %add3A_68, %scan3A_66#2 : vector<16xf32>
    %add3A_70 = arith.addf %add3A_69, %scan3A_66#3 : vector<16xf32>
    %swap3A = arith.constant 0 : index
    %swap3A_71 = tpu.vector_load %arg9[%swap3A] {strides = array<i32>} : memref<16xf32, #tpu.memory_space<vmem>>, vector<16xf32>,
    %swap3A_72 = vector.shape_cast %swap3A_71 : vector<16xf32> to vector<16xf32>
    %swap3A_73 = vector.shape_cast %add3A_70 : vector<16xf32> to vector<16xf32>
    tpu.vector_store %arg9[%swap3A], %swap3A_73 {strides = array<i32>} : memref<16xf32, #tpu.memory_space<vmem>>, vector<16xf32>,
    "tpu.region"() ({
      %run_scoped3A = tpu.sem_alloc : memref<!tpu.dma_semaphore, #tpu.memory_space<semaphore_mem>>
      %dma_start3A_74 = arith.constant 0 : i32
      %dma_start3A_75 = tpu.memref_slice %arg5[%add3A, %dma_start3A_74] : memref<32x16xf32, #tpu.memory_space<hbm>> -> memref<1x16xf32, #tpu.memory_space<hbm>>
      %dma_start3A_76 = tpu.memref_squeeze %dma_start3A_75 : memref<1x16xf32, #tpu.memory_space<hbm>> -> memref<16xf32, #tpu.memory_space<hbm>>
      %dma_start3A_77 = arith.constant 0 : i32
      %dma_start3A_78 = tpu.memref_slice %arg5[%add3A, %dma_start3A_77] : memref<32x16xf32, #tpu.memory_space<hbm>> -> memref<1x16xf32, #tpu.memory_space<hbm>>
      %dma_start3A_79 = tpu.memref_squeeze %dma_start3A_78 : memref<1x16xf32, #tpu.memory_space<hbm>> -> memref<16xf32, #tpu.memory_space<hbm>>
      tpu.enqueue_dma source(%arg9 : memref<16xf32, #tpu.memory_space<vmem>>) target(%dma_start3A_79 : memref<16xf32, #tpu.memory_space<hbm>>) target_semaphore(%run_scoped3A : memref<!tpu.dma_semaphore, #tpu.memory_space<semaphore_mem>>)
      %dma_wait3A = arith.constant 0 : i32
      %dma_wait3A_80 = tpu.memref_slice %arg5[%add3A, %dma_wait3A] : memref<32x16xf32, #tpu.memory_space<hbm>> -> memref<1x16xf32, #tpu.memory_space<hbm>>
      %dma_wait3A_81 = tpu.memref_squeeze %dma_wait3A_80 : memref<1x16xf32, #tpu.memory_space<hbm>> -> memref<16xf32, #tpu.memory_space<hbm>>
      %dma_wait3A_82 = arith.constant 0 : i32
      %dma_wait3A_83 = tpu.memref_slice %arg5[%add3A, %dma_wait3A_82] : memref<32x16xf32, #tpu.memory_space<hbm>> -> memref<1x16xf32, #tpu.memory_space<hbm>>
      %dma_wait3A_84 = tpu.memref_squeeze %dma_wait3A_83 : memref<1x16xf32, #tpu.memory_space<hbm>> -> memref<16xf32, #tpu.memory_space<hbm>>
      tpu.wait_dma2 semaphore(%run_scoped3A : memref<!tpu.dma_semaphore, #tpu.memory_space<semaphore_mem>>) src(%arg9 : memref<16xf32, #tpu.memory_space<vmem>>) dst(%dma_wait3A_84 : memref<16xf32, #tpu.memory_space<hbm>>)
      tpu.yield
    }) : () -> ()
    return
  }
}

module attributes {stable_mosaic.version = 14 : i64} {
  func.func @_tc_block_kernel(%arg0: i32, %arg1: memref<1x1024x1xi32, #tpu.memory_space<vmem>>, %arg2: memref<1024x2048xf32, #tpu.memory_space<vmem>>, %arg3: memref<1024x2048xbf16, #tpu.memory_space<vmem>>, %arg4: memref<1x1xf32, #tpu.memory_space<vmem>>) attributes {dimension_semantics = [#tpu.dimension_semantics<arbitrary>], iteration_bounds = array<i64: 10>, scalar_prefetch = 0 : i64, scratch_operands = 0 : i64, tpu.core_type = #tpu.core_type<tc>, window_params = [{transform_indices = @transform_0, window_bounds = array<i64: 1, 1024, 1>}, {transform_indices = @transform_1, window_bounds = array<i64: 1024, 2048>}, {pipeline_mode = #tpu.pipeline_mode<synchronous>, transform_indices = @transform_2, window_bounds = array<i64: 1024, 2048>}, {pipeline_mode = #tpu.pipeline_mode<synchronous>, transform_indices = @transform_3, window_bounds = array<i64: 1, 1>}]} {
    %get3A = arith.constant 0 : index
    %get3A_0 = arith.constant 0 : index
    %get3A_1 = arith.constant 0 : index
    %get3A_2 = vector.load %arg1[%get3A, %get3A_0, %get3A_1] : memref<1x1024x1xi32, #tpu.memory_space<vmem>>, vector<1x1024x1xi32>
    %get3A_3 = vector.shape_cast %get3A_2 : vector<1x1024x1xi32> to vector<1024x1xi32>
    %iota3A = tpu.iota {dimensions = array<i32: 1>} : vector<1024x1024xi32>
    %eq3A = vector.broadcast %get3A_3 : vector<1024x1xi32> to vector<1024x1024xi32>
    %eq3A_4 = arith.cmpi eq, %iota3A, %eq3A : vector<1024x1024xi32>
    %convert_element_type3A = arith.extui %eq3A_4 : vector<1024x1024xi1> to vector<1024x1024xi32>
    %convert_element_type3A_5 = arith.sitofp %convert_element_type3A : vector<1024x1024xi32> to vector<1024x1024xf32>
    %convert_element_type3A_6 = arith.truncf %convert_element_type3A_5 : vector<1024x1024xf32> to vector<1024x1024xbf16>
    %get3A_7 = arith.constant 0 : index
    %get3A_8 = arith.constant 0 : index
    %get3A_9 = vector.load %arg3[%get3A_7, %get3A_8] : memref<1024x2048xbf16, #tpu.memory_space<vmem>>, vector<1024x2048xbf16>
    %dot_general3A = arith.constant dense<0.000000e+00> : vector<1024x2048xf32>
    %dot_general3A_10 = tpu.matmul %convert_element_type3A_6, %get3A_9, %dot_general3A {dimension_numbers = #tpu.dot_dimension_numbers<[1], [0], [0], [1], [0, 0, 1, 1], [], []>, transpose_lhs_hint = false} : vector<1024x1024xbf16>, vector<1024x2048xbf16>, vector<1024x2048xf32> -> vector<1024x2048xf32>
    %get3A_11 = arith.constant 0 : index
    %get3A_12 = arith.constant 0 : index
    %get3A_13 = vector.load %arg2[%get3A_11, %get3A_12] : memref<1024x2048xf32, #tpu.memory_space<vmem>>, vector<1024x2048xf32>
    %sub3A = arith.subf %get3A_13, %dot_general3A_10 : vector<1024x2048xf32>
    %mul3A = arith.mulf %sub3A, %sub3A : vector<1024x2048xf32>
    %reduce_sum3A = vector.shape_cast %mul3A : vector<1024x2048xf32> to vector<1x1024x2048xf32>
    %reduce_sum3A_14 = arith.constant dense<0.000000e+00> : vector<1xf32>
    %reduce_sum3A_15 = vector.multi_reduction <add>, %reduce_sum3A, %reduce_sum3A_14 [1, 2] : vector<1x1024x2048xf32> to vector<1xf32>
    %reduce_sum3A_16 = vector.shape_cast %reduce_sum3A_15 : vector<1xf32> to vector<1x1x1xf32>
    %reduce_sum3A_17 = vector.extract %reduce_sum3A_16[0, 0, 0] : f32 from vector<1x1x1xf32>
    %broadcast_in_dim3A = vector.broadcast %reduce_sum3A_17 : f32 to vector<1x1xf32>
    %eq3A_18 = arith.constant 0 : i32
    %eq3A_19 = arith.cmpi eq, %arg0, %eq3A_18 : i32
    %convert_element_type3A_20 = arith.extui %eq3A_19 : i1 to i32
    %cond3A = arith.constant 0 : i32
    %cond3A_21 = arith.cmpi ne, %convert_element_type3A_20, %cond3A : i32
    scf.if %cond3A_21 {
      %broadcast_in_dim3A_27 = arith.constant 0.000000e+00 : f32
      %broadcast_in_dim3A_28 = vector.broadcast %broadcast_in_dim3A_27 : f32 to vector<1x1xf32>
      %swap3A_29 = arith.constant 0 : index
      %swap3A_30 = arith.constant 0 : index
      %swap3A_31 = vector.load %arg4[%swap3A_29, %swap3A_30] : memref<1x1xf32, #tpu.memory_space<vmem>>, vector<1x1xf32>
      tpu.vector_store %arg4[%swap3A_29, %swap3A_30], %broadcast_in_dim3A_28 {strides = array<i32>} : memref<1x1xf32, #tpu.memory_space<vmem>>, vector<1x1xf32>,
    } else {
    }
    %get3A_22 = arith.constant 0 : index
    %get3A_23 = arith.constant 0 : index
    %get3A_24 = vector.load %arg4[%get3A_22, %get3A_23] : memref<1x1xf32, #tpu.memory_space<vmem>>, vector<1x1xf32>
    %add3A = arith.addf %get3A_24, %broadcast_in_dim3A : vector<1x1xf32>
    %swap3A = arith.constant 0 : index
    %swap3A_25 = arith.constant 0 : index
    %swap3A_26 = vector.load %arg4[%swap3A, %swap3A_25] : memref<1x1xf32, #tpu.memory_space<vmem>>, vector<1x1xf32>
    tpu.vector_store %arg4[%swap3A, %swap3A_25], %add3A {strides = array<i32>} : memref<1x1xf32, #tpu.memory_space<vmem>>, vector<1x1xf32>,
    return
  }
  func.func @transform_0(%arg0: i32) -> (i32, i32, i32) {
    %add3A = arith.constant 6 : i32
    %add3A_0 = arith.addi %arg0, %add3A : i32
    %c0_i32 = arith.constant 0 : i32
    %c0_i32_1 = arith.constant 0 : i32
    %c0_i32_2 = arith.constant 0 : i32
    return %add3A_0, %c0_i32, %c0_i32_1 : i32, i32, i32
  }
  func.func @transform_1(%arg0: i32) -> (i32, i32) {
    %add3A = arith.constant 6 : i32
    %add3A_0 = arith.addi %arg0, %add3A : i32
    %c0_i32 = arith.constant 0 : i32
    %c0_i32_1 = arith.constant 0 : i32
    return %add3A_0, %c0_i32 : i32, i32
  }
  func.func @transform_2(%arg0: i32) -> (i32, i32) {
    %c0_i32 = arith.constant 0 : i32
    %c0_i32_0 = arith.constant 0 : i32
    %c0_i32_1 = arith.constant 0 : i32
    return %c0_i32, %c0_i32_0 : i32, i32
  }
  func.func @transform_3(%arg0: i32) -> (i32, i32) {
    %c0_i32 = arith.constant 0 : i32
    %c0_i32_0 = arith.constant 0 : i32
    %c0_i32_1 = arith.constant 0 : i32
    return %c0_i32, %c0_i32_0 : i32, i32
  }
}

</mosaic_0001>

<sc_bundles>
// kernel: kernel.4.cloned.1.call-start
scs
__scs_entry_jumppad:
0x0: {  	(pc) =	sbr.rel $0x88, $3  }
0x1: {  	(tag) =	ssettag $0x0;
	lr =	simm.s32 $0x1  }
0x2: {  	[smem:$0x3F9E] =	sst lr;
	_ =	strace $0xD0000000  }
0x3: {  	_ = 	snop  }
0x4: {  	_ = 	snop  }
0x5: {  	_ = 	snop  }
0x6: {  	_ = 	snop  }
0x7: {  	_ = 	snop  }
__scs_overlays_trampoline_lowered:
0x8: {  	[smem:$0x3FAD] =	sst s0  }
0x9: {  	[smem:$0x3FAE] =	sst s1  }
0xa: {  	[smem:$0x3FAF] =	sst s2  }
0xb: {  	[smem:$0x3FB0] =	sst s3  }
0xc: {  	[smem:$0x3FB1] =	sst s4  }
0xd: {  	[smem:$0x3FB2] =	sst s5  }
0xe: {  	[smem:$0x3FB3] =	sst s6  }
0xf: {  	[smem:$0x3FB4] =	sst s7  }
0x10: {  	[smem:$0x3FB5] =	sst s8  }
0x11: {  	[smem:$0x3FB6] =	sst s9;
	s0 =	simm.s32 @!p0 $0x0  }
0x12: {  	s1 =	sld [smem:$0x3F9C];
	s0 =	simm.s32 @p0 $0x1  }
0x13: {  	[smem:$0x3FB7] =	sst s0;
	s0 =	simm.s32 @!p1 $0x0  }
0x14: {  	s2 =	sld [smem:$0x3F9B];
	s0 =	simm.s32 @p1 $0x1  }
0x15: {  	[smem:$0x3FB8] =	sst s0;
	s0 =	simm.s32 @!p2 $0x0  }
0x16: {  	s3 =	sld [smem:$0x3FDB];
	s0 =	simm.s32 @p2 $0x1  }
0x17: {  	s4 =	simm.s32 $0x1BF5;
	[smem:$0x3FBA] =	sst s0  }
0x18: {  	s0 =	sld [smem:$0x3F9D];
	_ =	swait.ge [sflag:s4], $0x0  }
0x19: {  	s7 =	sld [smem:$0x3F9E]  }
0x1a: {  	s8 =	sadd.s32 $0xFFFFE003, lr  }
0x1b: {  	s9 =	sadd.s32 $0xFFFFFEF7, lr;
	s5 =	simm.s32 $0xFFFFFFFF;
	p2 =	slt.u32 s8, $0xFFFFF086  }
0x1c: {  	p1 =	slt.u32 s9, $0xF7A;
	s5 =	simm.s32 @!p2 $0x0  }
0x1d: {  	s5 =	simm.s32 @p1 $0x1;
	p0 =	seq.s32 s7, s2  }
0x1e: {  	s7 =	smul.u32 @!p0 $0xF7A, s2;
	p2 =	seq.s32 @!p0 s5, $0x0  }
0x1f: {  	s9 =	smul.u32 $0xF7A, s1;
	s8 =	simm.s32 @!p0 $0x1BF5;
	p2 =	por !p2, p0  }
0x20: {  	[sflag:s8] =	ssyncset.s32 @!p0 $0xFFFFF086;
	s6 =	sadd.s32 @!p0 s3, s7;
	s7 =	simm.s32 @!p0 $0x108  }
0x21: {  	s3 =	sadd.s32 s3, s9;
	s6 =	sadd.s32 @!p0 $0x88, s6;
	s7 =	simm.s32 @p2 $0x1082  }
0x22: {  	[simem:s7], [sflag:s8] =	dma.local @!p0 [hbm:s6], $0xF7A  }
0x23: {  	s9 =	sor.u32 $0xD0000000, s2;
	s6 =	simm.s32 $0x108;
	_ =	swait.ge @!p0 [sflag:s8], $0x0  }
0x24: {  	s3 =	sadd.s32 $0x88, s3;
	s6 =	simm.s32 @!p1 $0x1082;
	[sflag:s4] =	ssyncset.s32 $0xFFFFF086  }
0x25: {  	[simem:s6], [sflag:s4] =	dma.local [hbm:s3], $0xF7A  }
0x26: {  	[smem:$0x3F9E] =	sst s1;
	(tag) =	ssettag s2;
	_ =	strace s9  }
0x27: {  	s1 =	sld [smem:$0x3FAE]  }
0x28: {  	s2 =	sld [smem:$0x3FAF]  }
0x29: {  	s4 =	sld [smem:$0x3FB1]  }
0x2a: {  	p0 =	seq.s32 s5, $0x0;
	s5 =	sld [smem:$0x3FB2]  }
0x2b: {  	s6 =	sld [smem:$0x3FB3]  }
0x2c: {  	s7 =	sld [smem:$0x3FB4]  }
0x2d: {  	s3 =	simm.s32 $0x108;
	s8 =	sld [smem:$0x3FB5]  }
0x2e: {  	s3 =	simm.s32 @!p0 $0x1082;
	s9 =	sld [smem:$0x3FB6]  }
0x2f: {  	lr =	sadd.s32 s0, s3;
	s0 =	sld [smem:$0x3FAD]  }
0x30: {  	s3 =	sld [smem:$0x3FB0]  }
0x31: {  	[smem:$0x3FB9] =	sst s10  }
0x32: {  	s10 =	sld [smem:$0x3FB7];
	_ =	sdelay $0x3  }
0x33: {  	p0 =	seq.s32 s10, $0x1;
	s10 =	sld [smem:$0x3FB9];
	_ =	sdelay $0x3  }
0x34: {  	[smem:$0x3FB9] =	sst s10  }
0x35: {  	s10 =	sld [smem:$0x3FB8];
	_ =	sdelay $0x3  }
0x36: {  	p1 =	seq.s32 s10, $0x1;
	s10 =	sld [smem:$0x3FB9];
	_ =	sdelay $0x3  }
0x37: {  	[smem:$0x3FB9] =	sst s10  }
0x38: {  	s10 =	sld [smem:$0x3FBA]  }
0x39: {  	_ = 	snop;
	(pc) =	sbr.ind lr, $3  }
0x3a: {  	_ = 	snop  }
0x3b: {  	_ = 	snop  }
0x3c: {  	p2 =	seq.s32 s10, $0x1;
	s10 =	sld [smem:$0x3FB9]  }
0x3d: {  	_ =	shalt  }
0x3e: {  	_ =	shalt  }
0x3f: {  	_ =	shalt  }
0x40: {  	_ =	shalt  }
0x41: {  	_ =	shalt  }
0x42: {  	_ =	shalt  }
0x43: {  	_ =	shalt  }
0x44: {  	_ =	shalt  }
0x45: {  	_ =	shalt  }
0x46: {  	_ =	shalt  }
0x47: {  	_ =	shalt  }
0x48: {  	_ =	shalt  }
0x49: {  	_ =	shalt  }
0x4a: {  	_ =	shalt  }
0x4b: {  	_ =	shalt  }
0x4c: {  	_ =	shalt  }
0x4d: {  	_ =	shalt  }
0x4e: {  	_ =	shalt  }
0x4f: {  	_ =	shalt  }
0x50: {  	_ =	shalt  }
0x51: {  	_ =	shalt  }
0x52: {  	_ =	shalt  }
0x53: {  	_ =	shalt  }
0x54: {  	_ =	shalt  }
0x55: {  	_ =	shalt  }
0x56: {  	_ =	shalt  }
0x57: {  	_ =	shalt  }
0x58: {  	_ =	shalt  }
0x59: {  	_ =	shalt  }
0x5a: {  	_ =	shalt  }
0x5b: {  	_ =	shalt  }
0x5c: {  	_ =	shalt  }
0x5d: {  	_ =	shalt  }
0x5e: {  	_ =	shalt  }
0x5f: {  	_ =	shalt  }
0x60: {  	_ =	shalt  }
0x61: {  	_ =	shalt  }
0x62: {  	_ =	shalt  }
0x63: {  	_ =	shalt  }
0x64: {  	_ =	shalt  }
0x65: {  	_ =	shalt  }
0x66: {  	_ =	shalt  }
0x67: {  	_ =	shalt  }
0x68: {  	_ =	shalt  }
0x69: {  	_ =	shalt  }
0x6a: {  	_ =	shalt  }
0x6b: {  	_ =	shalt  }
0x6c: {  	_ =	shalt  }
0x6d: {  	_ =	shalt  }
0x6e: {  	_ =	shalt  }
0x6f: {  	_ =	shalt  }
0x70: {  	_ =	shalt  }
0x71: {  	_ =	shalt  }
0x72: {  	_ =	shalt  }
0x73: {  	_ =	shalt  }
0x74: {  	_ =	shalt  }
0x75: {  	_ =	shalt  }
0x76: {  	_ =	shalt  }
0x77: {  	_ =	shalt  }
0x78: {  	_ =	shalt  }
0x79: {  	_ =	shalt  }
0x7a: {  	_ =	shalt  }
0x7b: {  	_ =	shalt  }
0x7c: {  	_ =	shalt  }
0x7d: {  	_ =	shalt  }
0x7e: {  	_ =	shalt  }
0x7f: {  	_ =	shalt  }
0x80: {  	_ =	shalt  }
0x81: {  	_ =	shalt  }
0x82: {  	_ =	shalt  }
0x83: {  	_ =	shalt  }
0x84: {  	_ =	shalt  }
0x85: {  	_ =	shalt  }
0x86: {  	_ =	shalt  }
0x87: {  	_ =	shalt  }
.Lfunc_end0:
.L_simem_size_0:
called_computation.1_lowered:
.L_overlay_start_0:
0x88: {  	s2 =	sld [smem:$0x3FD9]  }
0x89: {  	s3 =	sld [smem:$0x3FFE];
	_ =	sdelay $0x1  }
0x8a: {  	s1 =	srdreg.scid  }
0x8b: {  	s0 =	sand.u32 $0x1, s1  }
0x8c: {  	s16 =	sshll.u32 s0, $0xA;
	s2 =	sadd.s32 s3, s2  }
0x8d: {  	s2 =	sadd.s32 s2, s16  }
0x8e: {  	[smem:$0x3FC5] =	sst s2  }
0x8f: {  	_ = 	snop  }
0x90: {  	(tm) =	ssettm $0x1  }
0x91: {  	s17 =	sld [smem:$0x3FFB];
	_ =	sdelay $0x3  }
0x92: {  	_ =	strace s17  }
0x93: {  	s2 =	sld [smem:$0x3FFC];
	_ =	sdelay $0x3  }
0x94: {  	_ =	strace s2  }
0x95: {  	s2 =	sld [smem:$0x3FFD];
	_ =	sdelay $0x3  }
0x96: {  	_ =	strace s2  }
0x97: {  	_ =	strace $0x8FFFFFFF  }
0x98: {  	s18 =	sld [smem:$0x3FDB];
	_ =	sdelay $0x1  }
0x99: {  	s19 =	simm.s32 $_scs_section_size  }
0x9a: {  	s4 =	simm.s32 $_size__tile_overlayer_lowered;
	s5 =	simm.s32 $_tile_overlayer_lowered  }
0x9b: {  	s22 =	simm.s32 $0x1BFF;
	s21 =	sshll.u32 s5, $0x1;
	s2 =	sadd.s32 s19, s18  }
0x9c: {  	s6 =	simm.s32 $0x0;
	s20 =	sshll.u32 s4, $0x1;
	s4 =	sadd.s32 s21, s2  }
0x9d: {  	[timem:s6], [sflag:s22] =	dma.local [hbm:s4], s20  }
0x9e: {  	_ =	swait.ge [sflag:s22], s20  }
0x9f: {  	s3 =	ssub.s32 $0x0, s20;
	[sflag:s22] =	ssyncset.done $0x0  }
0xa0: {  	[sflag:s22] =	ssyncadd.s32 s3;
	_ =	sdelay $0x1  }
0xa1: {  	s23 =	simm.s32 $0x1B8B  }
0xa2: {  	_ =	swait.ge [sflag:s23], $0x1  }
0xa3: {  	[sflag:s23] =	ssyncset.done $0x0  }
0xa4: {  	s25 =	simm.s32 $0x1B8E;
	s24 =	sld [smem:$0x3FFE];
	[sflag:s23] =	ssyncadd.s32 $0xFFFFFFFF  }
0xa5: {  	s26 =	simm.s32 $execute0_lowered;
	[smem:$0x3FD2] =	sst s25  }
0xa6: {  	s4 =	sshll.u32 s26, $0x1;
	_ =	strace $0x80000049;
	[dreg:$0x1] =	wrdreg $0xFFFFFFFF  }
0xa7: {  	s28 =	simm.s32 $_size_execute0_lowered;
	s2 =	sadd.s32 s2, s4;
	[dreg:$0x0] =	wrdreg $0x0  }
0xa8: {  	s4 =	sshll.u32 s28, $0x1;
	[dreg:$0x2] =	wrdreg s2  }
0xa9: {  	[dreg:$0x3] =	wrdreg s4  }
0xaa: {  	[dreg:$0x4] =	wrdreg $0xC0  }
0xab: {  	_ =	task [dreg:s6], $0x5FFFF  }
0xac: {  	[dreg:$0x1] =	wrdreg $0xFFFFFFFF  }
0xad: {  	[dreg:$0x0] =	wrdreg $0x60  }
0xae: {  	[dreg:$0x2] =	wrdreg s24  }
0xaf: {  	[dreg:$0x3] =	wrdreg $0x9  }
0xb0: {  	_ =	task.clear_ibuf [dreg:s6], $0x4FFFF;
	_ =	strace $0x90000049  }
0xb1: {  	s29 =	simm.s32 $0x9;
	_ =	strace $0x8000004B  }
0xb2: {  	_ =	swait.ge [sflag:s29], $0x1  }
0xb3: {  	[sflag:s29] =	ssyncadd.s32 $0xFFFFFFFF  }
0xb4: {  	_ =	strace $0x9000004B  }
0xb5: {  	_ =	sfence  }
0xb6: {  	s30 =	sld [smem:$0x0];
	_ =	sdelay $0x2  }
0xb7: {  	s31 =	sshll.u32 s1, $0xD;
	s1 =	sshrl.u32 s1, $0x2  }
0xb8: {  	s3 =	sand.u32 $0x4000, s31;
	s1 =	sadd.s32 s1, s30  }
0xb9: {  	s0 =	sor.u32 s3, s0;
	s1 =	sshll.u32 s1, $0x11  }
0xba: {  	s0 =	sor.u32 s1, s0  }
0xbb: {  	s0 =	sadd.s32 $0x8F2B, s0  }
0xbc: {  	[sflag:s0] =	ssyncadd.remote.s32 $0x1  }
0xbd: {  	_ =	sfence.sel $0xFFFF  }
0xbe: {  	[dreg:$0x0] =	wrdreg $0xFFFFFFFF;
	(pc) =	sbr.abs _section_cstart, $3  }
0xbf: {  	[dreg:$0x1] =	wrdreg $0xFFFFFFFF  }
0xc0: {  	_ =	task.clear_ibuf [dreg:s6], $0x2FFFF;
	_ =	strace $0x9FFFFFFF  }
0xc1: {  	(tm) =	ssettm $0x7FFFFFFF  }
tec
execute0_lowered:
.L_overlay_start_1:
0x0: {  	(tag) =	ssettag $0x1  }
0x1: {  	s0 =	rddreg [dreg:$0x0]  }
0x2: {  	s2 =	simm.s32 $0x0;
	s3 =	srdreg.scid;
	s1 =	stileid.u32  }
0x3: {  	s12 =	simm.s32 $0x40;
	s13 =	simm.s32 $0x800;
	s14 =	simm.s32 $0x5  }
0x4: {  	s17 =	simm.s32 $0x13A00;
	s18 =	simm.s32 $0x17B00;
	s19 =	simm.s32 $0x1  }
0x5: {  	s20 =	simm.s32 $0x3;
	s21 =	simm.s32 $0x2;
	s22 =	simm.s32 $0x4  }
0x6: {  	s23 =	simm.s32 $0x17C00;
	s24 =	simm.s32 $0x0;
	[smem:$0x7FF] =	sst s2  }
0x7: {  	s5 =	sand.u32 $0x1, s3;
	s6 =	sshll.u32 s1, $0x1;
	s3 =	sadd.s32 $0x180E00, s0  }
0x8: {  	s4 =	sadd.s32 $0x33F600, s0;
	_ =	strace $0x8000004A;
	s7 =	sor.u32 s5, s6  }
.Ltmp0:
0x9: {  	s5 =	ssub.s32 $0x2, s5;
	s6 =	sshll.u32 s7, $0x3;
	(pc) =	sbr.rel .LBB2_1-.Ltmp0, $4  }
0xa: {  	s8 =	sshll.u32 s7, $0x1;
	s31 =	sshrl.u32 s5, $0x1;
	s7 =	sshll.u32 s7, $0x6  }
0xb: {  	s9 =	sadd.s32 s6, s0;
	s10 =	sadd.s32 s8, s0;
	s6 =	sadd.s32 s3, s6  }
0xc: {  	s11 =	ssub.s32 s5, s31;
	s5 =	sadd.s32 $0x300E00, s9;
	s8 =	sadd.s32 $0x10000, s6  }
0xd: {  	s9 =	sadd.s32 $0x33F620, s0;
	s10 =	sadd.s32 $0xE00, s10;
	s11 =	smax.u32 s11, $0x1  }
.LBB2_8:
0xe: {  	v0 =	vadd.f32 v19, v20;
	_ =	sdelay $0x1  }
0xf: {  	v0 =	vadd.f32 v18, v0;
	_ =	sdelay $0x1  }
0x10: {  	s24 =	sadd.s32 $0x1, s24;
	v0 =	vadd.f32 v14, v0  }
0x11: {  	p0 =	sne.s32 s24, s11  }
.Ltmp1:
0x12: {  	[tilespmem:$0x17C00] =	vst v0;
	(pc) =	sbr.rel @!p0 .LBB2_9-.Ltmp1, $4  }
0x13: {  	[hbm4b:s10+s2] =	stream.linear.scatter [tilespmem:s23], [sflag:$0x5], $0x10, $0x38;
	[tilespmem:$0x17C10] =	vst v63  }
0x14: {  	_ =	swait.ge [sflag:s14], $0x10  }
0x15: {  	[sflag:s14] =	ssyncset.done $0x0  }
0x16: {  	[sflag:s14] =	ssyncadd.s32 $0xFFFFFFF0  }
.LBB2_1:
0x17: {  	[tilespmem:s2], [sflag:$0x5] =	stream.strided.gather [hbm4b:s5+s12], $0xFA00, s13, s12, $0x38;
	[tilespmem:$0x17C10] =	vst v63  }
0x18: {  	_ =	swait.ge [sflag:s14], $0xFA00  }
0x19: {  	[sflag:s14] =	ssyncset.done $0x0  }
0x1a: {  	s0 =	simm.s32 $0xFA00;
	[sflag:s14] =	ssyncadd.s32 $0xFFFF0600  }
0x1b: {  	[tilespmem:s0], [sflag:$0x1] =	stream.strided.gather [hbm4b:s6+s12], $0x4000, s13, s12, $0x38;
	[tilespmem:$0x17C10] =	vst v63  }
0x1c: {  	s31 =	simm.s32 $0x17A00  }
0x1d: {  	[tilespmem:s31], [sflag:$0x3] =	stream.linear.gather [hbm4b:s4+s2], $0x100, $0x38;
	[tilespmem:$0x17C10] =	vst v63  }
0x1e: {  	_ = 	snop  }
0x1f: {  	[tilespmem:s17], [sflag:$0x2] =	stream.strided.gather [hbm4b:s8+s12], $0x4000, s13, s12, $0x38;
	[tilespmem:$0x17C10] =	vst v63  }
0x20: {  	v14 =	vimm.f32 $0.0e+00;
	s25 =	simm.s32 $0x0  }
0x21: {  	v18 =	vimm.f32 $0.0e+00;
	v19 =	vimm.f32 $0.0e+00;
	v20 =	vimm.f32 $0.0e+00;
	[tilespmem:s18], [sflag:$0x4] =	stream.linear.gather [hbm4b:s9+s2], $0x100, $0x38;
	[tilespmem:$0x17C10] =	vst v63  }
.LBB2_2:
0x22: {  	[tilespmem:$0x1FD40] =	vst v20  }
0x23: {  	[tilespmem:$0x1FD50] =	vst v19  }
0x24: {  	[tilespmem:$0x1FD60] =	vst v18  }
0x25: {  	[tilespmem:$0x1FD70] =	vst v14  }
0x26: {  	_ =	swait.ge [sflag:s19], $0x4000  }
0x27: {  	[sflag:s19] =	ssyncset.done $0x0  }
0x28: {  	[sflag:s19] =	ssyncadd.s32 $0xFFFFC000  }
0x29: {  	_ =	swait.ge [sflag:s20], $0x100  }
0x2a: {  	[sflag:s20] =	ssyncset.done $0x0  }
0x2b: {  	s26 =	simm.s32 $0xFC00;
	[sflag:s20] =	ssyncadd.s32 $0xFFFFFF00  }
0x2c: {  	v0 =	vld [tilespmem:s26+$0x1F0];
	_ =	sdelay $0x4  }
0x2d: {  	[tilespmem:$0x1FF10] =	vst v0;
	v0 =	vld [tilespmem:s26+$0x180];
	_ =	sdelay $0x4  }
0x2e: {  	[tilespmem:$0x1FF00] =	vst v0;
	v0 =	vld [tilespmem:s26+$0x190];
	_ =	sdelay $0x4  }
0x2f: {  	[tilespmem:$0x1FF30] =	vst v0;
	v0 =	vld [tilespmem:s26+$0x1A0];
	_ =	sdelay $0x4  }
0x30: {  	[tilespmem:$0x1FF40] =	vst v0;
	v0 =	vld [tilespmem:s26+$0xF0];
	_ =	sdelay $0x4  }
0x31: {  	[tilespmem:$0x1FD80] =	vst v0;
	v0 =	vld [tilespmem:s26+$0x80];
	_ =	sdelay $0x4  }
0x32: {  	[tilespmem:$0x1FD90] =	vst v0;
	v0 =	vld [tilespmem:s26+$0x90];
	_ =	sdelay $0x4  }
0x33: {  	[tilespmem:$0x1FDA0] =	vst v0;
	v0 =	vld [tilespmem:s26+$0xA0];
	_ =	sdelay $0x3  }
0x34: {  	v12 =	vld [tilespmem:s26+$0x1C0]  }
0x35: {  	[tilespmem:$0x1FDB0] =	vst v0;
	v0 =	vld [tilespmem:s26+$0xB0]  }
0x36: {  	v13 =	vld [tilespmem:s26+$0x1D0]  }
0x37: {  	v63 =	vld [tilespmem:s26+$0x1E0]  }
0x38: {  	v30 =	vld [tilespmem:s26+$0x1B0]  }
0x39: {  	v55 =	vld [tilespmem:s26+$0x140]  }
0x3a: {  	[tilespmem:$0x1FDC0] =	vst v0;
	v0 =	vld [tilespmem:s26+$0x40]  }
0x3b: {  	v35 =	vld [tilespmem:s26+$0x150]  }
0x3c: {  	v36 =	vld [tilespmem:s26+$0x160]  }
0x3d: {  	v21 =	vld [tilespmem:s26+$0x170]  }
0x3e: {  	v37 =	vld [tilespmem:s26+$0x100]  }
0x3f: {  	[tilespmem:$0x1FDD0] =	vst v0;
	v0 =	vld [tilespmem:s26+$0x50]  }
0x40: {  	v22 =	vld [tilespmem:s26+$0x110]  }
0x41: {  	v29 =	vld [tilespmem:s26+$0x120]  }
0x42: {  	v14 =	vld [tilespmem:s26+$0x130]  }
0x43: {  	v20 =	vld [tilespmem:s26+$0xC0]  }
0x44: {  	[tilespmem:$0x1FDE0] =	vst v0;
	v0 =	vld [tilespmem:s26+$0x60]  }
0x45: {  	v18 =	vld [tilespmem:s26+$0xD0]  }
0x46: {  	v19 =	vld [tilespmem:s26+$0xE0]  }
0x47: {  	v24 =	vld [tilespmem:s26+$0x0]  }
0x48: {  	v25 =	vld [tilespmem:s26+$0x20]  }
0x49: {  	[tilespmem:$0x1FDF0] =	vst v0;
	v0 =	vld [tilespmem:s26+$0x70]  }
0x4a: {  	v40 =	vld [tilespmem:s26+$0xFFFFFFC0]  }
0x4b: {  	v26 =	vld [tilespmem:s26+$0xFFFFFFD0]  }
0x4c: {  	v42 =	vld [tilespmem:s26+$0xFFFFFFE0]  }
0x4d: {  	v41 =	vld [tilespmem:s26+$0xFFFFFFF0]  }
0x4e: {  	s0 =	simm.s32 $0x0;
	[tilespmem:$0x1FE00] =	vst v0;
	v0 =	vld [tilespmem:s26+$0x10]  }
0x4f: {  	v4 =	vld [tilespmem:s0+$0x17A00]  }
0x50: {  	v52 =	vld [tilespmem:s26+$0xFFFFFF80]  }
0x51: {  	v47 =	vld [tilespmem:s26+$0xFFFFFF90]  }
0x52: {  	v48 =	vld [tilespmem:s26+$0xFFFFFFA0]  }
0x53: {  	[tilespmem:$0x1FE10] =	vst v0;
	v0 =	vld [tilespmem:s26+$0x30]  }
0x54: {  	v44 =	vld [tilespmem:s26+$0xFFFFFFB0];
	v4 =	vshll.u32 v4, $0x8  }
0x55: {  	v53 =	vld [tilespmem:s26+$0xFFFFFF40];
	v32 =	vshra.s32 v4, $0x2  }
0x56: {  	v49 =	vld [tilespmem:s26+$0xFFFFFF50];
	(v2sf) =	vpush v32, $0xF  }
0x57: {  	v58 =	vld [tilespmem:s26+$0xFFFFFF60]  }
0x58: {  	[tilespmem:$0x1FE20] =	vst v0;
	v0 =	vld [tilespmem:s26+$0xFFFFFEA0]  }
0x59: {  	v45 =	vld [tilespmem:s26+$0xFFFFFF70]  }
0x5a: {  	v61 =	vld [tilespmem:s26+$0xFFFFFF00]  }
0x5b: {  	v51 =	vld [tilespmem:s26+$0xFFFFFF10];
	(v2sf) =	vpush v32, $0xE  }
0x5c: {  	v59 =	vld [tilespmem:s26+$0xFFFFFF20]  }
0x5d: {  	[tilespmem:$0x1FE30] =	vst v0;
	v0 =	vld [tilespmem:s26+$0xFFFFFEB0]  }
0x5e: {  	v60 =	vld [tilespmem:s26+$0xFFFFFF30]  }
0x5f: {  	v50 =	vld [tilespmem:s26+$0xFFFFFEC0]  }
0x60: {  	v46 =	vld [tilespmem:s26+$0xFFFFFED0];
	(v2sf) =	vpush v32, $0xD  }
0x61: {  	v43 =	vld [tilespmem:s26+$0xFFFFFEE0]  }
0x62: {  	[tilespmem:$0x1FE40] =	vst v0;
	v0 =	vld [tilespmem:s26+$0xFFFFFE40]  }
0x63: {  	v39 =	vld [tilespmem:s26+$0xFFFFFEF0]  }
0x64: {  	v38 =	vld [tilespmem:s26+$0xFFFFFE80];
	(v2sf) =	vpush v32, $0xC  }
0x65: {  	v27 =	vld [tilespmem:s26+$0xFFFFFE90];
	s16 =	spop (v2sf)  }
0x66: {  	v33 =	vld [tilespmem:s16+$0x0]  }
0x67: {  	[tilespmem:$0x1FE50] =	vst v0;
	v0 =	vld [tilespmem:s26+$0xFFFFFE50]  }
0x68: {  	(v2sf) =	vpush v32, $0xB;
	v17 =	vld [tilespmem:s16+$0x10]  }
0x69: {  	v56 =	vld [tilespmem:s16+$0x20]  }
0x6a: {  	s28 =	spop (v2sf);
	v57 =	vld [tilespmem:s16+$0x30]  }
0x6b: {  	v62 =	vld [tilespmem:s28+$0x0]  }
0x6c: {  	[tilespmem:$0x1FE60] =	vst v0;
	v0 =	vld [tilespmem:s26+$0xFFFFFE60]  }
0x6d: {  	v2 =	vld [tilespmem:s28+$0x10]  }
0x6e: {  	v3 =	vld [tilespmem:s28+$0x20]  }
0x6f: {  	(v2sf) =	vpush v32, $0xA;
	s29 =	spop (v2sf);
	v15 =	vld [tilespmem:s28+$0x30]  }
0x70: {  	v28 =	vld [tilespmem:s29+$0x10]  }
0x71: {  	[tilespmem:$0x1FE70] =	vst v0;
	v0 =	vld [tilespmem:s26+$0xFFFFFE70]  }
0x72: {  	v16 =	vld [tilespmem:s29+$0x20]  }
0x73: {  	s28 =	spop (v2sf);
	v1 =	vld [tilespmem:s29+$0x30]  }
0x74: {  	v54 =	vld [tilespmem:s28+$0x10]  }
0x75: {  	v34 =	vld [tilespmem:s28+$0x20]  }
0x76: {  	(v2sf) =	vpush v32, $0x9;
	[tilespmem:$0x1FE80] =	vst v0;
	v0 =	vld [tilespmem:s26+$0xFFFFFE00]  }
0x77: {  	s30 =	spop (v2sf);
	v4 =	vld [tilespmem:s28+$0x30]  }
0x78: {  	v31 =	vld [tilespmem:s30+$0x0];
	v12 =	vsub.f32 v12, v33  }
0x79: {  	v6 =	vld [tilespmem:s30+$0x30];
	[tilespmem:$0x1FF80] =	vst v1  }
0x7a: {  	v1 =	vld [tilespmem:s28+$0x0];
	[tilespmem:$0x1FED0] =	vst v12;
	v12 =	vsub.f32 v13, v17  }
0x7b: {  	[tilespmem:$0x1FE90] =	vst v0;
	v0 =	vld [tilespmem:s26+$0xFFFFFE10]  }
0x7c: {  	(v2sf) =	vpush v32, $0x8;
	v13 =	vld [tilespmem:$0x1FF30];
	[tilespmem:$0x1FEE0] =	vst v12;
	v12 =	vsub.f32 v63, v56  }
0x7d: {  	[tilespmem:$0x1FFB0] =	vst v4;
	v4 =	vld [tilespmem:s30+$0x10]  }
0x7e: {  	s28 =	spop (v2sf);
	[tilespmem:$0x1FEF0] =	vst v12;
	v12 =	vld [tilespmem:$0x1FF00]  }
0x7f: {  	v10 =	vld [tilespmem:s28+$0x0]  }
0x80: {  	[tilespmem:$0x1FEA0] =	vst v0;
	v0 =	vld [tilespmem:s26+$0xFFFFFE20]  }
0x81: {  	v5 =	vld [tilespmem:s28+$0x10]  }
0x82: {  	v11 =	vld [tilespmem:s28+$0x20]  }
0x83: {  	v56 =	vsub.f32 v12, v62;
	v12 =	vld [tilespmem:$0x1FF10]  }
0x84: {  	v7 =	vld [tilespmem:s28+$0x30]  }
0x85: {  	(v2sf) =	vpush v32, $0x7;
	s31 =	spop (v2sf);
	[tilespmem:$0x1FEB0] =	vst v0;
	v0 =	vld [tilespmem:s26+$0xFFFFFE30]  }
0x86: {  	v23 =	vld [tilespmem:s31+$0x0]  }
0x87: {  	(v2sf) =	vpush v32, $0x6;
	v8 =	vld [tilespmem:s31+$0x10]  }
0x88: {  	v12 =	vsub.f32 v12, v57;
	v57 =	vsub.f32 v13, v2;
	v2 =	vld [tilespmem:$0x1FF40]  }
0x89: {  	(v2sf) =	vpush v32, $0x5;
	[tilespmem:$0x1FFD0] =	vst v4;
	v4 =	vld [tilespmem:s30+$0x20]  }
0x8a: {  	(v2sf) =	vpush v32, $0x4;
	[tilespmem:$0x1FEC0] =	vst v0;
	v0 =	vld [tilespmem:s29+$0x0]  }
0x8b: {  	s28 =	spop (v2sf);
	v9 =	vld [tilespmem:s31+$0x30];
	(v2sf) =	vpush v32, $0x3  }
0x8c: {  	v33 =	vld [tilespmem:s28+$0x0];
	(v2sf) =	vpush v32, $0x2  }
0x8d: {  	(v2sf) =	vpush v32, $0x1;
	v2 =	vsub.f32 v2, v3;
	v3 =	vld [tilespmem:$0x1FFB0]  }
0x8e: {  	(v2sf) =	vpush v32, $0x0;
	v32 =	vld [tilespmem:s28+$0x10]  }
0x8f: {  	[tilespmem:$0x1FFE0] =	vst v4;
	v4 =	vld [tilespmem:s31+$0x20];
	v62 =	vsub.f32 v55, v0;
	v0 =	vsub.f32 v30, v15  }
0x90: {  	v13 =	vld [tilespmem:s28+$0x30];
	[tilespmem:$0x1FF20] =	vst v12  }
0x91: {  	v12 =	vld [tilespmem:s28+$0x20];
	[tilespmem:$0x1FF60] =	vst v0;
	v0 =	vsub.f32 v36, v16  }
0x92: {  	v3 =	vsub.f32 v14, v3;
	v14 =	vld [tilespmem:$0x1FFE0]  }
0x93: {  	[tilespmem:$0x1FF70] =	vst v0;
	v0 =	vsub.f32 v37, v1;
	v1 =	vld [tilespmem:$0x1FF80]  }
0x94: {  	[tilespmem:$0x1FFC0] =	vst v3;
	v3 =	vld [tilespmem:$0x1FFD0];
	s29 =	spop (v2sf)  }
0x95: {  	v63 =	vsub.f32 v35, v28;
	[tilespmem:$0x1FF50] =	vst v2;
	v2 =	vsub.f32 v29, v34;
	v28 =	vld [tilespmem:s29+$0x10]  }
0x96: {  	s0 =	spop (v2sf);
	v34 =	vld [tilespmem:s29+$0x30]  }
0x97: {  	[tilespmem:$0x1FFA0] =	vst v2;
	v2 =	vsub.f32 v20, v31;
	v17 =	vsub.f32 v19, v14;
	v31 =	vld [tilespmem:s0+$0x0]  }
0x98: {  	v15 =	vld [tilespmem:s29+$0x0];
	v1 =	vsub.f32 v21, v1  }
0x99: {  	[tilespmem:$0x1FFF0] =	vst v17;
	v16 =	vld [tilespmem:s29+$0x20]  }
0x9a: {  	s28 =	simm.s32 $0x40;
	v3 =	vsub.f32 v18, v3;
	[tilespmem:$0x1FF90] =	vst v1;
	v1 =	vsub.f32 v22, v54;
	v54 =	vld [tilespmem:s0+$0x10]  }
.LBB2_3:
0x9b: {  	v14 =	vld [tilespmem:$0x1FD90];
	_ =	sdelay $0x4  }
0x9c: {  	v30 =	vsub.f32 v14, v10;
	v10 =	vld [tilespmem:$0x1FD80];
	_ =	sdelay $0x4  }
0x9d: {  	v10 =	vsub.f32 v10, v6;
	v6 =	vld [tilespmem:$0x1FDA0];
	_ =	sdelay $0x4  }
0x9e: {  	v20 =	vsub.f32 v6, v5;
	v5 =	vld [tilespmem:$0x1FDB0];
	_ =	sdelay $0x4  }
0x9f: {  	v6 =	vsub.f32 v5, v11;
	v5 =	vld [tilespmem:$0x1FDD0];
	_ =	sdelay $0x1  }
0xa0: {  	v18 =	vld [tilespmem:s0+$0x20]  }
0xa1: {  	s30 =	spop (v2sf);
	v35 =	vld [tilespmem:s0+$0x30]  }
0xa2: {  	v36 =	vld [tilespmem:s30+$0x0]  }
0xa3: {  	s16 =	spop (v2sf);
	v55 =	vsub.f32 v5, v23;
	v5 =	vld [tilespmem:$0x1FDC0]  }
0xa4: {  	s31 =	spop (v2sf);
	v21 =	vld [tilespmem:s16+$0x0]  }
0xa5: {  	v22 =	vld [tilespmem:s31+$0x0]  }
0xa6: {  	s1 =	spop (v2sf);
	v37 =	vsub.f32 v40, v15;
	v15 =	vld [tilespmem:s16+$0x20]  }
0xa7: {  	v40 =	vmul.f32 v63, v63;
	v63 =	vld [tilespmem:s1+$0x30]  }
0xa8: {  	s29 =	spop (v2sf);
	v7 =	vsub.f32 v5, v7;
	v5 =	vld [tilespmem:$0x1FDE0]  }
0xa9: {  	v28 =	vsub.f32 v26, v28;
	v26 =	vmul.f32 v62, v62;
	v62 =	vld [tilespmem:$0x1FEA0];
	s15 =	spop (v2sf)  }
0xaa: {  	v31 =	vsub.f32 v52, v31;
	v52 =	vld [tilespmem:s15+$0x30]  }
0xab: {  	v23 =	vld [tilespmem:s30+$0x10]  }
0xac: {  	v36 =	vsub.f32 v53, v36;
	v53 =	vld [tilespmem:s29+$0x20]  }
0xad: {  	v11 =	vsub.f32 v41, v34;
	v29 =	vsub.f32 v5, v8;
	v5 =	vld [tilespmem:$0x1FDF0]  }
0xae: {  	v34 =	vsub.f32 v47, v54;
	v47 =	vsub.f32 v61, v21;
	v21 =	vld [tilespmem:s31+$0x30]  }
0xaf: {  	v19 =	vsub.f32 v48, v18;
	v18 =	vsub.f32 v44, v35;
	v61 =	vld [tilespmem:s1+$0x20]  }
0xb0: {  	v35 =	vsub.f32 v49, v23;
	v49 =	vsub.f32 v59, v15;
	v15 =	vld [tilespmem:s1+$0x0]  }
0xb1: {  	v8 =	vld [tilespmem:$0x1FE20]  }
0xb2: {  	v14 =	vsub.f32 v5, v4;
	v5 =	vld [tilespmem:$0x1FE00]  }
0xb3: {  	v50 =	vsub.f32 v50, v22;
	v22 =	vmul.f32 v29, v29;
	v29 =	vld [tilespmem:s15+$0x10]  }
0xb4: {  	v59 =	vld [tilespmem:$0x1FE60]  }
0xb5: {  	v4 =	vld [tilespmem:s30+$0x20]  }
0xb6: {  	v8 =	vsub.f32 v8, v13;
	v13 =	vld [tilespmem:s16+$0x10]  }
0xb7: {  	v17 =	vsub.f32 v5, v9;
	v9 =	vld [tilespmem:s30+$0x30]  }
0xb8: {  	v29 =	vsub.f32 v62, v29;
	v62 =	vld [tilespmem:$0x1FE80]  }
0xb9: {  	v5 =	vld [tilespmem:$0x1FE10]  }
0xba: {  	v33 =	vsub.f32 v24, v33;
	v24 =	vsub.f32 v58, v4;
	v4 =	vld [tilespmem:s31+$0x20]  }
0xbb: {  	v48 =	vsub.f32 v51, v13;
	v13 =	vmul.f32 v2, v2;
	v2 =	vld [tilespmem:s29+$0x10]  }
0xbc: {  	v23 =	vsub.f32 v45, v9;
	v9 =	vld [tilespmem:$0x1FED0]  }
0xbd: {  	v58 =	vld [tilespmem:$0x1FE50]  }
0xbe: {  	v32 =	vsub.f32 v5, v32;
	v5 =	vsub.f32 v25, v12;
	v25 =	vld [tilespmem:s31+$0x10]  }
0xbf: {  	v12 =	vsub.f32 v42, v16;
	v16 =	vld [tilespmem:s16+$0x30]  }
0xc0: {  	v43 =	vsub.f32 v43, v4;
	v4 =	vmul.f32 v0, v0;
	v0 =	vld [tilespmem:s29+$0x0]  }
0xc1: {  	v44 =	vmul.f32 v9, v9;
	v9 =	vld [tilespmem:$0x1FEE0]  }
0xc2: {  	v42 =	vmul.f32 v57, v57;
	v57 =	vld [tilespmem:$0x1FE40]  }
0xc3: {  	v46 =	vsub.f32 v46, v25;
	v25 =	vld [tilespmem:$0x1FE30]  }
0xc4: {  	v51 =	vsub.f32 v60, v16;
	v60 =	vld [tilespmem:s1+$0x10]  }
0xc5: {  	s26 =	sadd.s32 $0x400, s26;
	v2 =	vsub.f32 v59, v2;
	v59 =	vld [tilespmem:$0x1FEC0];
	v0 =	vsub.f32 v58, v0  }
0xc6: {  	v58 =	vld [tilespmem:s26+$0x1E0];
	v45 =	vmul.f32 v9, v9;
	v9 =	vmul.f32 v1, v1;
	v1 =	vsub.f32 v39, v21  }
0xc7: {  	v21 =	vmul.f32 v3, v3;
	v3 =	vsub.f32 v38, v15;
	v15 =	vmul.f32 v30, v30;
	v30 =	vld [tilespmem:s15+$0x0]  }
0xc8: {  	v39 =	vsub.f32 v25, v61;
	v61 =	vld [tilespmem:s26+$0x1C0]  }
0xc9: {  	v38 =	vsub.f32 v27, v60;
	v27 =	vmul.f32 v32, v32;
	v32 =	vld [tilespmem:s15+$0x20]  }
0xca: {  	v60 =	vld [tilespmem:$0x1FE90]  }
0xcb: {  	v25 =	vmul.f32 v33, v33;
	v33 =	vsub.f32 v57, v63;
	v63 =	vld [tilespmem:$0x1FEB0]  }
0xcc: {  	v57 =	vld [tilespmem:s29+$0x30]  }
0xcd: {  	[tilespmem:$0x1FCA0] =	vst v61;
	v61 =	vld [tilespmem:$0x1FE70];
	_ =	sdelay $0x1  }
0xce: {  	v37 =	vmul.f32 v37, v37;
	v31 =	vmul.f32 v31, v31;
	v52 =	vsub.f32 v59, v52;
	v59 =	vld [tilespmem:$0x1FD50]  }
0xcf: {  	v19 =	vmul.f32 v19, v19;
	v18 =	vmul.f32 v18, v18;
	v32 =	vsub.f32 v63, v32;
	v63 =	vld [tilespmem:$0x1FD40]  }
0xd0: {  	v36 =	vmul.f32 v36, v36;
	v50 =	vmul.f32 v50, v50;
	[tilespmem:$0x1FCB0] =	vst v58;
	v58 =	vsub.f32 v62, v57;
	v62 =	vld [tilespmem:$0x1FD70]  }
0xd1: {  	v41 =	vmul.f32 v56, v56;
	v30 =	vsub.f32 v60, v30;
	v53 =	vsub.f32 v61, v53;
	v61 =	vld [tilespmem:$0x1FD60]  }
0xd2: {  	v29 =	vmul.f32 v29, v29;
	v2 =	vmul.f32 v2, v2  }
0xd3: {  	v0 =	vmul.f32 v0, v0;
	v30 =	vmul.f32 v30, v30  }
0xd4: {  	v52 =	vmul.f32 v52, v52;
	v29 =	vadd.f32 v29, v59;
	v32 =	vmul.f32 v32, v32  }
0xd5: {  	v3 =	vmul.f32 v3, v3;
	v58 =	vmul.f32 v58, v58;
	v30 =	vadd.f32 v30, v63  }
0xd6: {  	v52 =	vadd.f32 v52, v62;
	v53 =	vmul.f32 v53, v53;
	v32 =	vadd.f32 v32, v61  }
0xd7: {  	v2 =	vadd.f32 v2, v29;
	v29 =	vmul.f32 v39, v39;
	v0 =	vadd.f32 v0, v30  }
0xd8: {  	v33 =	vmul.f32 v33, v33;
	v52 =	vadd.f32 v58, v52;
	v30 =	vadd.f32 v53, v32  }
0xd9: {  	v47 =	vmul.f32 v47, v47;
	v1 =	vmul.f32 v1, v1;
	v0 =	vadd.f32 v3, v0  }
0xda: {  	v3 =	vmul.f32 v43, v43;
	v29 =	vadd.f32 v29, v30;
	v30 =	vadd.f32 v33, v52  }
0xdb: {  	v11 =	vmul.f32 v11, v11;
	v59 =	vmul.f32 v49, v49  }
0xdc: {  	v3 =	vadd.f32 v3, v29;
	v29 =	vadd.f32 v1, v30;
	v30 =	vmul.f32 v51, v51  }
0xdd: {  	v6 =	vmul.f32 v6, v6;
	v24 =	vmul.f32 v24, v24  }
0xde: {  	v54 =	vld [tilespmem:s26+$0x1D0];
	v23 =	vmul.f32 v23, v23;
	v3 =	vadd.f32 v59, v3;
	v29 =	vadd.f32 v30, v29  }
0xdf: {  	v56 =	vld [tilespmem:s26+$0x180];
	v8 =	vmul.f32 v8, v8;
	v16 =	vmul.f32 v20, v20  }
0xe0: {  	v20 =	vmul.f32 v55, v55;
	v55 =	vld [tilespmem:s26+$0x170];
	v24 =	vadd.f32 v24, v3;
	v23 =	vadd.f32 v23, v29  }
0xe1: {  	v14 =	vmul.f32 v14, v14;
	v49 =	vld [tilespmem:s26+$0xFFFFFF50];
	v38 =	vmul.f32 v38, v38  }
0xe2: {  	v12 =	vmul.f32 v12, v12;
	v30 =	vld [tilespmem:s26+$0x130];
	v19 =	vadd.f32 v19, v24;
	v18 =	vadd.f32 v18, v23  }
0xe3: {  	v46 =	vmul.f32 v46, v46;
	v39 =	vld [tilespmem:s26+$0xFFFFFEF0];
	v2 =	vadd.f32 v38, v2;
	v58 =	vadd.f32 v50, v0  }
0xe4: {  	v5 =	vmul.f32 v5, v5;
	v38 =	vld [tilespmem:s26+$0xFFFFFE80];
	v12 =	vadd.f32 v12, v19;
	v11 =	vadd.f32 v11, v18  }
0xe5: {  	v48 =	vmul.f32 v48, v48;
	v60 =	vld [tilespmem:s26+$0x1F0];
	v2 =	vadd.f32 v46, v2;
	v32 =	vadd.f32 v47, v58  }
0xe6: {  	v57 =	vld [tilespmem:s26+$0x190];
	v5 =	vadd.f32 v5, v12;
	v8 =	vadd.f32 v8, v11;
	v11 =	vmul.f32 v17, v17  }
0xe7: {  	v35 =	vmul.f32 v35, v35;
	v2 =	vadd.f32 v48, v2;
	v23 =	vld [tilespmem:s26+$0xF0];
	[tilespmem:$0x1FD20] =	vst v30;
	v30 =	vadd.f32 v36, v32  }
0xe8: {  	v7 =	vmul.f32 v7, v7;
	v46 =	vld [tilespmem:s26+$0xFFFFFED0];
	v5 =	vadd.f32 v14, v5;
	v8 =	vadd.f32 v11, v8  }
0xe9: {  	v34 =	vmul.f32 v34, v34;
	v61 =	vadd.f32 v35, v2;
	v18 =	vld [tilespmem:s26+$0x90];
	v29 =	vadd.f32 v31, v30  }
0xea: {  	v48 =	vld [tilespmem:s26+$0xFFFFFFA0];
	v5 =	vadd.f32 v6, v5;
	v6 =	vadd.f32 v7, v8;
	v7 =	vmul.f32 v10, v10  }
0xeb: {  	v28 =	vmul.f32 v28, v28;
	v30 =	vadd.f32 v34, v61;
	v12 =	vld [tilespmem:s26+$0xB0]  }
0xec: {  	[tilespmem:$0x1FD80] =	vst v23;
	v23 =	vadd.f32 v37, v29;
	v6 =	vadd.f32 v7, v6;
	v7 =	vld [tilespmem:$0x1FFC0]  }
0xed: {  	[tilespmem:$0x1FCC0] =	vst v60;
	v24 =	vadd.f32 v28, v30;
	v11 =	vld [tilespmem:s26+$0x50]  }
0xee: {  	v60 =	vld [tilespmem:s26+$0x1A0];
	[tilespmem:$0x1FDA0] =	vst v18;
	v18 =	vadd.f32 v25, v23  }
0xef: {  	v63 =	vld [tilespmem:s26+$0x1B0];
	v19 =	vadd.f32 v27, v24  }
0xf0: {  	v8 =	vld [tilespmem:s26+$0x70];
	[tilespmem:$0x1FDC0] =	vst v12;
	v12 =	vadd.f32 v20, v18  }
0xf1: {  	v62 =	vld [tilespmem:s26+$0x140];
	v17 =	vadd.f32 v22, v19;
	v7 =	vmul.f32 v7, v7  }
0xf2: {  	v43 =	vld [tilespmem:s26+$0xFFFFFEE0];
	[tilespmem:$0x1FDE0] =	vst v11;
	v11 =	vadd.f32 v15, v12  }
0xf3: {  	v12 =	vadd.f32 v16, v17;
	v6 =	vadd.f32 v7, v6;
	v7 =	vld [tilespmem:$0x1FF90]  }
0xf4: {  	[tilespmem:$0x1FCE0] =	vst v63;
	v14 =	vld [tilespmem:$0x1FFF0]  }
0xf5: {  	v63 =	vld [tilespmem:s26+$0x150];
	[tilespmem:$0x1FE00] =	vst v8;
	v8 =	vadd.f32 v13, v11;
	v10 =	vadd.f32 v21, v12  }
0xf6: {  	v11 =	vld [tilespmem:$0x1FFA0]  }
0xf7: {  	v4 =	vadd.f32 v4, v8;
	v8 =	vadd.f32 v9, v10;
	v9 =	vld [tilespmem:$0x1FF70]  }
0xf8: {  	v10 =	vld [tilespmem:s26+$0x30];
	v7 =	vmul.f32 v7, v7  }
0xf9: {  	[tilespmem:$0x1FCD0] =	vst v60;
	v60 =	vld [tilespmem:s26+$0x120];
	v15 =	vmul.f32 v14, v14  }
0xfa: {  	v6 =	vadd.f32 v7, v6;
	v7 =	vld [tilespmem:$0x1FF60]  }
0xfb: {  	v2 =	vld [tilespmem:s26+$0xC0];
	v5 =	vadd.f32 v15, v5;
	v11 =	vmul.f32 v11, v11  }
0xfc: {  	v0 =	vld [tilespmem:s26+$0x100]  }
0xfd: {  	v9 =	vmul.f32 v9, v9;
	v5 =	vadd.f32 v11, v5;
	[tilespmem:$0x1FE20] =	vst v10;
	v10 =	vld [tilespmem:$0x1FF50]  }
0xfe: {  	v50 =	vld [tilespmem:s26+$0xFFFFFEC0];
	v4 =	vadd.f32 v26, v4  }
0xff: {  	v5 =	vadd.f32 v9, v5;
	v9 =	vld [tilespmem:$0x1FEF0];
	v7 =	vmul.f32 v7, v7  }
0x100: {  	v53 =	vld [tilespmem:s26+$0x160];
	v8 =	vadd.f32 v40, v8;
	v4 =	vadd.f32 v41, v4  }
0x101: {  	v6 =	vadd.f32 v7, v6;
	v7 =	vld [tilespmem:$0x1FF20]  }
0x102: {  	v47 =	vld [tilespmem:s26+$0xFFFFFF90];
	v8 =	vadd.f32 v42, v8;
	v4 =	vadd.f32 v44, v4;
	v10 =	vmul.f32 v10, v10  }
0x103: {  	v58 =	vld [tilespmem:s26+$0xFFFFFF60]  }
0x104: {  	v52 =	vld [tilespmem:s26+$0xFFFFFF80];
	[tilespmem:$0x1FD40] =	vst v4;
	v4 =	vadd.f32 v45, v8;
	v9 =	vmul.f32 v9, v9;
	v5 =	vadd.f32 v10, v5  }
0x105: {  	[tilespmem:$0x1FD10] =	vst v60;
	v60 =	vld [tilespmem:s26+$0xFFFFFF30]  }
0x106: {  	v1 =	vld [tilespmem:s26+$0x110];
	[tilespmem:$0x1FD50] =	vst v4;
	v4 =	vadd.f32 v9, v5;
	v7 =	vmul.f32 v7, v7  }
0x107: {  	v51 =	vld [tilespmem:s26+$0xFFFFFF10];
	[tilespmem:$0x1FCF0] =	vst v53  }
0x108: {  	v53 =	vld [tilespmem:s26+$0xFFFFFF40];
	[tilespmem:$0x1FD60] =	vst v4;
	v4 =	vadd.f32 v7, v6  }
0x109: {  	s16 =	sshra.s32 s28, $0x2;
	v59 =	vld [tilespmem:s26+$0xFFFFFF20]  }
0x10a: {  	[tilespmem:$0x1FD70] =	vst v4;
	v4 =	vld [tilespmem:s16+$0x17A00]  }
0x10b: {  	v12 =	vld [tilespmem:s26+$0x10]  }
0x10c: {  	v3 =	vld [tilespmem:s26+$0xD0]  }
0x10d: {  	v32 =	vld [tilespmem:$0x1FCA0]  }
0x10e: {  	v31 =	vld [tilespmem:s26+$0xE0]  }
0x10f: {  	v61 =	vld [tilespmem:s26+$0xFFFFFF00];
	v4 =	vshll.u32 v4, $0x8  }
0x110: {  	v28 =	vld [tilespmem:s26+$0x80];
	[tilespmem:$0x1FE10] =	vst v12;
	v12 =	vshra.s32 v4, $0x2  }
0x111: {  	v4 =	vld [tilespmem:s26+$0xFFFFFEA0];
	(v2sf) =	vpush v12, $0xF  }
0x112: {  	v23 =	vld [tilespmem:s26+$0xA0]  }
0x113: {  	v24 =	vld [tilespmem:s26+$0x0]  }
0x114: {  	v25 =	vld [tilespmem:s26+$0x20]  }
0x115: {  	v27 =	vld [tilespmem:s26+$0xFFFFFE90];
	(v2sf) =	vpush v12, $0xE  }
0x116: {  	[tilespmem:$0x1FE30] =	vst v4;
	v4 =	vld [tilespmem:s26+$0xFFFFFEB0]  }
0x117: {  	v18 =	vld [tilespmem:s26+$0x40]  }
0x118: {  	v14 =	vld [tilespmem:s26+$0x60]  }
0x119: {  	v40 =	vld [tilespmem:s26+$0xFFFFFFC0];
	(v2sf) =	vpush v12, $0xD  }
0x11a: {  	v26 =	vld [tilespmem:s26+$0xFFFFFFD0]  }
0x11b: {  	[tilespmem:$0x1FE40] =	vst v4;
	v4 =	vld [tilespmem:s26+$0xFFFFFE40]  }
0x11c: {  	v42 =	vld [tilespmem:s26+$0xFFFFFFE0]  }
0x11d: {  	v41 =	vld [tilespmem:s26+$0xFFFFFFF0]  }
0x11e: {  	v44 =	vld [tilespmem:s26+$0xFFFFFFB0];
	(v2sf) =	vpush v12, $0xC  }
0x11f: {  	v45 =	vld [tilespmem:s26+$0xFFFFFF70]  }
0x120: {  	[tilespmem:$0x1FE50] =	vst v4;
	v4 =	vld [tilespmem:s26+$0xFFFFFE50];
	s29 =	spop (v2sf)  }
0x121: {  	v13 =	vld [tilespmem:s29+$0x0]  }
0x122: {  	v15 =	vld [tilespmem:s29+$0x10]  }
0x123: {  	v16 =	vld [tilespmem:s29+$0x20]  }
0x124: {  	[tilespmem:$0x1FDD0] =	vst v18;
	v18 =	vld [tilespmem:s29+$0x30];
	s30 =	spop (v2sf)  }
0x125: {  	v20 =	vld [tilespmem:s30+$0x0]  }
0x126: {  	[tilespmem:$0x1FD90] =	vst v28;
	v28 =	vld [tilespmem:s30+$0x10]  }
0x127: {  	(v2sf) =	vpush v12, $0xB;
	v29 =	vld [tilespmem:s30+$0x20]  }
0x128: {  	v30 =	vld [tilespmem:s30+$0x30];
	s31 =	spop (v2sf)  }
0x129: {  	[tilespmem:$0x1FD30] =	vst v31;
	v31 =	vld [tilespmem:s31+$0x0]  }
0x12a: {  	v34 =	vld [tilespmem:s31+$0x10]  }
0x12b: {  	(v2sf) =	vpush v12, $0xA;
	v35 =	vld [tilespmem:s31+$0x20]  }
0x12c: {  	[tilespmem:$0x1FE60] =	vst v4;
	v4 =	vld [tilespmem:s26+$0xFFFFFE60]  }
0x12d: {  	(v2sf) =	vpush v12, $0x9;
	v36 =	vld [tilespmem:s31+$0x30];
	s1 =	spop (v2sf)  }
0x12e: {  	v37 =	vld [tilespmem:s1+$0x0];
	v13 =	vsub.f32 v32, v13  }
0x12f: {  	v17 =	vld [tilespmem:s1+$0x10]  }
0x130: {  	[tilespmem:$0x1FED0] =	vst v13;
	v13 =	vld [tilespmem:$0x1FCC0]  }
0x131: {  	(v2sf) =	vpush v12, $0x8;
	[tilespmem:$0x1FE70] =	vst v4;
	v4 =	vld [tilespmem:s26+$0xFFFFFE70]  }
0x132: {  	v19 =	vld [tilespmem:s1+$0x20]  }
0x133: {  	[tilespmem:$0x1FD00] =	vst v55;
	v55 =	vld [tilespmem:s1+$0x30]  }
0x134: {  	v1 =	vsub.f32 v1, v17;
	v17 =	vld [tilespmem:$0x1FD10]  }
0x135: {  	v13 =	vsub.f32 v13, v18;
	v18 =	vld [tilespmem:$0x1FD00]  }
0x136: {  	[tilespmem:$0x1FE80] =	vst v4;
	v4 =	vld [tilespmem:s26+$0xFFFFFE00];
	s15 =	spop (v2sf)  }
0x137: {  	[tilespmem:$0x1FDF0] =	vst v14;
	v14 =	vld [tilespmem:s15+$0x0]  }
0x138: {  	v21 =	vld [tilespmem:s15+$0x10]  }
0x139: {  	(v2sf) =	vpush v12, $0x7;
	v22 =	vld [tilespmem:s15+$0x20]  }
0x13a: {  	v6 =	vld [tilespmem:s15+$0x30];
	s16 =	spop (v2sf);
	(v2sf) =	vpush v12, $0x6  }
0x13b: {  	v10 =	vld [tilespmem:s16+$0x0];
	(v2sf) =	vpush v12, $0x5  }
0x13c: {  	v5 =	vld [tilespmem:s16+$0x10];
	s29 =	spop (v2sf);
	(v2sf) =	vpush v12, $0x4  }
0x13d: {  	v11 =	vld [tilespmem:s16+$0x20];
	(v2sf) =	vpush v12, $0x3  }
0x13e: {  	v7 =	vld [tilespmem:s16+$0x30];
	(v2sf) =	vpush v12, $0x2  }
0x13f: {  	[tilespmem:$0x1FDB0] =	vst v23;
	v23 =	vld [tilespmem:s29+$0x0];
	(v2sf) =	vpush v12, $0x1  }
0x140: {  	v8 =	vld [tilespmem:s29+$0x10];
	s30 =	spop (v2sf);
	(v2sf) =	vpush v12, $0x0;
	v12 =	vsub.f32 v54, v15  }
0x141: {  	[tilespmem:$0x1FE90] =	vst v4;
	v4 =	vld [tilespmem:s26+$0xFFFFFE10]  }
0x142: {  	[tilespmem:$0x1FEE0] =	vst v12;
	v12 =	vld [tilespmem:$0x1FCB0]  }
0x143: {  	v9 =	vld [tilespmem:s29+$0x30]  }
0x144: {  	v2 =	vsub.f32 v2, v14;
	v14 =	vld [tilespmem:$0x1FD20]  }
0x145: {  	v33 =	vld [tilespmem:s30+$0x0]  }
0x146: {  	[tilespmem:$0x1FEA0] =	vst v4;
	v4 =	vld [tilespmem:s26+$0xFFFFFE20]  }
0x147: {  	v12 =	vsub.f32 v12, v16;
	v16 =	vld [tilespmem:$0x1FCE0]  }
0x148: {  	v15 =	vld [tilespmem:$0x1FCD0]  }
0x149: {  	v32 =	vld [tilespmem:s30+$0x10];
	v14 =	vsub.f32 v14, v55  }
0x14a: {  	[tilespmem:$0x1FF20] =	vst v13;
	v13 =	vld [tilespmem:s30+$0x30]  }
0x14b: {  	[tilespmem:$0x1FFC0] =	vst v14;
	v14 =	vld [tilespmem:$0x1FD30]  }
0x14c: {  	[tilespmem:$0x1FEB0] =	vst v4;
	v4 =	vld [tilespmem:s26+$0xFFFFFE30];
	v16 =	vsub.f32 v16, v30  }
0x14d: {  	v15 =	vsub.f32 v15, v29;
	[tilespmem:$0x1FEF0] =	vst v12;
	v12 =	vld [tilespmem:s30+$0x20]  }
0x14e: {  	s31 =	spop (v2sf);
	[tilespmem:$0x1FF60] =	vst v16;
	v16 =	vld [tilespmem:$0x1FCF0]  }
0x14f: {  	v17 =	vsub.f32 v17, v19;
	[tilespmem:$0x1FF50] =	vst v15;
	v15 =	vld [tilespmem:s31+$0x0]  }
0x150: {  	p0 =	sne.s32 s28, $0x3C0;
	v57 =	vsub.f32 v57, v28;
	v18 =	vsub.f32 v18, v36;
	v28 =	vld [tilespmem:s31+$0x10]  }
.Ltmp2:
0x151: {  	v63 =	vsub.f32 v63, v34;
	[tilespmem:$0x1FFA0] =	vst v17;
	v34 =	vld [tilespmem:s31+$0x30];
	s0 =	spop (v2sf);
	(pc) =	sbr.rel @p0 .LBB2_3-.Ltmp2, $4  }
0x152: {  	v62 =	vsub.f32 v62, v31;
	[tilespmem:$0x1FF90] =	vst v18;
	v31 =	vld [tilespmem:s0+$0x0];
	v14 =	vsub.f32 v14, v22  }
0x153: {  	v54 =	vld [tilespmem:s0+$0x10];
	[tilespmem:$0x1FEC0] =	vst v4;
	v16 =	vsub.f32 v16, v35  }
0x154: {  	v56 =	vsub.f32 v56, v20;
	v4 =	vld [tilespmem:s29+$0x20];
	[tilespmem:$0x1FFF0] =	vst v14  }
0x155: {  	s28 =	sadd.s32 $0x40, s28;
	v0 =	vsub.f32 v0, v37;
	v3 =	vsub.f32 v3, v21;
	[tilespmem:$0x1FF70] =	vst v16;
	v16 =	vld [tilespmem:s31+$0x20]  }
0x156: {  	s1 =	spop (v2sf)  }
0x157: {  	v14 =	vld [tilespmem:s1+$0x30];
	_ =	sdelay $0x3  }
0x158: {  	s26 =	spop (v2sf)  }
0x159: {  	[tilespmem:$0x1F8A0] =	vst v14;
	v14 =	vld [tilespmem:s26+$0x10];
	_ =	sdelay $0x4  }
0x15a: {  	[tilespmem:$0x1F8B0] =	vst v14;
	v14 =	vld [tilespmem:s26+$0x20];
	_ =	sdelay $0x3  }
0x15b: {  	s31 =	spop (v2sf)  }
0x15c: {  	[tilespmem:$0x1F8D0] =	vst v14;
	v14 =	vld [tilespmem:s31+$0x0];
	_ =	sdelay $0x4  }
0x15d: {  	[tilespmem:$0x1F8F0] =	vst v14;
	v14 =	vld [tilespmem:s31+$0x10];
	_ =	sdelay $0x4  }
0x15e: {  	[tilespmem:$0x1F900] =	vst v14;
	v14 =	vld [tilespmem:s31+$0x20];
	_ =	sdelay $0x4  }
0x15f: {  	[tilespmem:$0x1F920] =	vst v14;
	v14 =	vld [tilespmem:s31+$0x30];
	_ =	sdelay $0x3  }
0x160: {  	s15 =	spop (v2sf)  }
0x161: {  	[tilespmem:$0x1F930] =	vst v14;
	v14 =	vld [tilespmem:s15+$0x0];
	_ =	sdelay $0x4  }
0x162: {  	[tilespmem:$0x1F950] =	vst v14;
	v14 =	vld [tilespmem:s15+$0x10];
	_ =	sdelay $0x4  }
0x163: {  	[tilespmem:$0x1F960] =	vst v14;
	v14 =	vld [tilespmem:s15+$0x20];
	_ =	sdelay $0x4  }
0x164: {  	[tilespmem:$0x1F980] =	vst v14;
	v14 =	vld [tilespmem:s15+$0x30];
	_ =	sdelay $0x3  }
0x165: {  	s16 =	spop (v2sf)  }
0x166: {  	[tilespmem:$0x1F990] =	vst v14;
	v14 =	vld [tilespmem:s16+$0x0];
	_ =	sdelay $0x2  }
0x167: {  	v21 =	vld [tilespmem:s0+$0x20]  }
0x168: {  	v37 =	vld [tilespmem:s0+$0x30]  }
0x169: {  	[tilespmem:$0x1F9B0] =	vst v14;
	v14 =	vld [tilespmem:s16+$0x10]  }
0x16a: {  	v19 =	vld [tilespmem:s1+$0x0]  }
0x16b: {  	v20 =	vld [tilespmem:s1+$0x10]  }
0x16c: {  	v29 =	vld [tilespmem:s26+$0x0]  }
0x16d: {  	v36 =	vld [tilespmem:s26+$0x30];
	s31 =	spop (v2sf)  }
0x16e: {  	p0 =	seq.s32 s25, $0xB;
	s26 =	sshll.u32 s25, $0x1;
	[tilespmem:$0x1F9C0] =	vst v14;
	v14 =	vld [tilespmem:s31+$0x0]  }
0x16f: {  	v55 =	vld [tilespmem:s1+$0x20];
	s28 =	sadd.s32 @!p0 $0x2, s26  }
0x170: {  	v17 =	vld [tilespmem:s16+$0x20];
	s29 =	sshll.u32 @!p0 s28, $0x13  }
0x171: {  	s29 =	sor.u32 @!p0 s7, s29;
	v22 =	vld [tilespmem:s31+$0x10]  }
0x172: {  	s30 =	simm.s32 @!p0 $0x800;
	s29 =	sshrl.u32 @!p0 s29, $0x3;
	v35 =	vld [tilespmem:s31+$0x20]  }
0x173: {  	s0 =	sadd.s32 @!p0 s3, s29;
	s29 =	simm.s32 @!p0 $0x40;
	[tilespmem:$0x1F9E0] =	vst v14;
	v14 =	vld [tilespmem:s31+$0x30];
	s31 =	simm.s32 @!p0 $0xFA00  }
0x174: {  	v18 =	vld [tilespmem:s16+$0x30];
	[tilespmem:s31], [sflag:$0x1] =	stream.strided.gather @!p0 [hbm4b:s0+s29], $0x4000, s30, s29, $0x38  }
0x175: {  	s0 =	sshll.u32 @!p0 s28, $0x5  }
0x176: {  	s1 =	simm.s32 @!p0 $0x0;
	s28 =	simm.s32 @!p0 $0x17A00;
	s0 =	sadd.s32 @!p0 s4, s0  }
0x177: {  	[tilespmem:s28], [sflag:$0x3] =	stream.linear.gather @!p0 [hbm4b:s0+s1], $0x100, $0x38;
	[tilespmem:$0x17C10] =	vst v63  }
0x178: {  	_ =	swait.ge [sflag:s21], $0x4000  }
0x179: {  	[sflag:s21] =	ssyncset.done $0x0  }
0x17a: {  	[sflag:s21] =	ssyncadd.s32 $0xFFFFC000  }
0x17b: {  	_ =	swait.ge [sflag:s22], $0x100  }
0x17c: {  	[sflag:s22] =	ssyncset.done $0x0  }
0x17d: {  	s29 =	simm.s32 $0x0;
	[sflag:s22] =	ssyncadd.s32 $0xFFFFFF00  }
0x17e: {  	v30 =	vld [tilespmem:s29+$0x13DC0];
	_ =	sdelay $0x4  }
0x17f: {  	[tilespmem:$0x1FAF0] =	vst v30;
	v30 =	vld [tilespmem:s29+$0x13DD0];
	_ =	sdelay $0x4  }
0x180: {  	[tilespmem:$0x1FB00] =	vst v30;
	v30 =	vld [tilespmem:s29+$0x13DE0];
	_ =	sdelay $0x4  }
0x181: {  	[tilespmem:$0x1FB10] =	vst v30;
	v30 =	vld [tilespmem:s29+$0x13DF0];
	_ =	sdelay $0x4  }
0x182: {  	[tilespmem:$0x1FB40] =	vst v30;
	v30 =	vld [tilespmem:s29+$0x13D80];
	_ =	sdelay $0x4  }
0x183: {  	[tilespmem:$0x1FB30] =	vst v30;
	v30 =	vld [tilespmem:s29+$0x13D90];
	_ =	sdelay $0x4  }
0x184: {  	[tilespmem:$0x1FB60] =	vst v30;
	v30 =	vld [tilespmem:s29+$0x13DA0];
	_ =	sdelay $0x4  }
0x185: {  	[tilespmem:$0x1FB70] =	vst v30;
	v30 =	vld [tilespmem:s29+$0x13DB0];
	_ =	sdelay $0x4  }
0x186: {  	[tilespmem:$0x1FBA0] =	vst v30;
	v30 =	vld [tilespmem:s29+$0x13D40];
	_ =	sdelay $0x4  }
0x187: {  	[tilespmem:$0x1FB90] =	vst v30;
	v30 =	vld [tilespmem:s29+$0x13D50];
	_ =	sdelay $0x4  }
0x188: {  	[tilespmem:$0x1FBC0] =	vst v30;
	v30 =	vld [tilespmem:s29+$0x13D60];
	_ =	sdelay $0x4  }
0x189: {  	[tilespmem:$0x1FBD0] =	vst v30;
	v30 =	vld [tilespmem:s29+$0x13D70];
	_ =	sdelay $0x4  }
0x18a: {  	[tilespmem:$0x1FC00] =	vst v30;
	v30 =	vld [tilespmem:s29+$0x13D00];
	_ =	sdelay $0x4  }
0x18b: {  	[tilespmem:$0x1FBF0] =	vst v30;
	v30 =	vld [tilespmem:s29+$0x13D10];
	_ =	sdelay $0x4  }
0x18c: {  	[tilespmem:$0x1FC20] =	vst v30;
	v30 =	vld [tilespmem:s29+$0x13D20];
	_ =	sdelay $0x4  }
0x18d: {  	[tilespmem:$0x1FC30] =	vst v30;
	v30 =	vld [tilespmem:s29+$0x13D30];
	_ =	sdelay $0x4  }
0x18e: {  	[tilespmem:$0x1FC50] =	vst v30;
	v30 =	vld [tilespmem:s29+$0x13CC0];
	_ =	sdelay $0x4  }
0x18f: {  	[tilespmem:$0x1FC40] =	vst v30;
	v30 =	vld [tilespmem:s29+$0x13CD0];
	_ =	sdelay $0x4  }
0x190: {  	[tilespmem:$0x1FC60] =	vst v30;
	v30 =	vld [tilespmem:$0x1FD90];
	_ =	sdelay $0x4  }
0x191: {  	v10 =	vsub.f32 v30, v10;
	_ =	sdelay $0x1  }
0x192: {  	[tilespmem:$0x1FAC0] =	vst v10;
	v10 =	vld [tilespmem:s29+$0x13CE0];
	_ =	sdelay $0x4  }
0x193: {  	[tilespmem:$0x1FC70] =	vst v10;
	v10 =	vld [tilespmem:$0x1FD80];
	_ =	sdelay $0x4  }
0x194: {  	v30 =	vsub.f32 v10, v6;
	v6 =	vld [tilespmem:$0x1FDA0];
	_ =	sdelay $0x4  }
0x195: {  	v5 =	vsub.f32 v6, v5;
	_ =	sdelay $0x1  }
0x196: {  	[tilespmem:$0x1FAD0] =	vst v5;
	v5 =	vld [tilespmem:s29+$0x13CF0];
	_ =	sdelay $0x4  }
0x197: {  	[tilespmem:$0x1FC90] =	vst v5;
	v5 =	vld [tilespmem:$0x1FDB0];
	_ =	sdelay $0x4  }
0x198: {  	v5 =	vsub.f32 v5, v11;
	_ =	sdelay $0x1  }
0x199: {  	[tilespmem:$0x1FAE0] =	vst v5;
	v5 =	vld [tilespmem:$0x1FDD0];
	_ =	sdelay $0x4  }
0x19a: {  	v10 =	vsub.f32 v5, v23;
	v5 =	vld [tilespmem:s29+$0x13C80];
	_ =	sdelay $0x4  }
0x19b: {  	[tilespmem:$0x1FC80] =	vst v5;
	v5 =	vld [tilespmem:$0x1FDC0];
	_ =	sdelay $0x4  }
0x19c: {  	v11 =	vsub.f32 v5, v7;
	v7 =	vsub.f32 v25, v12;
	v12 =	vld [tilespmem:s29+$0x13C50];
	_ =	sdelay $0x4  }
0x19d: {  	[tilespmem:$0x1F840] =	vst v12;
	v12 =	vld [tilespmem:s29+$0x13C60];
	_ =	sdelay $0x4  }
0x19e: {  	[tilespmem:$0x1F850] =	vst v12;
	v12 =	vld [tilespmem:s29+$0x13C70];
	_ =	sdelay $0x4  }
0x19f: {  	[tilespmem:$0x1F860] =	vst v12;
	v12 =	vld [tilespmem:s29+$0x13C00];
	_ =	sdelay $0x1  }
0x1a0: {  	v6 =	vld [tilespmem:s29+$0x13C90];
	_ =	sdelay $0x2  }
0x1a1: {  	[tilespmem:$0x1F870] =	vst v12;
	v12 =	vld [tilespmem:s29+$0x13C10];
	_ =	sdelay $0x1  }
0x1a2: {  	[tilespmem:$0x1F800] =	vst v6;
	v6 =	vld [tilespmem:$0x1FDF0];
	_ =	sdelay $0x2  }
0x1a3: {  	[tilespmem:$0x1F880] =	vst v12;
	v12 =	vld [tilespmem:s29+$0x13C20];
	_ =	sdelay $0x1  }
0x1a4: {  	v23 =	vsub.f32 v6, v4;
	v4 =	vld [tilespmem:s29+$0x13CA0];
	_ =	sdelay $0x2  }
0x1a5: {  	[tilespmem:$0x1F890] =	vst v12;
	v12 =	vld [tilespmem:$0x1F8A0];
	_ =	sdelay $0x1  }
0x1a6: {  	[tilespmem:$0x1F810] =	vst v4;
	v4 =	vld [tilespmem:$0x1FE00]  }
0x1a7: {  	v5 =	vld [tilespmem:$0x1FDE0];
	_ =	sdelay $0x1  }
0x1a8: {  	v25 =	vsub.f32 v52, v31;
	v52 =	vsub.f32 v45, v12;
	v12 =	vld [tilespmem:$0x1F8B0];
	_ =	sdelay $0x2  }
0x1a9: {  	v5 =	vsub.f32 v5, v8;
	v8 =	vsub.f32 v4, v9;
	v4 =	vld [tilespmem:$0x1FE10]  }
0x1aa: {  	v6 =	vsub.f32 v24, v33  }
0x1ab: {  	v24 =	vsub.f32 v40, v15;
	v40 =	vsub.f32 v51, v12;
	v12 =	vld [tilespmem:s29+$0x13C30];
	_ =	sdelay $0x2  }
0x1ac: {  	v9 =	vsub.f32 v4, v32;
	v4 =	vld [tilespmem:s29+$0x13CB0];
	_ =	sdelay $0x1  }
0x1ad: {  	[tilespmem:$0x1F8C0] =	vst v12;
	v12 =	vld [tilespmem:$0x1F8D0];
	_ =	sdelay $0x1  }
0x1ae: {  	v15 =	vsub.f32 v42, v16;
	v16 =	vld [tilespmem:$0x1F960]  }
0x1af: {  	[tilespmem:$0x1F820] =	vst v4;
	v4 =	vld [tilespmem:s29+$0x13C40];
	_ =	sdelay $0x1  }
0x1b0: {  	v42 =	vsub.f32 v59, v12;
	v12 =	vld [tilespmem:s29+$0x13BC0];
	_ =	sdelay $0x1  }
0x1b1: {  	v27 =	vsub.f32 v27, v16;
	v16 =	vld [tilespmem:s29+$0x13BF0]  }
0x1b2: {  	[tilespmem:$0x1F830] =	vst v4;
	v4 =	vld [tilespmem:$0x1FE20];
	_ =	sdelay $0x1  }
0x1b3: {  	[tilespmem:$0x1F8E0] =	vst v12;
	v12 =	vld [tilespmem:$0x1F8F0];
	_ =	sdelay $0x2  }
0x1b4: {  	[tilespmem:$0x1F970] =	vst v16;
	v16 =	vld [tilespmem:$0x1FE30];
	v13 =	vsub.f32 v4, v13  }
0x1b5: {  	v4 =	vsub.f32 v26, v28;
	v26 =	vsub.f32 v47, v54;
	v47 =	vld [tilespmem:$0x1F980]  }
0x1b6: {  	v28 =	vsub.f32 v44, v37;
	v44 =	vsub.f32 v50, v12;
	v12 =	vld [tilespmem:$0x1F900];
	_ =	sdelay $0x3  }
0x1b7: {  	v21 =	vsub.f32 v48, v21;
	v48 =	vld [tilespmem:$0x1F990]  }
0x1b8: {  	v45 =	vsub.f32 v46, v12;
	v46 =	vsub.f32 v16, v47;
	v16 =	vld [tilespmem:$0x1FE40];
	_ =	sdelay $0x4  }
0x1b9: {  	v47 =	vsub.f32 v16, v48;
	v16 =	vld [tilespmem:s29+$0x13B80];
	_ =	sdelay $0x3  }
0x1ba: {  	v20 =	vsub.f32 v49, v20;
	v49 =	vld [tilespmem:$0x1F9B0]  }
0x1bb: {  	[tilespmem:$0x1F9A0] =	vst v16;
	v16 =	vld [tilespmem:$0x1FE50];
	_ =	sdelay $0x3  }
0x1bc: {  	v19 =	vsub.f32 v53, v19;
	v53 =	vld [tilespmem:$0x1F9C0]  }
0x1bd: {  	v50 =	vsub.f32 v16, v49;
	v16 =	vld [tilespmem:$0x1FE60];
	_ =	sdelay $0x4  }
0x1be: {  	v54 =	vsub.f32 v16, v53;
	v16 =	vld [tilespmem:s29+$0x13B90];
	_ =	sdelay $0x3  }
0x1bf: {  	v37 =	vsub.f32 v58, v55;
	v55 =	vld [tilespmem:$0x1F9E0]  }
0x1c0: {  	[tilespmem:$0x1F9D0] =	vst v16;
	v16 =	vld [tilespmem:$0x1FE90];
	_ =	sdelay $0x4  }
0x1c1: {  	v32 =	vsub.f32 v16, v55;
	v16 =	vld [tilespmem:$0x1FEA0];
	_ =	sdelay $0x4  }
0x1c2: {  	v22 =	vsub.f32 v16, v22;
	v16 =	vld [tilespmem:s29+$0x13BA0];
	_ =	sdelay $0x4  }
0x1c3: {  	[tilespmem:$0x1F9F0] =	vst v16;
	v16 =	vld [tilespmem:$0x1FEB0];
	_ =	sdelay $0x4  }
0x1c4: {  	v35 =	vsub.f32 v16, v35;
	v16 =	vld [tilespmem:$0x1FEC0];
	_ =	sdelay $0x3  }
0x1c5: {  	v12 =	vld [tilespmem:s29+$0x13BD0]  }
0x1c6: {  	v14 =	vsub.f32 v16, v14;
	v16 =	vld [tilespmem:s29+$0x13BB0];
	_ =	sdelay $0x3  }
0x1c7: {  	[tilespmem:$0x1F910] =	vst v12;
	v12 =	vld [tilespmem:$0x1F920]  }
0x1c8: {  	[tilespmem:$0x1FA00] =	vst v16;
	v16 =	vld [tilespmem:$0x1FE70];
	_ =	sdelay $0x3  }
0x1c9: {  	v43 =	vsub.f32 v43, v12;
	v12 =	vld [tilespmem:$0x1F930]  }
0x1ca: {  	v17 =	vsub.f32 v16, v17;
	v16 =	vld [tilespmem:$0x1FE80];
	_ =	sdelay $0x3  }
0x1cb: {  	v39 =	vsub.f32 v39, v12;
	v12 =	vld [tilespmem:s29+$0x13BE0]  }
0x1cc: {  	v18 =	vsub.f32 v16, v18;
	v16 =	vld [tilespmem:s29+$0x13B50];
	_ =	sdelay $0x3  }
0x1cd: {  	[tilespmem:$0x1F940] =	vst v12;
	v12 =	vld [tilespmem:$0x1F950]  }
0x1ce: {  	[tilespmem:$0x1FA10] =	vst v16;
	v16 =	vld [tilespmem:$0x1FD40];
	_ =	sdelay $0x2  }
0x1cf: {  	v58 =	vmul.f32 v32, v32;
	_ =	sdelay $0x1  }
0x1d0: {  	v12 =	vsub.f32 v38, v12;
	v38 =	vadd.f32 v58, v16;
	v16 =	vld [tilespmem:$0x1FD50];
	_ =	sdelay $0x2  }
0x1d1: {  	v22 =	vmul.f32 v22, v22;
	_ =	sdelay $0x1  }
0x1d2: {  	v22 =	vadd.f32 v22, v16;
	v16 =	vld [tilespmem:$0x1FD60];
	_ =	sdelay $0x2  }
0x1d3: {  	v35 =	vmul.f32 v35, v35;
	_ =	sdelay $0x1  }
0x1d4: {  	v51 =	vsub.f32 v60, v36;
	v36 =	vmul.f32 v54, v54;
	v60 =	vadd.f32 v35, v16;
	v16 =	vld [tilespmem:$0x1FD70]  }
0x1d5: {  	v27 =	vmul.f32 v27, v27;
	v31 =	vsub.f32 v41, v34  }
0x1d6: {  	v34 =	vmul.f32 v50, v50;
	v17 =	vmul.f32 v17, v17;
	v22 =	vadd.f32 v36, v22  }
0x1d7: {  	v29 =	vsub.f32 v61, v29;
	v12 =	vmul.f32 v12, v12;
	v14 =	vmul.f32 v14, v14  }
0x1d8: {  	v22 =	vadd.f32 v27, v22;
	v27 =	vmul.f32 v46, v46;
	v17 =	vadd.f32 v17, v60  }
0x1d9: {  	v18 =	vmul.f32 v18, v18;
	v61 =	vadd.f32 v34, v38;
	v14 =	vadd.f32 v14, v16  }
0x1da: {  	v44 =	vmul.f32 v44, v44;
	v17 =	vadd.f32 v27, v17;
	v27 =	vmul.f32 v43, v43  }
0x1db: {  	v32 =	vmul.f32 v47, v47;
	v14 =	vadd.f32 v18, v14;
	v18 =	vadd.f32 v12, v61  }
0x1dc: {  	v45 =	vmul.f32 v45, v45;
	v17 =	vadd.f32 v27, v17;
	v27 =	vmul.f32 v29, v29  }
0x1dd: {  	v29 =	vmul.f32 v39, v39;
	v14 =	vadd.f32 v32, v14;
	v18 =	vadd.f32 v44, v18  }
0x1de: {  	v34 =	vmul.f32 v40, v40;
	v35 =	vmul.f32 v42, v42;
	v22 =	vadd.f32 v45, v22  }
0x1df: {  	v14 =	vadd.f32 v29, v14;
	v18 =	vadd.f32 v27, v18;
	v27 =	vmul.f32 v51, v51  }
0x1e0: {  	v19 =	vmul.f32 v19, v19;
	v20 =	vmul.f32 v20, v20;
	v22 =	vadd.f32 v34, v22  }
0x1e1: {  	v17 =	vadd.f32 v35, v17;
	v14 =	vadd.f32 v27, v14;
	v27 =	vmul.f32 v37, v37  }
0x1e2: {  	v18 =	vadd.f32 v19, v18;
	v19 =	vadd.f32 v20, v22;
	v20 =	vmul.f32 v25, v25  }
0x1e3: {  	v21 =	vmul.f32 v21, v21  }
0x1e4: {  	v17 =	vadd.f32 v27, v17;
	v18 =	vadd.f32 v20, v18;
	v20 =	vmul.f32 v26, v26  }
0x1e5: {  	v15 =	vmul.f32 v15, v15  }
0x1e6: {  	v4 =	vmul.f32 v4, v4;
	v19 =	vadd.f32 v20, v19;
	v17 =	vadd.f32 v21, v17  }
0x1e7: {  	v7 =	vmul.f32 v7, v7  }
0x1e8: {  	v9 =	vmul.f32 v9, v9;
	v4 =	vadd.f32 v4, v19;
	v15 =	vadd.f32 v15, v17  }
0x1e9: {  	v5 =	vmul.f32 v5, v5  }
0x1ea: {  	v4 =	vadd.f32 v9, v4;
	v7 =	vadd.f32 v7, v15;
	v15 =	vmul.f32 v23, v23  }
0x1eb: {  	v22 =	vmul.f32 v24, v24  }
0x1ec: {  	v29 =	vmul.f32 v52, v52;
	v4 =	vadd.f32 v5, v4;
	v5 =	vadd.f32 v15, v7;
	v7 =	vld [tilespmem:$0x1FAC0]  }
0x1ed: {  	v6 =	vmul.f32 v6, v6;
	v18 =	vadd.f32 v22, v18  }
0x1ee: {  	v24 =	vmul.f32 v28, v28;
	v14 =	vadd.f32 v29, v14  }
0x1ef: {  	v6 =	vadd.f32 v6, v18;
	v9 =	vmul.f32 v10, v10  }
0x1f0: {  	v14 =	vadd.f32 v24, v14;
	v19 =	vmul.f32 v31, v31  }
0x1f1: {  	v6 =	vadd.f32 v9, v6;
	v9 =	vmul.f32 v7, v7;
	v7 =	vld [tilespmem:$0x1FAD0]  }
0x1f2: {  	v14 =	vadd.f32 v19, v14;
	v10 =	vmul.f32 v13, v13;
	_ =	sdelay $0x1  }
0x1f3: {  	v8 =	vmul.f32 v8, v8;
	v10 =	vadd.f32 v10, v14  }
0x1f4: {  	v2 =	vmul.f32 v2, v2  }
0x1f5: {  	v8 =	vadd.f32 v8, v10;
	v6 =	vadd.f32 v9, v6;
	v10 =	vmul.f32 v7, v7;
	v7 =	vld [tilespmem:$0x1FAE0];
	_ =	sdelay $0x1  }
0x1f6: {  	v0 =	vmul.f32 v0, v0;
	s28 =	simm.s32 $0x17B00;
	v2 =	vadd.f32 v2, v6;
	v6 =	vld [tilespmem:$0x1FFF0]  }
0x1f7: {  	v59 =	vld [tilespmem:s28+$0x0]  }
0x1f8: {  	v0 =	vadd.f32 v0, v2;
	v2 =	vld [tilespmem:$0x1FFA0]  }
0x1f9: {  	v17 =	vmul.f32 v7, v7  }
0x1fa: {  	v3 =	vmul.f32 v3, v3;
	v11 =	vmul.f32 v11, v11;
	v4 =	vadd.f32 v10, v4  }
0x1fb: {  	v1 =	vmul.f32 v1, v1;
	v6 =	vmul.f32 v6, v6;
	v5 =	vadd.f32 v17, v5  }
0x1fc: {  	v8 =	vadd.f32 v11, v8;
	v9 =	vmul.f32 v30, v30;
	v3 =	vadd.f32 v3, v4  }
0x1fd: {  	v12 =	vshll.u32 v59, $0x8;
	v2 =	vmul.f32 v2, v2;
	v4 =	vadd.f32 v6, v5  }
0x1fe: {  	v12 =	vshra.s32 v12, $0x2;
	v1 =	vadd.f32 v1, v3;
	v3 =	vld [tilespmem:$0x1FFC0];
	v6 =	vadd.f32 v9, v8  }
0x1ff: {  	v8 =	vmul.f32 v62, v62;
	v9 =	vmul.f32 v63, v63;
	v2 =	vadd.f32 v2, v4;
	v4 =	vld [tilespmem:$0x1FF70]  }
0x200: {  	(v2sf) =	vpush v12, $0xF  }
0x201: {  	v0 =	vadd.f32 v8, v0;
	v1 =	vadd.f32 v9, v1;
	v8 =	vmul.f32 v57, v57  }
0x202: {  	v9 =	vld [tilespmem:$0x1FF50]  }
0x203: {  	v10 =	vadd.f32 v8, v1;
	v1 =	vld [tilespmem:$0x1FED0]  }
0x204: {  	v3 =	vmul.f32 v3, v3;
	v4 =	vmul.f32 v4, v4;
	_ =	sdelay $0x1  }
0x205: {  	v3 =	vadd.f32 v3, v6;
	v6 =	vld [tilespmem:$0x1FF90];
	v2 =	vadd.f32 v4, v2;
	v4 =	vmul.f32 v56, v56  }
0x206: {  	v9 =	vmul.f32 v9, v9  }
0x207: {  	v8 =	vmul.f32 v1, v1;
	v4 =	vadd.f32 v4, v0;
	v0 =	vld [tilespmem:$0x1FF60]  }
0x208: {  	v11 =	vadd.f32 v9, v2;
	v2 =	vld [tilespmem:$0x1FEE0]  }
0x209: {  	v8 =	vadd.f32 v8, v4;
	v4 =	vld [tilespmem:$0x1FEF0]  }
0x20a: {  	v6 =	vmul.f32 v6, v6;
	_ =	sdelay $0x1  }
0x20b: {  	v3 =	vadd.f32 v6, v3;
	v6 =	vmul.f32 v0, v0;
	_ =	sdelay $0x1  }
0x20c: {  	s15 =	spop (v2sf);
	v6 =	vadd.f32 v6, v3;
	v3 =	vmul.f32 v2, v2;
	v4 =	vmul.f32 v4, v4  }
0x20d: {  	(v2sf) =	vpush v12, $0xE;
	v21 =	vld [tilespmem:s15+$0x0]  }
0x20e: {  	v9 =	vadd.f32 v3, v10;
	v10 =	vadd.f32 v4, v11;
	v4 =	vld [tilespmem:$0x1FAF0];
	_ =	sdelay $0x3  }
0x20f: {  	v24 =	vld [tilespmem:s15+$0x10]  }
0x210: {  	v57 =	vsub.f32 v4, v21;
	v4 =	vld [tilespmem:$0x1FB00];
	_ =	sdelay $0x2  }
0x211: {  	v33 =	vld [tilespmem:s29+$0x13B40]  }
0x212: {  	v20 =	vld [tilespmem:s15+$0x20]  }
0x213: {  	v58 =	vsub.f32 v4, v24;
	v4 =	vld [tilespmem:$0x1FB10]  }
0x214: {  	v48 =	vld [tilespmem:s29+$0x13B30]  }
0x215: {  	v49 =	vld [tilespmem:s29+$0x13AD0]  }
0x216: {  	v50 =	vld [tilespmem:s29+$0x13A20]  }
0x217: {  	v53 =	vld [tilespmem:s29+$0x13A30]  }
0x218: {  	v16 =	vld [tilespmem:s29+$0x13B60];
	s16 =	spop (v2sf);
	v4 =	vsub.f32 v4, v20  }
0x219: {  	v39 =	vld [tilespmem:s16+$0x0]  }
0x21a: {  	[tilespmem:$0x1FB20] =	vst v4;
	v4 =	vld [tilespmem:$0x1FB30]  }
0x21b: {  	v47 =	vld [tilespmem:s29+$0x13AC0]  }
0x21c: {  	v38 =	vld [tilespmem:s29+$0x13B00]  }
0x21d: {  	[tilespmem:$0x1FA20] =	vst v16;
	v16 =	vld [tilespmem:s29+$0x13B70]  }
0x21e: {  	(v2sf) =	vpush v12, $0xD;
	v26 =	vld [tilespmem:s15+$0x30]  }
0x21f: {  	v59 =	vsub.f32 v4, v39;
	v4 =	vld [tilespmem:$0x1FB40]  }
0x220: {  	v36 =	vld [tilespmem:s29+$0x13B20]  }
0x221: {  	v46 =	vld [tilespmem:s29+$0x13A90];
	(v2sf) =	vpush v12, $0xC  }
0x222: {  	[tilespmem:$0x1FA30] =	vst v16;
	v16 =	vld [tilespmem:s29+$0x13B10]  }
0x223: {  	v45 =	vld [tilespmem:s29+$0x13AF0]  }
0x224: {  	v44 =	vld [tilespmem:s29+$0x13AE0];
	v4 =	vsub.f32 v4, v26  }
0x225: {  	v40 =	vld [tilespmem:s16+$0x10]  }
0x226: {  	(v2sf) =	vpush v12, $0xB;
	[tilespmem:$0x1FB50] =	vst v4;
	v4 =	vld [tilespmem:$0x1FB60]  }
0x227: {  	[tilespmem:$0x1FA40] =	vst v16;
	v16 =	vld [tilespmem:s29+$0x13A80]  }
0x228: {  	v51 =	vld [tilespmem:s29+$0x13A00]  }
0x229: {  	v52 =	vld [tilespmem:s29+$0x13A10]  }
0x22a: {  	v22 =	vld [tilespmem:s16+$0x20]  }
0x22b: {  	v60 =	vsub.f32 v4, v40;
	v4 =	vld [tilespmem:$0x1FB70]  }
0x22c: {  	[tilespmem:$0x1FA50] =	vst v16;
	v16 =	vld [tilespmem:s29+$0x13AA0]  }
0x22d: {  	s31 =	spop (v2sf);
	v41 =	vld [tilespmem:s16+$0x30]  }
0x22e: {  	v25 =	vld [tilespmem:s31+$0x0]  }
0x22f: {  	v27 =	vld [tilespmem:s31+$0x10]  }
0x230: {  	(v2sf) =	vpush v12, $0xA;
	s15 =	spop (v2sf);
	v29 =	vld [tilespmem:s31+$0x30];
	v4 =	vsub.f32 v4, v22  }
0x231: {  	v42 =	vld [tilespmem:s15+$0x0]  }
0x232: {  	[tilespmem:$0x1FB80] =	vst v4;
	v4 =	vld [tilespmem:$0x1FB90]  }
0x233: {  	[tilespmem:$0x1FA60] =	vst v16;
	v16 =	vld [tilespmem:s29+$0x13AB0]  }
0x234: {  	v23 =	vld [tilespmem:s15+$0x10]  }
0x235: {  	(v2sf) =	vpush v12, $0x9;
	v43 =	vld [tilespmem:s15+$0x20];
	s16 =	spop (v2sf)  }
0x236: {  	v13 =	vld [tilespmem:s16+$0x0]  }
0x237: {  	v62 =	vsub.f32 v4, v25;
	v4 =	vld [tilespmem:$0x1FBA0]  }
0x238: {  	[tilespmem:$0x1FA70] =	vst v16;
	v16 =	vld [tilespmem:s29+$0x13A40]  }
0x239: {  	v14 =	vld [tilespmem:s16+$0x10]  }
0x23a: {  	v3 =	vld [tilespmem:$0x1FF20]  }
0x23b: {  	v28 =	vld [tilespmem:s16+$0x20]  }
0x23c: {  	v30 =	vld [tilespmem:s16+$0x30];
	v4 =	vsub.f32 v4, v41  }
0x23d: {  	[tilespmem:$0x1FA80] =	vst v16;
	v16 =	vld [tilespmem:s29+$0x13A50]  }
0x23e: {  	[tilespmem:$0x1FBB0] =	vst v4;
	v4 =	vld [tilespmem:$0x1FBC0]  }
0x23f: {  	v7 =	vld [tilespmem:s31+$0x20];
	s31 =	spop (v2sf);
	v18 =	vmul.f32 v3, v3  }
0x240: {  	v15 =	vld [tilespmem:s31+$0x0]  }
0x241: {  	(v2sf) =	vpush v12, $0x8;
	v11 =	vadd.f32 v18, v6;
	v6 =	vld [tilespmem:$0x1FC40]  }
0x242: {  	[tilespmem:$0x1FA90] =	vst v16;
	v16 =	vld [tilespmem:s29+$0x13A60]  }
0x243: {  	v61 =	vsub.f32 v4, v27;
	v4 =	vld [tilespmem:$0x1FBD0]  }
0x244: {  	v5 =	vld [tilespmem:s15+$0x30];
	s15 =	spop (v2sf)  }
0x245: {  	v17 =	vld [tilespmem:s15+$0x0]  }
0x246: {  	(v2sf) =	vpush v12, $0x7;
	v13 =	vsub.f32 v6, v13;
	v6 =	vld [tilespmem:$0x1FC50]  }
0x247: {  	(v2sf) =	vpush v12, $0x6;
	v19 =	vld [tilespmem:s15+$0x20]  }
0x248: {  	[tilespmem:$0x1FAA0] =	vst v16;
	v16 =	vld [tilespmem:s29+$0x13A70];
	v4 =	vsub.f32 v4, v7  }
0x249: {  	v1 =	vld [tilespmem:s31+$0x20]  }
0x24a: {  	[tilespmem:$0x1FBE0] =	vst v4;
	v4 =	vld [tilespmem:$0x1FBF0]  }
0x24b: {  	v54 =	vsub.f32 v6, v5;
	v6 =	vld [tilespmem:$0x1FC60]  }
0x24c: {  	v0 =	vld [tilespmem:s31+$0x10]  }
0x24d: {  	v2 =	vld [tilespmem:s31+$0x30]  }
0x24e: {  	v3 =	vld [tilespmem:s15+$0x10]  }
0x24f: {  	v63 =	vsub.f32 v4, v42;
	v4 =	vld [tilespmem:$0x1FC00]  }
0x250: {  	s16 =	spop (v2sf);
	v14 =	vsub.f32 v6, v14;
	v6 =	vld [tilespmem:$0x1FC70]  }
0x251: {  	(v2sf) =	vpush v12, $0x5;
	v21 =	vld [tilespmem:s16+$0x0]  }
0x252: {  	v18 =	vld [tilespmem:s15+$0x30]  }
0x253: {  	v24 =	vld [tilespmem:s16+$0x20]  }
0x254: {  	v20 =	vld [tilespmem:s16+$0x10];
	v4 =	vsub.f32 v4, v29  }
0x255: {  	s31 =	spop (v2sf);
	v56 =	vsub.f32 v6, v28;
	v6 =	vld [tilespmem:$0x1FC80]  }
0x256: {  	s30 =	spop (v2sf);
	[tilespmem:$0x1FC10] =	vst v4;
	v4 =	vld [tilespmem:$0x1FC20]  }
0x257: {  	(v2sf) =	vpush v12, $0x4;
	v5 =	vld [tilespmem:s30+$0x0]  }
0x258: {  	(v2sf) =	vpush v12, $0x3;
	v26 =	vld [tilespmem:s31+$0x0]  }
0x259: {  	(v2sf) =	vpush v12, $0x2;
	v28 =	vld [tilespmem:s30+$0x10]  }
0x25a: {  	(v2sf) =	vpush v12, $0x1;
	v15 =	vsub.f32 v6, v15;
	v6 =	vld [tilespmem:$0x1FC90]  }
0x25b: {  	(v2sf) =	vpush v12, $0x0;
	v12 =	vsub.f32 v4, v23;
	v4 =	vld [tilespmem:$0x1FC30]  }
0x25c: {  	v22 =	vld [tilespmem:s16+$0x30]  }
0x25d: {  	v25 =	vld [tilespmem:s31+$0x10]  }
0x25e: {  	v27 =	vld [tilespmem:s31+$0x20]  }
0x25f: {  	v29 =	vld [tilespmem:s30+$0x20]  }
0x260: {  	s29 =	simm.s32 $0x1000;
	[tilespmem:$0x1FAB0] =	vst v16;
	s0 =	spop (v2sf);
	v55 =	vsub.f32 v6, v30;
	v23 =	vsub.f32 v4, v43;
	v4 =	vld [tilespmem:s31+$0x30]  }
.LBB2_5:
0x261: {  	v6 =	vld [tilespmem:$0x1F800];
	_ =	sdelay $0x4  }
0x262: {  	v31 =	vsub.f32 v6, v0;
	v0 =	vld [tilespmem:$0x1F810];
	_ =	sdelay $0x4  }
0x263: {  	v0 =	vsub.f32 v0, v1;
	_ =	sdelay $0x1  }
0x264: {  	[tilespmem:$0x1F710] =	vst v0;
	v0 =	vld [tilespmem:$0x1F830];
	_ =	sdelay $0x4  }
0x265: {  	v34 =	vsub.f32 v0, v17;
	v0 =	vld [tilespmem:$0x1F820];
	_ =	sdelay $0x4  }
0x266: {  	v0 =	vsub.f32 v0, v2;
	_ =	sdelay $0x1  }
0x267: {  	[tilespmem:$0x1F720] =	vst v0;
	v0 =	vld [tilespmem:$0x1F840];
	_ =	sdelay $0x4  }
0x268: {  	v6 =	vsub.f32 v0, v3;
	v0 =	vld [tilespmem:$0x1F850];
	_ =	sdelay $0x4  }
0x269: {  	v17 =	vsub.f32 v0, v19;
	v0 =	vld [tilespmem:$0x1F870]  }
0x26a: {  	v1 =	vld [tilespmem:$0x1F890]  }
0x26b: {  	v30 =	vld [tilespmem:s30+$0x30]  }
0x26c: {  	v32 =	vld [tilespmem:s0+$0x0]  }
0x26d: {  	v2 =	vld [tilespmem:$0x1F9A0]  }
0x26e: {  	v7 =	vsub.f32 v0, v21;
	v0 =	vld [tilespmem:$0x1F860]  }
0x26f: {  	v19 =	vsub.f32 v1, v24;
	v1 =	vld [tilespmem:$0x1F8E0]  }
0x270: {  	v35 =	vld [tilespmem:s0+$0x10]  }
0x271: {  	v41 =	vld [tilespmem:$0x1FA00]  }
0x272: {  	v5 =	vsub.f32 v2, v5;
	v2 =	vld [tilespmem:$0x1F970]  }
0x273: {  	v18 =	vsub.f32 v0, v18;
	v0 =	vld [tilespmem:$0x1F880]  }
0x274: {  	v37 =	vsub.f32 v1, v26;
	v1 =	vld [tilespmem:$0x1F8C0]  }
0x275: {  	s1 =	spop (v2sf);
	v42 =	vld [tilespmem:$0x1FA10]  }
0x276: {  	v24 =	vld [tilespmem:s1+$0x0]  }
0x277: {  	v43 =	vld [tilespmem:$0x1FA20]  }
0x278: {  	v3 =	vld [tilespmem:s0+$0x20];
	v0 =	vsub.f32 v0, v20  }
0x279: {  	v20 =	vsub.f32 v1, v22;
	v22 =	vsub.f32 v2, v4;
	v2 =	vld [tilespmem:$0x1F9D0]  }
0x27a: {  	v21 =	vld [tilespmem:s0+$0x30]  }
0x27b: {  	s15 =	spop (v2sf);
	v40 =	vsub.f32 v38, v24;
	v24 =	vld [tilespmem:$0x1FA30]  }
0x27c: {  	v38 =	vld [tilespmem:s15+$0x30]  }
0x27d: {  	v1 =	vld [tilespmem:$0x1F910]  }
0x27e: {  	v28 =	vsub.f32 v2, v28;
	v2 =	vld [tilespmem:$0x1F9F0]  }
0x27f: {  	s16 =	spop (v2sf);
	v26 =	vld [tilespmem:s1+$0x10]  }
0x280: {  	s31 =	spop (v2sf);
	v39 =	vsub.f32 v42, v35;
	v35 =	vsub.f32 v24, v21;
	v21 =	vld [tilespmem:$0x1FA40]  }
0x281: {  	s30 =	spop (v2sf);
	v4 =	vld [tilespmem:s1+$0x30]  }
0x282: {  	v45 =	vsub.f32 v45, v38;
	v38 =	vmul.f32 v0, v0;
	v0 =	vld [tilespmem:s30+$0x20]  }
0x283: {  	v16 =	vsub.f32 v1, v25;
	v25 =	vld [tilespmem:s1+$0x20];
	v2 =	vsub.f32 v2, v29  }
0x284: {  	v29 =	vsub.f32 v33, v32;
	v33 =	vsub.f32 v41, v30;
	v30 =	vld [tilespmem:s15+$0x10]  }
0x285: {  	v1 =	vld [tilespmem:$0x1F940]  }
0x286: {  	v3 =	vsub.f32 v43, v3;
	v43 =	vsub.f32 v48, v4;
	v4 =	vmul.f32 v57, v57;
	v57 =	vld [tilespmem:s16+$0x10]  }
0x287: {  	v48 =	vmul.f32 v58, v58;
	v58 =	vld [tilespmem:s16+$0x20]  }
0x288: {  	v42 =	vsub.f32 v36, v25;
	v36 =	vld [tilespmem:s16+$0x0]  }
0x289: {  	v49 =	vsub.f32 v49, v30;
	v30 =	vld [tilespmem:$0x1FA50]  }
0x28a: {  	v1 =	vsub.f32 v1, v27;
	v27 =	vld [tilespmem:s15+$0x0]  }
0x28b: {  	v32 =	vld [tilespmem:s15+$0x20]  }
0x28c: {  	v46 =	vsub.f32 v46, v57;
	v57 =	vld [tilespmem:$0x1FA60]  }
0x28d: {  	v41 =	vsub.f32 v21, v26;
	v26 =	vmul.f32 v59, v59;
	v59 =	vld [tilespmem:s16+$0x30]  }
0x28e: {  	v24 =	vmul.f32 v62, v62;
	v62 =	vsub.f32 v30, v36;
	v36 =	vmul.f32 v7, v7;
	v7 =	vld [tilespmem:$0x1FA70]  }
0x28f: {  	v47 =	vsub.f32 v47, v27;
	v27 =	vmul.f32 v60, v60;
	v60 =	vld [tilespmem:s31+$0x0]  }
0x290: {  	v44 =	vsub.f32 v44, v32;
	v32 =	vmul.f32 v34, v34;
	v34 =	vmul.f32 v6, v6;
	v6 =	vld [tilespmem:s30+$0x10]  }
0x291: {  	v21 =	vmul.f32 v63, v63;
	v63 =	vsub.f32 v57, v58;
	v57 =	vld [tilespmem:$0x1FA80]  }
0x292: {  	v30 =	vmul.f32 v15, v15;
	v15 =	vld [tilespmem:s30+$0x0]  }
0x293: {  	v7 =	vsub.f32 v7, v59;
	v59 =	vld [tilespmem:s30+$0x30];
	s30 =	sshra.s32 s29, $0x2  }
0x294: {  	v0 =	vsub.f32 v50, v0;
	v50 =	vmul.f32 v62, v62;
	v62 =	vld [tilespmem:s30+$0x13DE0];
	_ =	sdelay $0x2  }
0x295: {  	v25 =	vmul.f32 v61, v61;
	v61 =	vld [tilespmem:s31+$0x10];
	v60 =	vsub.f32 v57, v60  }
0x296: {  	v57 =	vld [tilespmem:$0x1FA90]  }
0x297: {  	[tilespmem:$0x1F730] =	vst v62;
	v62 =	vmul.f32 v60, v60;
	v60 =	vld [tilespmem:s30+$0x13DF0];
	_ =	sdelay $0x3  }
0x298: {  	v61 =	vsub.f32 v57, v61;
	v57 =	vld [tilespmem:s31+$0x20]  }
0x299: {  	[tilespmem:$0x1F740] =	vst v60;
	v60 =	vld [tilespmem:$0x1FAA0];
	_ =	sdelay $0x2  }
0x29a: {  	v15 =	vsub.f32 v51, v15;
	_ =	sdelay $0x1  }
0x29b: {  	v51 =	vld [tilespmem:s31+$0x30];
	v15 =	vmul.f32 v15, v15;
	v57 =	vsub.f32 v60, v57  }
0x29c: {  	v60 =	vld [tilespmem:$0x1FAB0]  }
0x29d: {  	v0 =	vmul.f32 v0, v0;
	v8 =	vadd.f32 v15, v8;
	v15 =	vmul.f32 v57, v57;
	v57 =	vld [tilespmem:s30+$0x13DA0];
	_ =	sdelay $0x1  }
0x29e: {  	v0 =	vadd.f32 v0, v10  }
0x29f: {  	v53 =	vsub.f32 v53, v59  }
0x2a0: {  	v0 =	vadd.f32 v15, v0;
	v15 =	vld [tilespmem:s30+$0x13D60]  }
0x2a1: {  	v53 =	vmul.f32 v53, v53;
	v51 =	vsub.f32 v60, v51;
	[tilespmem:$0x1F750] =	vst v57;
	v57 =	vld [tilespmem:s30+$0x13DB0]  }
0x2a2: {  	v39 =	vmul.f32 v39, v39;
	v52 =	vsub.f32 v52, v6  }
0x2a3: {  	v3 =	vmul.f32 v3, v3;
	v10 =	vadd.f32 v53, v11;
	v11 =	vmul.f32 v51, v51  }
0x2a4: {  	v40 =	vmul.f32 v40, v40;
	v52 =	vmul.f32 v52, v52  }
0x2a5: {  	v46 =	vmul.f32 v46, v46;
	v7 =	vmul.f32 v7, v7;
	v10 =	vadd.f32 v11, v10;
	[tilespmem:$0x1F770] =	vst v15;
	v15 =	vld [tilespmem:s30+$0x13D70]  }
0x2a6: {  	v9 =	vadd.f32 v52, v9;
	v61 =	vmul.f32 v61, v61;
	[tilespmem:$0x1F760] =	vst v57;
	v57 =	vmul.f32 v63, v63  }
0x2a7: {  	v2 =	vmul.f32 v2, v2;
	v7 =	vadd.f32 v7, v10;
	v10 =	vmul.f32 v45, v45  }
0x2a8: {  	v9 =	vadd.f32 v61, v9;
	v11 =	vmul.f32 v44, v44;
	v0 =	vadd.f32 v57, v0  }
0x2a9: {  	v47 =	vmul.f32 v47, v47;
	v8 =	vadd.f32 v62, v8;
	v7 =	vadd.f32 v10, v7  }
0x2aa: {  	v10 =	vmul.f32 v43, v43;
	[tilespmem:$0x1F780] =	vst v15;
	v15 =	vmul.f32 v42, v42;
	v0 =	vadd.f32 v11, v0  }
0x2ab: {  	v49 =	vmul.f32 v49, v49;
	v9 =	vadd.f32 v46, v9;
	v8 =	vadd.f32 v50, v8  }
0x2ac: {  	v7 =	vadd.f32 v10, v7;
	v10 =	vmul.f32 v35, v35;
	v0 =	vadd.f32 v15, v0  }
0x2ad: {  	v58 =	vmul.f32 v41, v41;
	v9 =	vadd.f32 v49, v9;
	v8 =	vadd.f32 v47, v8  }
0x2ae: {  	v0 =	vadd.f32 v3, v0;
	v3 =	vadd.f32 v10, v7;
	v7 =	vmul.f32 v33, v33  }
0x2af: {  	v29 =	vmul.f32 v29, v29;
	v9 =	vadd.f32 v58, v9;
	v8 =	vadd.f32 v40, v8  }
0x2b0: {  	v5 =	vmul.f32 v5, v5;
	v0 =	vadd.f32 v2, v0;
	v2 =	vadd.f32 v7, v3;
	v7 =	vld [tilespmem:s30+$0x13CF0]  }
0x2b1: {  	v28 =	vmul.f32 v28, v28;
	v9 =	vadd.f32 v39, v9;
	v8 =	vadd.f32 v29, v8  }
0x2b2: {  	v16 =	vmul.f32 v16, v16  }
0x2b3: {  	v1 =	vmul.f32 v1, v1;
	v5 =	vadd.f32 v5, v8;
	v8 =	vadd.f32 v28, v9  }
0x2b4: {  	v3 =	vmul.f32 v22, v22  }
0x2b5: {  	v0 =	vadd.f32 v1, v0;
	[tilespmem:$0x1F7F0] =	vst v7;
	v7 =	vadd.f32 v16, v8;
	v8 =	vmul.f32 v19, v19  }
0x2b6: {  	v1 =	vadd.f32 v3, v2;
	v3 =	vld [tilespmem:s30+$0x13C90]  }
0x2b7: {  	v0 =	vadd.f32 v8, v0;
	v8 =	vld [tilespmem:s30+$0x13CB0]  }
0x2b8: {  	v37 =	vmul.f32 v37, v37;
	_ =	sdelay $0x1  }
0x2b9: {  	v5 =	vadd.f32 v37, v5  }
0x2ba: {  	[tilespmem:$0x1F800] =	vst v3  }
0x2bb: {  	v3 =	vadd.f32 v36, v5;
	v5 =	vadd.f32 v38, v7;
	v7 =	vmul.f32 v17, v17;
	[tilespmem:$0x1F820] =	vst v8;
	v8 =	vld [tilespmem:$0x1F710];
	_ =	sdelay $0x1  }
0x2bc: {  	v0 =	vadd.f32 v7, v0;
	v7 =	vld [tilespmem:s30+$0x13C50];
	_ =	sdelay $0x2  }
0x2bd: {  	v8 =	vmul.f32 v8, v8;
	_ =	sdelay $0x1  }
0x2be: {  	[tilespmem:$0x1F840] =	vst v7;
	v7 =	vmul.f32 v56, v56;
	v0 =	vadd.f32 v8, v0;
	_ =	sdelay $0x1  }
0x2bf: {  	v0 =	vadd.f32 v7, v0;
	v7 =	vld [tilespmem:s30+$0x13C10];
	_ =	sdelay $0x2  }
0x2c0: {  	v8 =	vld [tilespmem:s30+$0x13C70];
	_ =	sdelay $0x1  }
0x2c1: {  	[tilespmem:$0x1F880] =	vst v7;
	v7 =	vld [tilespmem:$0x1FBE0];
	_ =	sdelay $0x2  }
0x2c2: {  	[tilespmem:$0x1F860] =	vst v8;
	v8 =	vmul.f32 v23, v23;
	_ =	sdelay $0x1  }
0x2c3: {  	v0 =	vadd.f32 v8, v0;
	v8 =	vld [tilespmem:s30+$0x13C30];
	v7 =	vmul.f32 v7, v7;
	_ =	sdelay $0x1  }
0x2c4: {  	v0 =	vadd.f32 v7, v0;
	v7 =	vld [tilespmem:s30+$0x13BD0];
	_ =	sdelay $0x2  }
0x2c5: {  	[tilespmem:$0x1F8C0] =	vst v8;
	v8 =	vld [tilespmem:$0x1FB80];
	_ =	sdelay $0x1  }
0x2c6: {  	[tilespmem:$0x1F910] =	vst v7;
	v7 =	vld [tilespmem:$0x1FB20];
	_ =	sdelay $0x1  }
0x2c7: {  	v10 =	vld [tilespmem:s30+$0x13CD0]  }
0x2c8: {  	v8 =	vmul.f32 v8, v8;
	_ =	sdelay $0x1  }
0x2c9: {  	v0 =	vadd.f32 v8, v0;
	v7 =	vmul.f32 v7, v7;
	_ =	sdelay $0x1  }
0x2ca: {  	[tilespmem:$0x1F7D0] =	vst v10;
	v10 =	vadd.f32 v7, v0;
	v0 =	vld [tilespmem:s30+$0x13B90];
	_ =	sdelay $0x1  }
0x2cb: {  	v41 =	vld [tilespmem:s30+$0x13DC0]  }
0x2cc: {  	v6 =	vld [tilespmem:s30+$0x13DD0]  }
0x2cd: {  	v52 =	vld [tilespmem:s30+$0x13A10]  }
0x2ce: {  	[tilespmem:$0x1F9D0] =	vst v0;
	v0 =	vld [tilespmem:s30+$0x13BA0]  }
0x2cf: {  	v9 =	vld [tilespmem:s30+$0x13CE0]  }
0x2d0: {  	v61 =	vld [tilespmem:s30+$0x13D50]  }
0x2d1: {  	v59 =	vld [tilespmem:s30+$0x13D80];
	v2 =	vmul.f32 v20, v20  }
0x2d2: {  	v46 =	vld [tilespmem:s30+$0x13A90]  }
0x2d3: {  	v1 =	vadd.f32 v2, v1;
	v2 =	vmul.f32 v18, v18;
	[tilespmem:$0x1F9F0] =	vst v0;
	v0 =	vld [tilespmem:s30+$0x13BB0]  }
0x2d4: {  	[tilespmem:$0x1F7E0] =	vst v9;
	v9 =	vld [tilespmem:s30+$0x13CA0]  }
0x2d5: {  	v1 =	vadd.f32 v2, v1;
	v2 =	vld [tilespmem:$0x1F720]  }
0x2d6: {  	v62 =	vld [tilespmem:s30+$0x13D40]  }
0x2d7: {  	v49 =	vld [tilespmem:s30+$0x13AD0];
	v3 =	vadd.f32 v32, v3  }
0x2d8: {  	[tilespmem:$0x1FA00] =	vst v0;
	v0 =	vld [tilespmem:s30+$0x13B50]  }
0x2d9: {  	v13 =	vmul.f32 v13, v13;
	v53 =	vld [tilespmem:s30+$0x13A30];
	v3 =	vadd.f32 v30, v3  }
0x2da: {  	[tilespmem:$0x1F810] =	vst v9;
	v9 =	vld [tilespmem:s30+$0x13C40];
	v2 =	vmul.f32 v2, v2  }
0x2db: {  	v50 =	vld [tilespmem:s30+$0x13A20];
	v3 =	vadd.f32 v13, v3  }
0x2dc: {  	s28 =	sadd.s32 $0x10, s28;
	v47 =	vld [tilespmem:s30+$0x13AC0];
	v1 =	vadd.f32 v2, v1;
	v2 =	vmul.f32 v55, v55  }
0x2dd: {  	v3 =	vadd.f32 v21, v3;
	[tilespmem:$0x1FA10] =	vst v0;
	v0 =	vld [tilespmem:s28+$0x0]  }
0x2de: {  	v1 =	vadd.f32 v2, v1;
	v2 =	vmul.f32 v54, v54;
	v8 =	vld [tilespmem:s30+$0x13BF0]  }
0x2df: {  	[tilespmem:$0x1F830] =	vst v9;
	v9 =	vld [tilespmem:s30+$0x13C60];
	v3 =	vadd.f32 v24, v3  }
0x2e0: {  	v1 =	vadd.f32 v2, v1;
	v2 =	vld [tilespmem:$0x1FC10]  }
0x2e1: {  	v11 =	vld [tilespmem:s30+$0x13D10];
	v3 =	vadd.f32 v26, v3  }
0x2e2: {  	v60 =	vld [tilespmem:s30+$0x13D90];
	v0 =	vshll.u32 v0, $0x8  }
0x2e3: {  	v51 =	vld [tilespmem:s30+$0x13A00];
	[tilespmem:$0x1F970] =	vst v8;
	v8 =	vadd.f32 v4, v3;
	v4 =	vshra.s32 v0, $0x2  }
0x2e4: {  	[tilespmem:$0x1F850] =	vst v9;
	v9 =	vld [tilespmem:s30+$0x13C00];
	(v2sf) =	vpush v4, $0xF  }
0x2e5: {  	v44 =	vld [tilespmem:s30+$0x13AE0];
	v2 =	vmul.f32 v2, v2;
	(v2sf) =	vpush v4, $0xE  }
0x2e6: {  	[tilespmem:$0x1F790] =	vst v11;
	v11 =	vld [tilespmem:s30+$0x13D20]  }
0x2e7: {  	v1 =	vadd.f32 v2, v1;
	v2 =	vld [tilespmem:$0x1FBB0];
	(v2sf) =	vpush v4, $0xD  }
0x2e8: {  	v0 =	vld [tilespmem:s30+$0x13A80]  }
0x2e9: {  	[tilespmem:$0x1F870] =	vst v9;
	v9 =	vld [tilespmem:s30+$0x13C20]  }
0x2ea: {  	v45 =	vld [tilespmem:s30+$0x13AF0]  }
0x2eb: {  	v31 =	vmul.f32 v31, v31;
	v63 =	vld [tilespmem:s30+$0x13D00];
	v5 =	vadd.f32 v34, v5;
	(v2sf) =	vpush v4, $0xC  }
0x2ec: {  	[tilespmem:$0x1F7A0] =	vst v11;
	v11 =	vld [tilespmem:s30+$0x13D30]  }
0x2ed: {  	v14 =	vmul.f32 v14, v14;
	v5 =	vadd.f32 v31, v5;
	v2 =	vmul.f32 v2, v2;
	[tilespmem:$0x1FA50] =	vst v0;
	v0 =	vld [tilespmem:s30+$0x13AA0]  }
0x2ee: {  	[tilespmem:$0x1F890] =	vst v9;
	v9 =	vld [tilespmem:s30+$0x13BC0]  }
0x2ef: {  	v12 =	vmul.f32 v12, v12;
	v5 =	vadd.f32 v14, v5;
	v1 =	vadd.f32 v2, v1;
	v2 =	vld [tilespmem:$0x1FB50]  }
0x2f0: {  	v15 =	vld [tilespmem:s30+$0x13C80]  }
0x2f1: {  	[tilespmem:$0x1F7C0] =	vst v11;
	v11 =	vld [tilespmem:s30+$0x13CC0];
	v5 =	vadd.f32 v12, v5  }
0x2f2: {  	[tilespmem:$0x1FA60] =	vst v0;
	v0 =	vld [tilespmem:s30+$0x13AB0]  }
0x2f3: {  	[tilespmem:$0x1F8E0] =	vst v9;
	v9 =	vld [tilespmem:s30+$0x13BE0];
	v5 =	vadd.f32 v25, v5;
	s31 =	spop (v2sf);
	(v2sf) =	vpush v4, $0xB  }
0x2f4: {  	v33 =	vld [tilespmem:s30+$0x13B40];
	v2 =	vmul.f32 v2, v2;
	s1 =	spop (v2sf);
	(v2sf) =	vpush v4, $0xA  }
0x2f5: {  	v38 =	vld [tilespmem:s30+$0x13B00];
	v5 =	vadd.f32 v27, v5  }
0x2f6: {  	[tilespmem:$0x1F7B0] =	vst v11;
	v11 =	vadd.f32 v2, v1;
	v1 =	vld [tilespmem:s30+$0x13B60];
	s15 =	spop (v2sf);
	(v2sf) =	vpush v4, $0x9  }
0x2f7: {  	[tilespmem:$0x1FA70] =	vst v0;
	v0 =	vld [tilespmem:s30+$0x13A40]  }
0x2f8: {  	[tilespmem:$0x1F940] =	vst v9;
	v9 =	vadd.f32 v48, v5;
	v5 =	vld [tilespmem:s31+$0x0]  }
0x2f9: {  	v7 =	vld [tilespmem:s31+$0x10]  }
0x2fa: {  	v12 =	vld [tilespmem:s31+$0x20];
	s16 =	spop (v2sf);
	(v2sf) =	vpush v4, $0x8  }
0x2fb: {  	v13 =	vld [tilespmem:s31+$0x30]  }
0x2fc: {  	v14 =	vld [tilespmem:s1+$0x0]  }
0x2fd: {  	v16 =	vld [tilespmem:s1+$0x10]  }
0x2fe: {  	v23 =	vld [tilespmem:s1+$0x20]  }
0x2ff: {  	v25 =	vld [tilespmem:s1+$0x30]  }
0x300: {  	v27 =	vld [tilespmem:s15+$0x0]  }
0x301: {  	v28 =	vld [tilespmem:s15+$0x10]  }
0x302: {  	v29 =	vld [tilespmem:s15+$0x20];
	s31 =	spop (v2sf);
	(v2sf) =	vpush v4, $0x7  }
0x303: {  	v30 =	vld [tilespmem:s15+$0x30];
	s1 =	spop (v2sf);
	(v2sf) =	vpush v4, $0x6  }
0x304: {  	[tilespmem:$0x1FA80] =	vst v0;
	v0 =	vld [tilespmem:s30+$0x13A50];
	(v2sf) =	vpush v4, $0x5  }
0x305: {  	v31 =	vld [tilespmem:s16+$0x0];
	s15 =	spop (v2sf);
	(v2sf) =	vpush v4, $0x4  }
0x306: {  	v32 =	vld [tilespmem:s16+$0x10];
	(v2sf) =	vpush v4, $0x3  }
0x307: {  	v34 =	vld [tilespmem:s16+$0x20];
	(v2sf) =	vpush v4, $0x2  }
0x308: {  	v54 =	vld [tilespmem:s16+$0x30];
	(v2sf) =	vpush v4, $0x1  }
0x309: {  	s16 =	spop (v2sf);
	(v2sf) =	vpush v4, $0x0;
	v4 =	vld [tilespmem:$0x1F730]  }
0x30a: {  	[tilespmem:$0x1FA20] =	vst v1;
	v1 =	vld [tilespmem:s30+$0x13B70]  }
0x30b: {  	v36 =	vld [tilespmem:s30+$0x13B20]  }
0x30c: {  	v48 =	vld [tilespmem:s30+$0x13B30]  }
0x30d: {  	v3 =	vld [tilespmem:s30+$0x13B80]  }
0x30e: {  	[tilespmem:$0x1FA90] =	vst v0;
	v0 =	vld [tilespmem:s30+$0x13A60];
	v4 =	vsub.f32 v4, v12  }
0x30f: {  	[tilespmem:$0x1FA30] =	vst v1;
	v1 =	vld [tilespmem:s30+$0x13B10]  }
0x310: {  	[tilespmem:$0x1FB20] =	vst v4;
	v4 =	vld [tilespmem:$0x1F740]  }
0x311: {  	v57 =	vsub.f32 v41, v5;
	v5 =	vld [tilespmem:$0x1F790]  }
0x312: {  	v58 =	vsub.f32 v6, v7;
	v6 =	vld [tilespmem:$0x1F7B0]  }
0x313: {  	[tilespmem:$0x1FAA0] =	vst v0;
	v0 =	vld [tilespmem:s30+$0x13A70]  }
0x314: {  	v55 =	vld [tilespmem:s31+$0x0]  }
0x315: {  	v39 =	vld [tilespmem:s31+$0x10];
	v4 =	vsub.f32 v4, v13  }
0x316: {  	v40 =	vld [tilespmem:s31+$0x20]  }
0x317: {  	[tilespmem:$0x1FB50] =	vst v4;
	v4 =	vld [tilespmem:$0x1F750]  }
0x318: {  	v42 =	vld [tilespmem:s31+$0x30]  }
0x319: {  	v43 =	vld [tilespmem:s1+$0x0]  }
0x31a: {  	[tilespmem:$0x1FA40] =	vst v1;
	v1 =	vld [tilespmem:s1+$0x20]  }
0x31b: {  	v2 =	vld [tilespmem:s1+$0x30]  }
0x31c: {  	v17 =	vld [tilespmem:s15+$0x0];
	v4 =	vsub.f32 v4, v23  }
0x31d: {  	[tilespmem:$0x1F9A0] =	vst v3;
	v3 =	vld [tilespmem:s15+$0x10]  }
0x31e: {  	[tilespmem:$0x1FB80] =	vst v4;
	v4 =	vld [tilespmem:$0x1F760]  }
0x31f: {  	v13 =	vsub.f32 v6, v55;
	v6 =	vld [tilespmem:$0x1F7C0]  }
0x320: {  	v19 =	vld [tilespmem:s15+$0x20]  }
0x321: {  	v18 =	vld [tilespmem:s15+$0x30]  }
0x322: {  	[tilespmem:$0x1FAB0] =	vst v0;
	v0 =	vld [tilespmem:s1+$0x10]  }
0x323: {  	v21 =	vld [tilespmem:s16+$0x0];
	v4 =	vsub.f32 v4, v25  }
0x324: {  	v54 =	vsub.f32 v6, v54;
	v6 =	vld [tilespmem:$0x1F7D0]  }
0x325: {  	[tilespmem:$0x1FBB0] =	vst v4;
	v4 =	vld [tilespmem:$0x1F770]  }
0x326: {  	v20 =	vld [tilespmem:s16+$0x10]  }
0x327: {  	v24 =	vld [tilespmem:s16+$0x20]  }
0x328: {  	v22 =	vld [tilespmem:s16+$0x30]  }
0x329: {  	v59 =	vsub.f32 v59, v14;
	v14 =	vsub.f32 v6, v39;
	v6 =	vld [tilespmem:$0x1F7E0]  }
0x32a: {  	v12 =	vsub.f32 v5, v32;
	v5 =	vld [tilespmem:$0x1F7A0];
	s31 =	spop (v2sf);
	v4 =	vsub.f32 v4, v29  }
0x32b: {  	v26 =	vld [tilespmem:s31+$0x0]  }
0x32c: {  	[tilespmem:$0x1FBE0] =	vst v4;
	v4 =	vld [tilespmem:$0x1F780]  }
0x32d: {  	v62 =	vsub.f32 v62, v27;
	v27 =	vld [tilespmem:s31+$0x20]  }
0x32e: {  	p1 =	sne.s32 s29, $0xF000;
	s30 =	spop (v2sf);
	v56 =	vsub.f32 v6, v40;
	v6 =	vld [tilespmem:$0x1F7F0]  }
.Ltmp3:
0x32f: {  	v61 =	vsub.f32 v61, v28;
	v28 =	vld [tilespmem:s30+$0x10];
	(pc) =	sbr.rel @p1 .LBB2_5-.Ltmp3, $4  }
0x330: {  	v23 =	vsub.f32 v5, v34;
	v5 =	vld [tilespmem:s30+$0x0]  }
0x331: {  	v25 =	vld [tilespmem:s31+$0x10];
	v4 =	vsub.f32 v4, v30  }
0x332: {  	v60 =	vsub.f32 v60, v16;
	v63 =	vsub.f32 v63, v31;
	v29 =	vld [tilespmem:s30+$0x20]  }
0x333: {  	s29 =	sadd.s32 $0x1000, s29;
	v15 =	vsub.f32 v15, v43;
	s0 =	spop (v2sf);
	v55 =	vsub.f32 v6, v42;
	[tilespmem:$0x1FC10] =	vst v4;
	v4 =	vld [tilespmem:s31+$0x30]  }
0x334: {  	v6 =	vld [tilespmem:$0x1F800];
	_ =	sdelay $0x4  }
0x335: {  	v0 =	vsub.f32 v6, v0;
	v6 =	vld [tilespmem:$0x1F810];
	_ =	sdelay $0x1  }
0x336: {  	v39 =	vld [tilespmem:$0x1F830];
	_ =	sdelay $0x1  }
0x337: {  	v40 =	vld [tilespmem:$0x1F820]  }
0x338: {  	[tilespmem:$0x1F6E0] =	vst v0;
	v0 =	vsub.f32 v6, v1;
	_ =	sdelay $0x1  }
0x339: {  	[tilespmem:$0x1F6F0] =	vst v0;
	v0 =	vsub.f32 v39, v17;
	_ =	sdelay $0x1  }
0x33a: {  	[tilespmem:$0x1F6D0] =	vst v0;
	v0 =	vsub.f32 v40, v2;
	_ =	sdelay $0x1  }
0x33b: {  	[tilespmem:$0x1F700] =	vst v0;
	v0 =	vld [tilespmem:$0x1F940]  }
0x33c: {  	v7 =	vld [tilespmem:s30+$0x30]  }
0x33d: {  	v16 =	vld [tilespmem:s0+$0x0]  }
0x33e: {  	v30 =	vld [tilespmem:s0+$0x10]  }
0x33f: {  	v31 =	vld [tilespmem:s0+$0x20]  }
0x340: {  	v27 =	vsub.f32 v0, v27;
	v0 =	vld [tilespmem:$0x1F9A0]  }
0x341: {  	v32 =	vld [tilespmem:s0+$0x30]  }
0x342: {  	v41 =	vld [tilespmem:$0x1F840]  }
0x343: {  	s1 =	spop (v2sf);
	v42 =	vld [tilespmem:$0x1F850]  }
0x344: {  	v34 =	vld [tilespmem:s1+$0x0]  }
0x345: {  	v5 =	vsub.f32 v0, v5;
	v0 =	vld [tilespmem:$0x1F970]  }
0x346: {  	v43 =	vld [tilespmem:$0x1F870];
	s28 =	spop (v2sf)  }
0x347: {  	v35 =	vld [tilespmem:s1+$0x10];
	s29 =	spop (v2sf)  }
0x348: {  	v37 =	vld [tilespmem:s1+$0x20];
	s30 =	spop (v2sf)  }
0x349: {  	v34 =	vsub.f32 v38, v34;
	v38 =	vld [tilespmem:s30+$0x10]  }
0x34a: {  	v4 =	vsub.f32 v0, v4;
	v0 =	vld [tilespmem:$0x1F9D0]  }
0x34b: {  	v6 =	vsub.f32 v41, v3;
	v41 =	vld [tilespmem:$0x1F860]  }
0x34c: {  	v3 =	vld [tilespmem:s29+$0x10]  }
0x34d: {  	v1 =	vld [tilespmem:s30+$0x0]  }
0x34e: {  	v39 =	vld [tilespmem:s1+$0x30]  }
0x34f: {  	v28 =	vsub.f32 v0, v28;
	v0 =	vld [tilespmem:$0x1F9F0]  }
0x350: {  	v17 =	vsub.f32 v42, v19;
	v19 =	vsub.f32 v43, v21;
	v21 =	vld [tilespmem:s28+$0x10]  }
0x351: {  	v42 =	vld [tilespmem:$0x1F880]  }
0x352: {  	v43 =	vld [tilespmem:$0x1F890]  }
0x353: {  	v40 =	vld [tilespmem:s28+$0x0]  }
0x354: {  	v29 =	vsub.f32 v0, v29;
	v0 =	vld [tilespmem:$0x1FA00]  }
0x355: {  	v2 =	vld [tilespmem:s29+$0x20]  }
0x356: {  	v18 =	vsub.f32 v41, v18;
	v41 =	vld [tilespmem:s28+$0x20]  }
0x357: {  	v3 =	vsub.f32 v46, v3;
	v46 =	vld [tilespmem:s30+$0x30]  }
0x358: {  	v20 =	vsub.f32 v42, v20;
	v42 =	vld [tilespmem:$0x1F8E0]  }
0x359: {  	v7 =	vsub.f32 v0, v7;
	v0 =	vld [tilespmem:$0x1FA10]  }
0x35a: {  	s31 =	spop (v2sf);
	v24 =	vsub.f32 v43, v24;
	v43 =	vld [tilespmem:$0x1F8C0]  }
0x35b: {  	v36 =	vsub.f32 v36, v37;
	v37 =	vsub.f32 v48, v39;
	v39 =	vld [tilespmem:s31+$0x10]  }
0x35c: {  	v21 =	vsub.f32 v49, v21;
	v49 =	vld [tilespmem:$0x1FA50]  }
0x35d: {  	v48 =	vld [tilespmem:$0x1FA60]  }
0x35e: {  	v30 =	vsub.f32 v0, v30;
	v0 =	vld [tilespmem:$0x1FA20]  }
0x35f: {  	v40 =	vsub.f32 v47, v40;
	v47 =	vld [tilespmem:s31+$0x20]  }
0x360: {  	v41 =	vsub.f32 v44, v41;
	v44 =	vld [tilespmem:s31+$0x30]  }
0x361: {  	v22 =	vsub.f32 v43, v22;
	v43 =	vld [tilespmem:$0x1F910]  }
0x362: {  	v26 =	vsub.f32 v42, v26;
	v42 =	vld [tilespmem:s28+$0x30]  }
0x363: {  	v31 =	vsub.f32 v0, v31;
	v0 =	vld [tilespmem:$0x1FA30]  }
0x364: {  	v2 =	vsub.f32 v48, v2;
	v48 =	vld [tilespmem:$0x1FA80]  }
0x365: {  	v44 =	vsub.f32 v53, v44;
	v53 =	vld [tilespmem:$0x1FAA0]  }
0x366: {  	v25 =	vsub.f32 v43, v25;
	v43 =	vld [tilespmem:s29+$0x0]  }
0x367: {  	v39 =	vsub.f32 v52, v39;
	v42 =	vsub.f32 v45, v42;
	v45 =	vld [tilespmem:s30+$0x20]  }
0x368: {  	v6 =	vmul.f32 v6, v6;
	v47 =	vsub.f32 v50, v47;
	v32 =	vsub.f32 v0, v32;
	v0 =	vld [tilespmem:$0x1FA40]  }
0x369: {  	v16 =	vsub.f32 v33, v16;
	v3 =	vmul.f32 v3, v3;
	v52 =	vld [tilespmem:$0x1FAB0];
	v39 =	vmul.f32 v39, v39  }
0x36a: {  	v2 =	vmul.f32 v2, v2;
	v47 =	vmul.f32 v47, v47;
	v1 =	vsub.f32 v48, v1;
	v48 =	vld [tilespmem:$0x1FA90]  }
0x36b: {  	v33 =	vld [tilespmem:s29+$0x30];
	v44 =	vmul.f32 v44, v44;
	v5 =	vmul.f32 v5, v5;
	v43 =	vsub.f32 v49, v43  }
0x36c: {  	v1 =	vmul.f32 v1, v1;
	v49 =	vld [tilespmem:$0x1FA70];
	v45 =	vsub.f32 v53, v45;
	v53 =	vadd.f32 v39, v9  }
0x36d: {  	v39 =	vmul.f32 v21, v21;
	v4 =	vmul.f32 v4, v4;
	v35 =	vsub.f32 v0, v35;
	v0 =	vld [tilespmem:s31+$0x0]  }
0x36e: {  	v46 =	vsub.f32 v52, v46;
	v50 =	vmul.f32 v45, v45;
	v52 =	vmul.f32 v43, v43  }
0x36f: {  	v38 =	vsub.f32 v48, v38;
	v43 =	vmul.f32 v34, v34;
	v45 =	vmul.f32 v36, v36  }
0x370: {  	v34 =	vmul.f32 v22, v22;
	v36 =	vmul.f32 v17, v17  }
0x371: {  	v33 =	vsub.f32 v49, v33;
	v49 =	vmul.f32 v38, v38;
	v38 =	vmul.f32 v40, v40  }
0x372: {  	v40 =	vmul.f32 v41, v41;
	v41 =	vmul.f32 v42, v42;
	v0 =	vsub.f32 v51, v0  }
0x373: {  	v33 =	vmul.f32 v33, v33;
	v7 =	vmul.f32 v7, v7  }
0x374: {  	v48 =	vadd.f32 v44, v11;
	v44 =	vmul.f32 v35, v35;
	v0 =	vmul.f32 v0, v0  }
0x375: {  	v47 =	vadd.f32 v47, v10;
	v51 =	vmul.f32 v46, v46;
	v46 =	vmul.f32 v37, v37  }
0x376: {  	v37 =	vmul.f32 v18, v18;
	v0 =	vadd.f32 v0, v8;
	v8 =	vadd.f32 v49, v53  }
0x377: {  	v53 =	vadd.f32 v51, v48;
	v48 =	vmul.f32 v30, v30;
	v51 =	vmul.f32 v32, v32  }
0x378: {  	v30 =	vmul.f32 v27, v27;
	v32 =	vmul.f32 v20, v20;
	v0 =	vadd.f32 v1, v0  }
0x379: {  	v1 =	vadd.f32 v50, v47;
	v3 =	vadd.f32 v3, v8;
	v47 =	vmul.f32 v16, v16  }
0x37a: {  	v8 =	vadd.f32 v33, v53;
	v50 =	vmul.f32 v31, v31;
	v53 =	vmul.f32 v29, v29  }
0x37b: {  	v29 =	vmul.f32 v25, v25;
	v31 =	vmul.f32 v19, v19  }
0x37c: {  	v33 =	vmul.f32 v24, v24;
	v0 =	vadd.f32 v52, v0;
	v1 =	vadd.f32 v2, v1  }
0x37d: {  	v42 =	vadd.f32 v39, v3;
	v8 =	vadd.f32 v41, v8;
	v52 =	vmul.f32 v28, v28  }
0x37e: {  	v28 =	vmul.f32 v26, v26;
	v0 =	vadd.f32 v38, v0;
	v1 =	vadd.f32 v40, v1  }
0x37f: {  	v2 =	vadd.f32 v44, v42;
	v49 =	vadd.f32 v46, v8;
	v38 =	vmul.f32 v15, v15  }
0x380: {  	v42 =	vmul.f32 v13, v13;
	v44 =	vmul.f32 v56, v56;
	v0 =	vadd.f32 v43, v0  }
0x381: {  	v46 =	vmul.f32 v63, v63;
	v1 =	vadd.f32 v45, v1;
	v2 =	vadd.f32 v48, v2  }
0x382: {  	v3 =	vadd.f32 v51, v49;
	v43 =	vmul.f32 v14, v14;
	v0 =	vadd.f32 v47, v0  }
0x383: {  	v35 =	vld [tilespmem:$0x1F6D0];
	v45 =	vmul.f32 v55, v55;
	v1 =	vadd.f32 v50, v1;
	v2 =	vadd.f32 v52, v2  }
0x384: {  	v39 =	vld [tilespmem:$0x1F6E0];
	v48 =	vmul.f32 v23, v23;
	v3 =	vadd.f32 v7, v3;
	v0 =	vadd.f32 v5, v0  }
0x385: {  	v41 =	vld [tilespmem:$0x1F700];
	v49 =	vmul.f32 v54, v54;
	v1 =	vadd.f32 v53, v1;
	v2 =	vadd.f32 v29, v2  }
0x386: {  	v40 =	vld [tilespmem:$0x1F6F0];
	v51 =	vmul.f32 v61, v61;
	v3 =	vadd.f32 v4, v3;
	v0 =	vadd.f32 v28, v0  }
0x387: {  	v54 =	vmul.f32 v59, v59;
	v1 =	vadd.f32 v30, v1;
	v2 =	vadd.f32 v32, v2  }
0x388: {  	v4 =	vmul.f32 v35, v35;
	v3 =	vadd.f32 v34, v3;
	v0 =	vadd.f32 v31, v0  }
0x389: {  	v55 =	vmul.f32 v60, v60;
	v1 =	vadd.f32 v33, v1;
	v2 =	vadd.f32 v6, v2  }
0x38a: {  	v5 =	vmul.f32 v39, v39;
	v3 =	vadd.f32 v37, v3;
	v0 =	vadd.f32 v4, v0  }
0x38b: {  	v53 =	vld [tilespmem:$0x1FC10];
	v6 =	vmul.f32 v41, v41;
	v1 =	vadd.f32 v36, v1;
	v4 =	vmul.f32 v40, v40  }
0x38c: {  	v60 =	vmul.f32 v57, v57;
	v52 =	vld [tilespmem:$0x1FBE0];
	v2 =	vadd.f32 v5, v2;
	v0 =	vadd.f32 v38, v0  }
0x38d: {  	v59 =	vld [tilespmem:$0x1FBB0];
	v61 =	vmul.f32 v58, v58;
	v3 =	vadd.f32 v6, v3;
	v1 =	vadd.f32 v4, v1  }
0x38e: {  	v56 =	vld [tilespmem:$0x1FB80];
	v47 =	vmul.f32 v12, v12;
	v2 =	vadd.f32 v43, v2;
	v0 =	vadd.f32 v42, v0  }
0x38f: {  	v63 =	vld [tilespmem:$0x1FB50];
	v50 =	vmul.f32 v62, v62;
	v3 =	vadd.f32 v45, v3;
	v1 =	vadd.f32 v44, v1  }
0x390: {  	v62 =	vld [tilespmem:$0x1FB20];
	v6 =	vmul.f32 v53, v53;
	v2 =	vadd.f32 v47, v2;
	v0 =	vadd.f32 v46, v0  }
0x391: {  	v4 =	vmul.f32 v52, v52;
	v3 =	vadd.f32 v49, v3;
	v1 =	vadd.f32 v48, v1  }
0x392: {  	v5 =	vmul.f32 v59, v59;
	v2 =	vadd.f32 v51, v2;
	v0 =	vadd.f32 v50, v0  }
.Ltmp4:
0x393: {  	v3 =	vadd.f32 v6, v3;
	v1 =	vadd.f32 v4, v1;
	v4 =	vmul.f32 v56, v56;
	(pc) =	sbr.rel @p0 .LBB2_8-.Ltmp4, $4  }
0x394: {  	v7 =	vmul.f32 v63, v63;
	v2 =	vadd.f32 v55, v2;
	v0 =	vadd.f32 v54, v0  }
0x395: {  	v3 =	vadd.f32 v5, v3;
	v5 =	vmul.f32 v62, v62;
	v1 =	vadd.f32 v4, v1  }
0x396: {  	v19 =	vadd.f32 v61, v2;
	v20 =	vadd.f32 v60, v0  }
0x397: {  	v14 =	vadd.f32 v7, v3;
	v18 =	vadd.f32 v5, v1  }
0x398: {  	s0 =	sadd.s32 $0x3, s26  }
0x399: {  	s1 =	sshll.u32 s0, $0x13  }
0x39a: {  	s1 =	sor.u32 s7, s1  }
.Ltmp5:
0x39b: {  	s1 =	sshrl.u32 s1, $0x3;
	(pc) =	sbr.rel .LBB2_2-.Ltmp5, $4  }
0x39c: {  	s0 =	sshll.u32 s0, $0x5;
	s1 =	sadd.s32 s3, s1  }
0x39d: {  	[tilespmem:s17], [sflag:$0x2] =	stream.strided.gather [hbm4b:s1+s12], $0x4000, s13, s12, $0x38;
	[tilespmem:$0x17C10] =	vst v63  }
0x39e: {  	s25 =	sadd.s32 $0x1, s25;
	s0 =	sadd.s32 s4, s0  }
0x39f: {  	[tilespmem:s18], [sflag:$0x4] =	stream.linear.gather [hbm4b:s0+s2], $0x100, $0x38;
	[tilespmem:$0x17C10] =	vst v63  }
.LBB2_9:
0x3a0: {  	_ =	sfence.sel $0x180000  }
0x3a1: {  	[bflag:$0x0] =	sbarrier.arrive $0xFFFF  }
0x3a2: {  	_ =	strace $0x9000004A  }
0x3a3: {  	s0 =	stileid.u32;
	[bflag:$0x2] =	sbarrier.arrive $0xFFFF  }
0x3a4: {  	p0 =	sne.s32 s0, $0x0;
	s0 =	rddreg [dreg:$0x1]  }
0x3a5: {  	s0 =	sadd.s32 @!p0 $0x100000, s0  }
0x3a6: {  	[sflag:s0] =	ssyncadd.tile.s32 @!p0 $0x1;
	_ =	shalt  }
.Lfunc_end2:
_tile_overlayer_lowered:
.L_overlay_start_2:
0x3a7: {  	(tag) =	ssettag $0x2  }
0x3a8: {  	s0 =	rddreg [dreg:$0x0];
	s2 =	stileid.u32  }
0x3a9: {  	s1 =	rddreg [dreg:$0x1];
	p0 =	sne.s32 s2, $0x0  }
0x3aa: {  	s3 =	rddreg [dreg:$0x2];
	[bflag:$0x3] =	sbarrier.arrive $0xFFFF;
	s2 =	simm.s32 @!p0 $0x1C05  }
0x3ab: {  	[timem:s3], [sflag:s2] =	dma.local @!p0 [hbm:s0], s1  }
0x3ac: {  	s0 =	simm.s32 @!p0 $0x5  }
0x3ad: {  	_ =	swait.ge @!p0 [sflag:s0], s1  }
0x3ae: {  	s1 =	ssub.s32 @!p0 $0x0, s1;
	[sflag:s0] =	ssyncset.done @!p0 $0x0  }
0x3af: {  	[sflag:s0] =	ssyncadd.s32 @!p0 s1  }
0x3b0: {  	[bflag:$0x3] =	sbarrier.arrive $0xFFFF  }
0x3b1: {  	_ =	shalt  }

// kernel: sparse-core-data-format-call.cloned.1.call-start
scs
called_computation_lowered:
.L_overlay_start_0:
0x0: {  	s1 =	sld [smem:$0x3FD9]  }
0x1: {  	s2 =	sld [smem:$0x3FFE];
	_ =	sdelay $0x1  }
0x2: {  	s3 =	srdreg.scid  }
0x3: {  	s0 =	sand.u32 $0x1, s3  }
0x4: {  	s17 =	sshll.u32 s0, $0xA;
	s1 =	sadd.s32 s2, s1  }
0x5: {  	s1 =	sadd.s32 s1, s17  }
0x6: {  	[smem:$0x3FC5] =	sst s1  }
0x7: {  	_ = 	snop  }
0x8: {  	(tm) =	ssettm $0x1  }
0x9: {  	s18 =	sld [smem:$0x3FFB];
	_ =	sdelay $0x3  }
0xa: {  	_ =	strace s18  }
0xb: {  	s1 =	sld [smem:$0x3FFC];
	_ =	sdelay $0x3  }
0xc: {  	_ =	strace s1  }
0xd: {  	s1 =	sld [smem:$0x3FFD];
	_ =	sdelay $0x3  }
0xe: {  	_ =	strace s1  }
0xf: {  	_ =	strace $0x8FFFFFFF  }
0x10: {  	s19 =	sld [smem:$0x3FDB];
	_ =	sdelay $0x1  }
0x11: {  	s20 =	simm.s32 $_scs_section_size  }
0x12: {  	s4 =	simm.s32 $_size__tile_overlayer_lowered;
	s5 =	simm.s32 $_tile_overlayer_lowered  }
0x13: {  	s23 =	simm.s32 $0x1BFF;
	s22 =	sshll.u32 s5, $0x1;
	s1 =	sadd.s32 s20, s19  }
0x14: {  	s6 =	simm.s32 $0x0;
	s21 =	sshll.u32 s4, $0x1;
	s4 =	sadd.s32 s22, s1  }
0x15: {  	[timem:s6], [sflag:s23] =	dma.local [hbm:s4], s21  }
0x16: {  	_ =	swait.ge [sflag:s23], s21  }
0x17: {  	s2 =	ssub.s32 $0x0, s21;
	[sflag:s23] =	ssyncset.done $0x0  }
0x18: {  	[sflag:s23] =	ssyncadd.s32 s2;
	_ =	sdelay $0x1  }
0x19: {  	s24 =	simm.s32 $0x1B8B  }
0x1a: {  	_ =	swait.ge [sflag:s24], $0x1  }
0x1b: {  	[sflag:s24] =	ssyncset.done $0x0  }
0x1c: {  	s26 =	simm.s32 $0x1B8E;
	s25 =	sld [smem:$0x3FFE];
	[sflag:s24] =	ssyncadd.s32 $0xFFFFFFFF  }
0x1d: {  	s27 =	simm.s32 $execute0_lowered;
	[smem:$0x3FD2] =	sst s26  }
0x1e: {  	s4 =	sshll.u32 s27, $0x1;
	_ =	strace $0x80000046;
	[dreg:$0x1] =	wrdreg $0xFFFFFFFF  }
0x1f: {  	s28 =	simm.s32 $_size_execute0_lowered;
	s1 =	sadd.s32 s1, s4;
	[dreg:$0x0] =	wrdreg $0x0  }
0x20: {  	s4 =	sshll.u32 s28, $0x1;
	[dreg:$0x2] =	wrdreg s1  }
0x21: {  	[dreg:$0x3] =	wrdreg s4  }
0x22: {  	[dreg:$0x4] =	wrdreg $0xC0  }
0x23: {  	_ =	task [dreg:s6], $0x5FFFF  }
0x24: {  	[dreg:$0x1] =	wrdreg $0xFFFFFFFF  }
0x25: {  	[dreg:$0x0] =	wrdreg $0x60  }
0x26: {  	[dreg:$0x2] =	wrdreg s25  }
0x27: {  	[dreg:$0x3] =	wrdreg $0x9  }
0x28: {  	_ =	task.clear_ibuf [dreg:s6], $0x4FFFF;
	_ =	strace $0x90000046  }
0x29: {  	s29 =	simm.s32 $0x9;
	_ =	strace $0x80000048  }
0x2a: {  	_ =	swait.ge [sflag:s29], $0x1  }
0x2b: {  	[sflag:s29] =	ssyncadd.s32 $0xFFFFFFFF  }
0x2c: {  	_ =	strace $0x90000048  }
0x2d: {  	_ =	sfence  }
0x2e: {  	s30 =	sld [smem:$0x0];
	_ =	sdelay $0x2  }
0x2f: {  	s31 =	sshll.u32 s3, $0xD;
	s3 =	sshrl.u32 s3, $0x2  }
0x30: {  	s2 =	sand.u32 $0x4000, s31;
	s1 =	sadd.s32 s3, s30  }
0x31: {  	s0 =	sor.u32 s2, s0;
	s1 =	sshll.u32 s1, $0x11  }
0x32: {  	s0 =	sor.u32 s1, s0  }
0x33: {  	s0 =	sadd.s32 $0x8F2B, s0  }
0x34: {  	[sflag:s0] =	ssyncadd.remote.s32 $0x1  }
0x35: {  	_ =	sfence.sel $0xFFFF  }
0x36: {  	[dreg:$0x0] =	wrdreg $0xFFFFFFFF;
	(pc) =	sbr.abs _section_cstart, $3  }
0x37: {  	[dreg:$0x1] =	wrdreg $0xFFFFFFFF  }
0x38: {  	_ =	task.clear_ibuf [dreg:s6], $0x2FFFF;
	_ =	strace $0x9FFFFFFF  }
0x39: {  	(tm) =	ssettm $0x7FFFFFFF  }
tec
execute0_lowered:
.L_overlay_start_1:
0x0: {  	(tag) =	ssettag $0x1  }
0x1: {  	s1 =	rddreg [dreg:$0x0]  }
0x2: {  	s0 =	rddreg [dreg:$0x1]  }
0x3: {  	_ =	strace $0x80000047;
	s4 =	srdreg.scid;
	s6 =	simm.s32 $0x2  }
.Ltmp0:
0x4: {  	p0 =	por $0x0, $0x0;
	s9 =	simm.s32 $0x0;
	(pc) =	sbr.rel .LBB1_1-.Ltmp0, $4  }
0x5: {  	s2 =	sadd.s32 $0xE00, s1;
	s3 =	sadd.s32 $0x180E00, s1;
	s5 =	sshll.u32 s4, $0x4  }
0x6: {  	s1 =	stileid.u32;
	s4 =	simm.s32 $0x1;
	s5 =	sand.u32 $0x10, s5  }
0x7: {  	s7 =	simm.s32 $0x0;
	[sflag:s4] =	ssyncpa.u1 $0x0;
	s5 =	sor.u32 s1, s5  }
0x8: {  	[sflag:s6] =	ssyncpa.u1 $0x0;
	s6 =	simm.s32 $0x0;
	s8 =	smov.u32 s5  }
.LBB1_7:
0x9: {  	s11 =	sadd.s32 $0x20, s8  }
0xa: {  	p1 =	slt.u32 s7, $0x2;
	s7 =	sadd.s32 $0x1, s7;
	p2 =	sgt.s32 s11, $0x2FF  }
0xb: {  	s11 =	smov.u32 @p2 s5;
	p2 =	sne.s32 s7, $0x1A  }
.Ltmp1:
0xc: {  	_ = 	snop;
	(pc) =	sbr.rel @!p2 .LBB1_8-.Ltmp1, $4  }
0xd: {  	s10 =	simm.s32 @!p1 $0x2  }
0xe: {  	_ =	swait.ge @!p1 [sflag:s10], $0x4000  }
0xf: {  	s9 =	smov.u32 s8;
	[sflag:s10] =	ssyncset.done @!p1 $0x0  }
0x10: {  	p0 =	por !p0, !p0;
	s8 =	smov.u32 s11;
	[sflag:s10] =	ssyncadd.s32 @!p1 $0xFFFFC000  }
.LBB1_1:
0x11: {  	p1 =	sgt.u32 s7, $0x17  }
0x12: {  	s10 =	sxor.u32 @!p1 $0xFFFFFFFF, s7  }
0x13: {  	s11 =	sshll.u32 @!p1 s8, $0xB;
	s10 =	sshll.u32 @!p1 s10, $0xE  }
0x14: {  	s12 =	simm.s32 @!p1 $0x0;
	s11 =	sadd.s32 @!p1 s2, s11;
	s10 =	sand.u32 @!p1 $0x4000, s10  }
0x15: {  	[tilespmem:s10], [sflag:$0x1] =	stream.linear.gather @!p1 [hbm4b:s11+s12], $0x4000, $0x38;
	[tilespmem:$0x10000] =	vst v63  }
0x16: {  	p1 =	seq.s32 s7, $0x0  }
0x17: {  	p2 =	seq.s32 @!p1 s7, $0x19  }
0x18: {  	p1 =	por p1, p2  }
.Ltmp2:
0x19: {  	_ = 	snop;
	(pc) =	sbr.rel @p1 .LBB1_7-.Ltmp2, $1  }
0x1a: {  	_ =	sdelay $0x3  }
0x1b: {  	s10 =	simm.s32 $0x1;
	_ =	swait.ge [sflag:s4], $0x4000;
	s12 =	sshll.u32 s7, $0xE  }
0x1c: {  	s13 =	simm.s32 $0x0;
	s10 =	simm.s32 @!p0 $0x0;
	[sflag:s4] =	ssyncset.done $0x0  }
0x1d: {  	s12 =	sand.u32 $0x4000, s12;
	s11 =	sshll.u32 s10, $0xE;
	[sflag:s4] =	ssyncadd.s32 $0xFFFFC000  }
0x1e: {  	s12 =	sor.u32 $0x8000, s12;
	s10 =	sor.u32 $0x8040, s11;
	s11 =	sor.u32 $0x40, s11  }
.LBB1_3:
0x1f: {  	v0 =	vmov s11;
	_ =	sdelay $0x3  }
0x20: {  	s15 =	simm.s32 $0x0  }
0x21: {  	v6 =	vld.idx.msk [tilespmem:v0+s15+$0x30 ss:$0x1], $0xffff  }
0x22: {  	v7 =	vld.idx.msk [tilespmem:v0+s15+$0xFFFFFFC0 ss:$0x1], $0xffff  }
0x23: {  	v5 =	vld.idx.msk [tilespmem:v0+s15+$0xFFFFFFD0 ss:$0x1], $0xffff  }
0x24: {  	v4 =	vld.idx.msk [tilespmem:v0+s15+$0xFFFFFFE0 ss:$0x1], $0xffff  }
0x25: {  	v3 =	vld.idx.msk [tilespmem:v0+s15+$0xFFFFFFF0 ss:$0x1], $0xffff  }
0x26: {  	v1 =	vld.idx.msk [tilespmem:v0+s15+$0x0 ss:$0x1], $0xffff  }
0x27: {  	v2 =	vld.idx.msk [tilespmem:v0+s15+$0x10 ss:$0x1], $0xffff;
	[tilespmem:s10+$0x30] =	vst v6  }
0x28: {  	s14 =	simm.s32 $0x80;
	s16 =	simm.s32 $0x400;
	[tilespmem:s10+$0xFFFFFFC0] =	vst v7;
	v6 =	vld.idx.msk [tilespmem:v0+s15+$0x20 ss:$0x1], $0xffff;
	s15 =	smov.u32 s10  }
.LBB1_4:
0x29: {  	p1 =	sne.s32 s16, $0xE00;
	v7 =	vld.idx.msk [tilespmem:v0+s14+$0x30 ss:$0x1], $0xffff;
	[tilespmem:s15+$0xFFFFFFD0] =	vst v5  }
0x2a: {  	v8 =	vld.idx.msk [tilespmem:v0+s14+$0xFFFFFFC0 ss:$0x1], $0xffff;
	[tilespmem:s15+$0xFFFFFFE0] =	vst v4  }
0x2b: {  	v5 =	vld.idx.msk [tilespmem:v0+s14+$0xFFFFFFD0 ss:$0x1], $0xffff;
	[tilespmem:s15+$0xFFFFFFF0] =	vst v3  }
.Ltmp3:
0x2c: {  	v4 =	vld.idx.msk [tilespmem:v0+s14+$0xFFFFFFE0 ss:$0x1], $0xffff;
	[tilespmem:s15+$0x0] =	vst v1;
	(pc) =	sbr.rel @p1 .LBB1_4-.Ltmp3, $4  }
0x2d: {  	v3 =	vld.idx.msk [tilespmem:v0+s14+$0xFFFFFFF0 ss:$0x1], $0xffff;
	[tilespmem:s15+$0x10] =	vst v2  }
0x2e: {  	v1 =	vld.idx.msk [tilespmem:v0+s14+$0x0 ss:$0x1], $0xffff;
	[tilespmem:s15+$0x20] =	vst v6;
	s15 =	sadd.s32 $0x800, s15  }
0x2f: {  	v2 =	vld.idx.msk [tilespmem:v0+s14+$0x10 ss:$0x1], $0xffff;
	[tilespmem:s15+$0x30] =	vst v7  }
0x30: {  	[tilespmem:s15+$0xFFFFFFC0] =	vst v8;
	v6 =	vld.idx.msk [tilespmem:v0+s14+$0x20 ss:$0x1], $0xffff;
	s14 =	sshra.s32 s16, $0x2;
	s16 =	sadd.s32 $0x200, s16  }
0x31: {  	_ =	sdelay $0x2  }
0x32: {  	[tilespmem:s15+$0xFFFFFFD0] =	vst v5  }
0x33: {  	v56 =	vld.idx.msk [tilespmem:v0+s14+$0x30 ss:$0x1], $0xffff;
	[tilespmem:s15+$0xFFFFFFE0] =	vst v4  }
0x34: {  	v57 =	vld.idx.msk [tilespmem:v0+s14+$0xFFFFFFC0 ss:$0x1], $0xffff;
	[tilespmem:s15+$0xFFFFFFF0] =	vst v3  }
0x35: {  	v58 =	vld.idx.msk [tilespmem:v0+s14+$0xFFFFFFD0 ss:$0x1], $0xffff;
	[tilespmem:s15+$0x0] =	vst v1  }
0x36: {  	v59 =	vld.idx.msk [tilespmem:v0+s14+$0xFFFFFFE0 ss:$0x1], $0xffff;
	[tilespmem:s15+$0x10] =	vst v2  }
0x37: {  	v60 =	vld.idx.msk [tilespmem:v0+s14+$0xFFFFFFF0 ss:$0x1], $0xffff;
	s31 =	sadd.s32 $0x800, s15;
	[tilespmem:s15+$0x20] =	vst v6  }
0x38: {  	v61 =	vld.idx.msk [tilespmem:v0+s14+$0x0 ss:$0x1], $0xffff;
	[tilespmem:s31+$0x30] =	vst v56  }
0x39: {  	v62 =	vld.idx.msk [tilespmem:v0+s14+$0x10 ss:$0x1], $0xffff;
	s13 =	sadd.s32 $0x1, s13;
	[tilespmem:s31+$0xFFFFFFC0] =	vst v57  }
0x3a: {  	v63 =	vld.idx.msk [tilespmem:v0+s14+$0x20 ss:$0x1], $0xffff;
	p1 =	sne.s32 s13, $0x10;
	[tilespmem:s31+$0xFFFFFFD0] =	vst v58  }
.Ltmp4:
0x3b: {  	[tilespmem:s31+$0xFFFFFFE0] =	vst v59;
	(pc) =	sbr.rel @p1 .LBB1_3-.Ltmp4, $4  }
0x3c: {  	[tilespmem:s31+$0xFFFFFFF0] =	vst v60  }
0x3d: {  	[tilespmem:s31+$0x0] =	vst v61  }
0x3e: {  	[tilespmem:s31+$0x10] =	vst v62  }
0x3f: {  	s10 =	sadd.s32 $0x80, s10;
	s11 =	sadd.s32 $0x400, s11;
	[tilespmem:s31+$0x20] =	vst v63  }
.Ltmp5:
0x40: {  	(pc) =	sbr.rel .LBB1_7-.Ltmp5, $4  }
0x41: {  	_ = 	snop  }
0x42: {  	s9 =	sshll.u32 s9, $0xB  }
0x43: {  	s9 =	sadd.s32 s3, s9  }
0x44: {  	[hbm4b:s9+s6] =	stream.linear.scatter [tilespmem:s12], [sflag:$0x2], $0x4000, $0x38;
	[tilespmem:$0x10000] =	vst v63  }
.LBB1_8:
0x45: {  	_ =	sfence.sel $0x180000  }
0x46: {  	s2 =	simm.s32 $0x1;
	[bflag:$0x0] =	sbarrier.arrive $0xFFFF  }
0x47: {  	s31 =	simm.s32 $0x2;
	[sflag:s2] =	ssyncpa.u1 $0x1  }
0x48: {  	[sflag:s31] =	ssyncpa.u1 $0x1  }
0x49: {  	p0 =	sne.s32 s1, $0x0;
	_ =	strace $0x90000047  }
0x4a: {  	s0 =	sadd.s32 @!p0 $0x100000, s0;
	[bflag:$0x2] =	sbarrier.arrive $0xFFFF  }
0x4b: {  	[sflag:s0] =	ssyncadd.tile.s32 @!p0 $0x1;
	_ =	shalt  }
.Lfunc_end1:
_tile_overlayer_lowered:
.L_overlay_start_2:
0x4c: {  	(tag) =	ssettag $0x2  }
0x4d: {  	s0 =	rddreg [dreg:$0x0];
	s2 =	stileid.u32  }
0x4e: {  	s1 =	rddreg [dreg:$0x1];
	p0 =	sne.s32 s2, $0x0  }
0x4f: {  	s3 =	rddreg [dreg:$0x2];
	[bflag:$0x3] =	sbarrier.arrive $0xFFFF;
	s2 =	simm.s32 @!p0 $0x1C01  }
0x50: {  	[timem:s3], [sflag:s2] =	dma.local @!p0 [hbm:s0], s1  }
0x51: {  	s0 =	simm.s32 @!p0 $0x1  }
0x52: {  	_ =	swait.ge @!p0 [sflag:s0], s1  }
0x53: {  	s1 =	ssub.s32 @!p0 $0x0, s1;
	[sflag:s0] =	ssyncset.done @!p0 $0x0  }
0x54: {  	[sflag:s0] =	ssyncadd.s32 @!p0 s1  }
0x55: {  	[bflag:$0x3] =	sbarrier.arrive $0xFFFF  }
0x56: {  	_ =	shalt  }

</sc_bundles>
